<compile_context>
chip_gen: v7x
topology: tpu7x:2x2x1
jax: 0.10.2.dev20260603
libtpu: 0.0.44.dev20260713+nightly
codegen_flags: <defaults>
</compile_context>

<pallas_src>
import functools

import jax
import jax.numpy as jnp
from jax import lax
from jax.experimental import pallas as pl
from jax.experimental.pallas import tpu as pltpu
from jax.experimental.pallas import tpu_sc as plsc

NU = 5000
NI = 5000
NN = NU + NI
D = 128
NACC = 10112
RPT = NACC // 16
E2 = 320000
CHUNK = 128
NCH = 160
SCH = 16
EPAD = 16 * CHUNK * NCH
EPW_DEG = EPAD // 32

_mesh = plsc.VectorSubcoreMesh(core_axis_name="c", subcore_axis_name="s")



def _deg_body(dst_hbm, out_hbm, idx_v, deg_v, sem):
    cid = lax.axis_index("c")
    sid = lax.axis_index("s")

    zeros16 = jnp.zeros((16,), jnp.float32)

    def zero_body(i, _):
        deg_v[pl.ds(i * 16, 16)] = zeros16
        return ()
    lax.fori_loop(0, NACC // 16, zero_body, ())

    pltpu.sync_copy(dst_hbm.at[cid, sid], idx_v)

    ones16 = jnp.ones((16,), jnp.float32)

    def body(k, _):
        idx16 = idx_v[pl.ds(k * 16, 16)]
        plsc.addupdate_scatter(deg_v, [idx16], ones16)
        return ()
    lax.fori_loop(0, EPW_DEG // 16, body, ())

    pltpu.sync_copy(deg_v, out_hbm.at[cid, sid])


_deg_kernel = functools.partial(
    pl.kernel,
    out_type=jax.ShapeDtypeStruct((2, 16, NACC), jnp.float32),
    mesh=_mesh,
    compiler_params=pltpu.CompilerParams(needs_layout_passes=False),
    scratch_types=[
        pltpu.VMEM((EPW_DEG,), jnp.int32),
        pltpu.VMEM((NACC,), jnp.float32),
        pltpu.SemaphoreType.DMA,
    ],
)(_deg_body)



def _spmm_body(y_hbm, src_hbm, dst_hbm, out_hbm, srcv, srcv2, dstv,
               rows0, rows1, acc_sh, sem0, sem1):
    cid = lax.axis_index("c")
    sid = lax.axis_index("s")

    @pl.when(cid == 0)
    def _():
        zeros16 = jnp.zeros((16,), jnp.float32)

        def zero_body(k, _):
            r = k // (D // 16)
            c = k % (D // 16)
            rows0[r, pl.ds(c * 16, 16)] = zeros16
            return ()
        lax.fori_loop(0, CHUNK * (D // 16), zero_body, ())

        def zcopy(b, _):
            pltpu.sync_copy(rows0,
                            acc_sh.at[pl.ds(sid * RPT + b * CHUNK, CHUNK)])
            return ()
        lax.fori_loop(0, RPT // CHUNK, zcopy, ())
        pltpu.sync_copy(rows0.at[pl.ds(0, RPT % CHUNK)],
                        acc_sh.at[pl.ds(sid * RPT + (RPT // CHUNK) * CHUNK,
                                        RPT % CHUNK)])

    plsc.subcore_barrier()

    @pl.when(cid == 0)
    def _():
        npair = NCH // (2 * SCH)

        def wait_scatter(buf, sem, dk):
            pltpu.make_async_copy(y_hbm.at[srcv.at[0]], buf, sem).wait()
            pltpu.sync_copy(buf, acc_sh.at[dstv.at[dk]], add=True)

        def run_stage(sv, base):
            pltpu.sync_copy(dst_hbm.at[sid, pl.ds(base, SCH)], dstv)

            def body(g, _):
                k = 2 * g
                wait_scatter(rows0, sem0, k)
                pltpu.async_copy(y_hbm.at[sv.at[k + 2]], rows0, sem0)
                wait_scatter(rows1, sem1, k + 1)
                pltpu.async_copy(y_hbm.at[sv.at[k + 3]], rows1, sem1)
                return ()
            lax.fori_loop(0, SCH // 2 - 1, body, ())

        pltpu.sync_copy(src_hbm.at[sid, pl.ds(0, SCH)], srcv)
        pltpu.async_copy(y_hbm.at[srcv.at[0]], rows0, sem0)
        pltpu.async_copy(y_hbm.at[srcv.at[1]], rows1, sem1)

        def pair_body(p, _):
            base0 = 2 * p * SCH
            base1 = base0 + SCH
            pltpu.sync_copy(src_hbm.at[sid, pl.ds(base1, SCH)], srcv2)
            run_stage(srcv, base0)
            wait_scatter(rows0, sem0, SCH - 2)
            pltpu.async_copy(y_hbm.at[srcv2.at[0]], rows0, sem0)
            wait_scatter(rows1, sem1, SCH - 1)
            pltpu.async_copy(y_hbm.at[srcv2.at[1]], rows1, sem1)

            @pl.when(p + 1 < npair)
            def _():
                pltpu.sync_copy(src_hbm.at[sid, pl.ds(base1 + SCH, SCH)],
                                srcv)
            run_stage(srcv2, base1)
            wait_scatter(rows0, sem0, SCH - 2)

            @pl.when(p + 1 < npair)
            def _():
                pltpu.async_copy(y_hbm.at[srcv.at[0]], rows0, sem0)
            wait_scatter(rows1, sem1, SCH - 1)

            @pl.when(p + 1 < npair)
            def _():
                pltpu.async_copy(y_hbm.at[srcv.at[1]], rows1, sem1)
            return ()
        lax.fori_loop(0, npair, pair_body, ())

    plsc.subcore_barrier()

    @pl.when(cid == 0)
    def _():
        pltpu.sync_copy(acc_sh.at[pl.ds(sid * RPT, RPT)],
                        out_hbm.at[pl.ds(sid * RPT, RPT)])


_spmm_kernel = functools.partial(
    pl.kernel,
    out_type=jax.ShapeDtypeStruct((NACC, D), jnp.float32),
    mesh=_mesh,
    scratch_types=[
        pltpu.VMEM((SCH, CHUNK), jnp.int32),
        pltpu.VMEM((SCH, CHUNK), jnp.int32),
        pltpu.VMEM((SCH, CHUNK), jnp.int32),
        pltpu.VMEM((CHUNK, D), jnp.float32),
        pltpu.VMEM((CHUNK, D), jnp.float32),
        pltpu.VMEM_SHARED((NACC, D), jnp.float32),
        pltpu.SemaphoreType.DMA,
        pltpu.SemaphoreType.DMA,
    ],
)(_spmm_body)



BLK = 1000


def _tc_layer_body(x_ref, a_ref, db_ref, wu_ref, wi_ref,
                   msg_ref, int_ref, xn_ref, yn_ref):
    i = pl.program_id(0)
    x = x_ref[...]
    db = db_ref[...]
    msg = a_ref[...] * db
    w = jnp.where(i < NU // BLK, wu_ref[...], wi_ref[...])
    logits = jnp.dot(x, w, preferred_element_type=jnp.float32)
    m = jnp.max(logits, axis=1, keepdims=True)
    e = jnp.exp(logits - m)
    p = e / jnp.sum(e, axis=1, keepdims=True)
    itl = lax.dot_general(p, w, (((1,), (1,)), ((), ())),
                          preferred_element_type=jnp.float32)
    msg_ref[...] = msg
    int_ref[...] = itl
    xn = msg + itl + x
    xn_ref[...] = xn
    yn_ref[...] = xn * db


def _tc_layer(x, a, disb, wu, wi):
    grid = (NN // BLK,)
    row_spec = pl.BlockSpec((BLK, D), lambda i: (i, 0))
    w_spec = pl.BlockSpec((D, D), lambda i: (0, 0))
    out_sds = jax.ShapeDtypeStruct((NN, D), jnp.float32)
    return pl.pallas_call(
        _tc_layer_body,
        grid=grid,
        in_specs=[row_spec, row_spec, row_spec, w_spec, w_spec],
        out_specs=[row_spec, row_spec, row_spec, row_spec],
        out_shape=[out_sds, out_sds, out_sds, out_sds],
    )(x, a, disb, wu, wi)



def kernel(user_emb, item_emb, edge_index, user_intent, item_intent):
    h = edge_index[0].astype(jnp.int32)
    t = edge_index[1].astype(jnp.int32) + NU
    npad = EPAD - E2
    src = jnp.concatenate([t, h, jnp.zeros((npad,), jnp.int32)])
    dst = jnp.concatenate([h, t, jnp.full((npad,), NN, jnp.int32)])
    src3 = src.reshape(16, NCH, CHUNK)
    dst3 = dst.reshape(16, NCH, CHUNK)
    dstdeg = dst.reshape(2, 16, EPW_DEG)

    degp = _deg_kernel(dstdeg)
    deg = jnp.sum(degp, axis=(0, 1))[:NN]
    dis = jnp.where(deg > 0, lax.rsqrt(jnp.maximum(deg, 1.0)), 0.0)
    disb = jnp.broadcast_to(dis[:, None], (NN, D))

    e0 = jnp.concatenate([user_emb, item_emb], axis=0)
    y0 = e0 * disb

    acc0 = _spmm_kernel(y0, src3, dst3)
    msg0, int0, e1, y1 = _tc_layer(e0, acc0[:NN], disb, user_intent,
                                   item_intent)

    acc1 = _spmm_kernel(y1, src3, dst3)
    msg1, int1, e2, _ = _tc_layer(e1, acc1[:NN], disb, user_intent,
                                  item_intent)

    final = e0 + e1 + e2
    return (final[:NU], final[NU:],
            jnp.stack([msg0, msg1], axis=0),
            jnp.stack([int0, int1], axis=0))

# --- scband reference (transcript-rebuilt; emitter-appended) ---
"""Pipeline reference for scband-tahin-52458730553630 (READ-ONLY COPY).

The authoritative reference and input builder live on the scoring server;
editing this copy changes nothing except your own understanding.
"""

import jax, jax.numpy as jnp
import numpy as np

N_USERS = 5000
N_ITEMS = 5000
N_NODES = N_USERS + N_ITEMS
EMB_DIM = 128
N_INTENTS = 128
N_LAYERS = 2
N_BASE_EDGES = 160000


def setup_inputs(seed: int = 0):
    key = jax.random.key(seed)
    k1, k2, k3, k4, k5 = jax.random.split(key, 5)
    user_emb = jax.random.normal(k1, (N_USERS, EMB_DIM), dtype=jnp.float32)
    item_emb = jax.random.normal(k2, (N_ITEMS, EMB_DIM), dtype=jnp.float32)
    # base user->item edges; row in [0, n_users), col in [0, n_items) (offset added in reference)
    edge_index = jax.random.randint(k3, (2, N_BASE_EDGES), 0, 5000, dtype=jnp.int32)
    xavier_std = float(np.sqrt(2.0 / (EMB_DIM + N_INTENTS)))
    user_intent = jax.random.normal(k4, (EMB_DIM, N_INTENTS), dtype=jnp.float32) * xavier_std
    item_intent = jax.random.normal(k5, (EMB_DIM, N_INTENTS), dtype=jnp.float32) * xavier_std
    return {"user_emb": user_emb, "item_emb": item_emb, "edge_index": edge_index,
            "user_intent": user_intent, "item_intent": item_intent}


def reference(user_emb, item_emb, edge_index, user_intent, item_intent):
    # Symmetrize bipartite adjacency: ui_adj = A + A^T  (DCCF.__init__)
    h_ui = edge_index[0].astype(jnp.int32)
    t_ui = edge_index[1].astype(jnp.int32) + N_USERS
    all_h = jnp.concatenate([h_ui, t_ui])
    all_t = jnp.concatenate([t_ui, h_ui])
    # Symmetric normalization: G = D^-1/2 A D^-1/2  (_cal_sparse_adj)
    deg = jnp.zeros((N_NODES,), dtype=jnp.float32).at[all_h].add(1.0)
    d_inv_sqrt = jnp.where(deg > 0, jnp.power(jnp.maximum(deg, 1.0), -0.5), 0.0)
    g_values = d_inv_sqrt[all_h] * d_inv_sqrt[all_t]

    all_embeddings = [jnp.concatenate([user_emb, item_emb], axis=0)]
    gnn_embeddings = []
    int_embeddings = []
    for i in range(N_LAYERS):
        # spmm: scatter-add of gathered source embeddings weighted by g_values
        msg = jax.ops.segment_sum(g_values[:, None] * all_embeddings[i][all_t], all_h,
                                  num_segments=N_NODES)
        u_embeddings = all_embeddings[i][:N_USERS]
        i_embeddings = all_embeddings[i][N_USERS:]
        u_int = jax.nn.softmax(u_embeddings @ user_intent, axis=1) @ user_intent.T
        i_int = jax.nn.softmax(i_embeddings @ item_intent, axis=1) @ item_intent.T
        int_layer = jnp.concatenate([u_int, i_int], axis=0)
        gnn_embeddings.append(msg)
        int_embeddings.append(int_layer)
        all_embeddings.append(msg + int_layer + all_embeddings[i])

    stacked = jnp.stack(all_embeddings, axis=1)
    final = jnp.sum(stacked, axis=1)
    ua_embedding = final[:N_USERS]
    ia_embedding = final[N_USERS:]
    return (ua_embedding, ia_embedding, jnp.stack(gnn_embeddings, axis=0),
            jnp.stack(int_embeddings, axis=0))


if False:  # reference __main__ guard neutralized (emitter)
    out = reference(**setup_inputs())
    for o in out:
        print(o.shape)

if __name__ == "__main__":
    import jax
    _d = setup_inputs()
    print(jax.jit(kernel)(*tuple(_d.values())))

</pallas_src>

<mosaic_0001>
#map = affine_map<(d0, d1) -> (0, 0, 0)>
module attributes {stable_mosaic.version = 14 : i64} {
  func.func @_deg_body(%arg0: i32, %arg1: i32, %arg2: memref<2x16x10240xi32, #tpu.memory_space<hbm>>, %arg3: memref<2x16x10112xf32, #tpu.memory_space<hbm>>, %arg4: memref<10240xi32, #tpu.memory_space<vmem>>, %arg5: memref<10112xf32, #tpu.memory_space<vmem>>, %arg6: memref<!tpu.dma_semaphore, #tpu.memory_space<semaphore_mem>>) attributes {dimension_semantics = [#tpu.dimension_semantics<core_parallel>, #tpu.dimension_semantics<subcore_parallel>], iteration_bounds = array<i64: 2, 16>, scalar_prefetch = 0 : i64, scratch_operands = 3 : i64, tpu.core_type = #tpu.core_type<sc_vector_subcore>, window_params = [{transform_indices = #map}, {transform_indices = #map}]} {
    %broadcast_in_dim3A = arith.constant 0.000000e+00 : f32
    %broadcast_in_dim3A_0 = vector.broadcast %broadcast_in_dim3A : f32 to vector<16xf32>
    %scan3A = arith.constant 0 : i32
    %scan3A_1 = arith.constant 632 : i32
    %scan3A_2 = arith.addi %scan3A, %scan3A_1 : i32
    %scan3A_3 = arith.constant 1 : i32
    scf.for %scan3A_12 = %scan3A to %scan3A_2 step %scan3A_3  : i32 {
      %mul3A = arith.constant 16 : i32
      %mul3A_13 = arith.muli %scan3A_12, %mul3A : i32
      %swap3A = arith.index_cast %mul3A_13 : i32 to index
      %swap3A_14 = tpu.vector_load %arg5[%swap3A] {strides = array<i32>} : memref<10112xf32, #tpu.memory_space<vmem>>, vector<16xf32>,
      tpu.vector_store %arg5[%swap3A], %broadcast_in_dim3A_0 {strides = array<i32>} : memref<10112xf32, #tpu.memory_space<vmem>>, vector<16xf32>,
    }
    %scan3A_4 = arith.constant 632 : i32
    "tpu.region"() ({
      %run_scoped3A = tpu.sem_alloc : memref<!tpu.dma_semaphore, #tpu.memory_space<semaphore_mem>>
      %dma_start3A = arith.constant 0 : i32
      %dma_start3A_12 = tpu.memref_slice %arg2[%arg0, %arg1, %dma_start3A] : memref<2x16x10240xi32, #tpu.memory_space<hbm>> -> memref<1x1x10240xi32, #tpu.memory_space<hbm>>
      %dma_start3A_13 = tpu.memref_squeeze %dma_start3A_12 : memref<1x1x10240xi32, #tpu.memory_space<hbm>> -> memref<10240xi32, #tpu.memory_space<hbm>>
      %dma_start3A_14 = arith.constant 0 : i32
      %dma_start3A_15 = tpu.memref_slice %arg2[%arg0, %arg1, %dma_start3A_14] : memref<2x16x10240xi32, #tpu.memory_space<hbm>> -> memref<1x1x10240xi32, #tpu.memory_space<hbm>>
      %dma_start3A_16 = tpu.memref_squeeze %dma_start3A_15 : memref<1x1x10240xi32, #tpu.memory_space<hbm>> -> memref<10240xi32, #tpu.memory_space<hbm>>
      tpu.enqueue_dma source(%dma_start3A_16 : memref<10240xi32, #tpu.memory_space<hbm>>) target(%arg4 : memref<10240xi32, #tpu.memory_space<vmem>>) target_semaphore(%run_scoped3A : memref<!tpu.dma_semaphore, #tpu.memory_space<semaphore_mem>>)
      %dma_wait3A = arith.constant 0 : i32
      %dma_wait3A_17 = tpu.memref_slice %arg2[%arg0, %arg1, %dma_wait3A] : memref<2x16x10240xi32, #tpu.memory_space<hbm>> -> memref<1x1x10240xi32, #tpu.memory_space<hbm>>
      %dma_wait3A_18 = tpu.memref_squeeze %dma_wait3A_17 : memref<1x1x10240xi32, #tpu.memory_space<hbm>> -> memref<10240xi32, #tpu.memory_space<hbm>>
      %dma_wait3A_19 = arith.constant 0 : i32
      %dma_wait3A_20 = tpu.memref_slice %arg2[%arg0, %arg1, %dma_wait3A_19] : memref<2x16x10240xi32, #tpu.memory_space<hbm>> -> memref<1x1x10240xi32, #tpu.memory_space<hbm>>
      %dma_wait3A_21 = tpu.memref_squeeze %dma_wait3A_20 : memref<1x1x10240xi32, #tpu.memory_space<hbm>> -> memref<10240xi32, #tpu.memory_space<hbm>>
      tpu.wait_dma2 semaphore(%run_scoped3A : memref<!tpu.dma_semaphore, #tpu.memory_space<semaphore_mem>>) src(%dma_wait3A_21 : memref<10240xi32, #tpu.memory_space<hbm>>) dst(%arg4 : memref<10240xi32, #tpu.memory_space<vmem>>)
      tpu.yield
    }) : () -> ()
    %broadcast_in_dim3A_5 = arith.constant 1.000000e+00 : f32
    %broadcast_in_dim3A_6 = vector.broadcast %broadcast_in_dim3A_5 : f32 to vector<16xf32>
    %scan3A_7 = arith.constant 0 : i32
    %scan3A_8 = arith.constant 640 : i32
    %scan3A_9 = arith.addi %scan3A_7, %scan3A_8 : i32
    %scan3A_10 = arith.constant 1 : i32
    scf.for %scan3A_12 = %scan3A_7 to %scan3A_9 step %scan3A_10  : i32 {
      %mul3A = arith.constant 16 : i32
      %mul3A_13 = arith.muli %scan3A_12, %mul3A : i32
      %get3A = arith.index_cast %mul3A_13 : i32 to index
      %get3A_14 = tpu.vector_load %arg4[%get3A] {strides = array<i32>} : memref<10240xi32, #tpu.memory_space<vmem>>, vector<16xi32>,
      tpu.vector_store_idx %arg5[%get3A_14], %broadcast_in_dim3A_6 {add = true} : memref<10112xf32, #tpu.memory_space<vmem>>[vector<16xi32>], vector<16xf32>,
    }
    %scan3A_11 = arith.constant 640 : i32
    "tpu.region"() ({
      %run_scoped3A = tpu.sem_alloc : memref<!tpu.dma_semaphore, #tpu.memory_space<semaphore_mem>>
      %dma_start3A = arith.constant 0 : i32
      %dma_start3A_12 = tpu.memref_slice %arg3[%arg0, %arg1, %dma_start3A] : memref<2x16x10112xf32, #tpu.memory_space<hbm>> -> memref<1x1x10112xf32, #tpu.memory_space<hbm>>
      %dma_start3A_13 = tpu.memref_squeeze %dma_start3A_12 : memref<1x1x10112xf32, #tpu.memory_space<hbm>> -> memref<10112xf32, #tpu.memory_space<hbm>>
      %dma_start3A_14 = arith.constant 0 : i32
      %dma_start3A_15 = tpu.memref_slice %arg3[%arg0, %arg1, %dma_start3A_14] : memref<2x16x10112xf32, #tpu.memory_space<hbm>> -> memref<1x1x10112xf32, #tpu.memory_space<hbm>>
      %dma_start3A_16 = tpu.memref_squeeze %dma_start3A_15 : memref<1x1x10112xf32, #tpu.memory_space<hbm>> -> memref<10112xf32, #tpu.memory_space<hbm>>
      tpu.enqueue_dma source(%arg5 : memref<10112xf32, #tpu.memory_space<vmem>>) target(%dma_start3A_16 : memref<10112xf32, #tpu.memory_space<hbm>>) target_semaphore(%run_scoped3A : memref<!tpu.dma_semaphore, #tpu.memory_space<semaphore_mem>>)
      %dma_wait3A = arith.constant 0 : i32
      %dma_wait3A_17 = tpu.memref_slice %arg3[%arg0, %arg1, %dma_wait3A] : memref<2x16x10112xf32, #tpu.memory_space<hbm>> -> memref<1x1x10112xf32, #tpu.memory_space<hbm>>
      %dma_wait3A_18 = tpu.memref_squeeze %dma_wait3A_17 : memref<1x1x10112xf32, #tpu.memory_space<hbm>> -> memref<10112xf32, #tpu.memory_space<hbm>>
      %dma_wait3A_19 = arith.constant 0 : i32
      %dma_wait3A_20 = tpu.memref_slice %arg3[%arg0, %arg1, %dma_wait3A_19] : memref<2x16x10112xf32, #tpu.memory_space<hbm>> -> memref<1x1x10112xf32, #tpu.memory_space<hbm>>
      %dma_wait3A_21 = tpu.memref_squeeze %dma_wait3A_20 : memref<1x1x10112xf32, #tpu.memory_space<hbm>> -> memref<10112xf32, #tpu.memory_space<hbm>>
      tpu.wait_dma2 semaphore(%run_scoped3A : memref<!tpu.dma_semaphore, #tpu.memory_space<semaphore_mem>>) src(%arg5 : memref<10112xf32, #tpu.memory_space<vmem>>) dst(%dma_wait3A_21 : memref<10112xf32, #tpu.memory_space<hbm>>)
      tpu.yield
    }) : () -> ()
    return
  }
}

#map = affine_map<(d0, d1) -> (0, 0)>
#map1 = affine_map<(d0, d1) -> (0, 0, 0)>
module attributes {stable_mosaic.version = 14 : i64} {
  func.func @_spmm_body(%arg0: i32, %arg1: i32, %arg2: memref<10000x128xf32, #tpu.memory_space<hbm>>, %arg3: memref<16x160x128xi32, #tpu.memory_space<hbm>>, %arg4: memref<16x160x128xi32, #tpu.memory_space<hbm>>, %arg5: memref<10112x128xf32, #tpu.memory_space<hbm>>, %arg6: memref<16x128xi32, #tpu.memory_space<vmem>>, %arg7: memref<16x128xi32, #tpu.memory_space<vmem>>, %arg8: memref<16x128xi32, #tpu.memory_space<vmem>>, %arg9: memref<128x128xf32, #tpu.memory_space<vmem>>, %arg10: memref<128x128xf32, #tpu.memory_space<vmem>>, %arg11: memref<10112x128xf32, #tpu.memory_space<vmem_shared>>, %arg12: memref<!tpu.dma_semaphore, #tpu.memory_space<semaphore_mem>>, %arg13: memref<!tpu.dma_semaphore, #tpu.memory_space<semaphore_mem>>) attributes {dimension_semantics = [#tpu.dimension_semantics<core_parallel>, #tpu.dimension_semantics<subcore_parallel>], iteration_bounds = array<i64: 2, 16>, scalar_prefetch = 0 : i64, scratch_operands = 8 : i64, tpu.core_type = #tpu.core_type<sc_vector_subcore>, window_params = [{transform_indices = #map}, {transform_indices = #map1}, {transform_indices = #map1}, {transform_indices = #map}]} {
    %eq3A = arith.constant 0 : i32
    %eq3A_0 = arith.cmpi eq, %arg0, %eq3A : i32
    %convert_element_type3A = arith.extui %eq3A_0 : i1 to i32
    %cond3A = arith.constant 0 : i32
    %cond3A_1 = arith.cmpi ne, %convert_element_type3A, %cond3A : i32
    scf.if %cond3A_1 {
      %broadcast_in_dim3A = arith.constant 0.000000e+00 : f32
      %broadcast_in_dim3A_13 = vector.broadcast %broadcast_in_dim3A : f32 to vector<16xf32>
      %scan3A = arith.constant 0 : i32
      %scan3A_14 = arith.constant 1024 : i32
      %scan3A_15 = arith.addi %scan3A, %scan3A_14 : i32
      %scan3A_16 = arith.constant 1 : i32
      scf.for %scan3A_25 = %scan3A to %scan3A_15 step %scan3A_16  : i32 {
        %jit3A = arith.constant 8 : i32
        %div3A = arith.divsi %scan3A_25, %jit3A : i32
        %sign3A = arith.constant 0 : i32
        %sign3A_26 = arith.cmpi sgt, %scan3A_25, %sign3A : i32
        %sign3A_27 = arith.extui %sign3A_26 : i1 to i32
        %sign3A_28 = arith.constant 0 : i32
        %sign3A_29 = arith.cmpi slt, %scan3A_25, %sign3A_28 : i32
        %sign3A_30 = arith.extui %sign3A_29 : i1 to i32
        %sign3A_31 = arith.subi %sign3A_27, %sign3A_30 : i32
        %sign3A_32 = arith.constant 0 : i32
        %sign3A_33 = arith.cmpi sgt, %jit3A, %sign3A_32 : i32
        %sign3A_34 = arith.extui %sign3A_33 : i1 to i32
        %sign3A_35 = arith.constant 0 : i32
        %sign3A_36 = arith.cmpi slt, %jit3A, %sign3A_35 : i32
        %sign3A_37 = arith.extui %sign3A_36 : i1 to i32
        %sign3A_38 = arith.subi %sign3A_34, %sign3A_37 : i32
        %ne3A = arith.cmpi ne, %sign3A_31, %sign3A_38 : i32
        %rem3A = arith.remsi %scan3A_25, %jit3A : i32
        %ne3A_39 = arith.constant 0 : i32
        %ne3A_40 = arith.cmpi ne, %rem3A, %ne3A_39 : i32
        %and3A = arith.andi %ne3A, %ne3A_40 : i1
        %sub3A = arith.constant 1 : i32
        %sub3A_41 = arith.subi %div3A, %sub3A : i32
        %select_n3A = arith.select %and3A, %sub3A_41, %div3A : i32
        %jit3A_42 = arith.constant 8 : i32
        %eq3A_43 = arith.constant 0 : i32
        %eq3A_44 = arith.cmpi eq, %jit3A_42, %eq3A_43 : i32
        %jit3A_45 = arith.constant 1 : i32
        %select_n3A_46 = arith.select %eq3A_44, %jit3A_45, %jit3A_42 : i32
        %rem3A_47 = arith.remsi %scan3A_25, %select_n3A_46 : i32
        %ne3A_48 = arith.constant 0 : i32
        %ne3A_49 = arith.cmpi ne, %rem3A_47, %ne3A_48 : i32
        %lt3A = arith.constant 0 : i32
        %lt3A_50 = arith.cmpi slt, %rem3A_47, %lt3A : i32
        %lt3A_51 = arith.constant 0 : i32
        %lt3A_52 = arith.cmpi slt, %select_n3A_46, %lt3A_51 : i32
        %ne3A_53 = arith.xori %lt3A_50, %lt3A_52 : i1
        %and3A_54 = arith.andi %ne3A_53, %ne3A_49 : i1
        %add3A_55 = arith.addi %rem3A_47, %select_n3A_46 : i32
        %select_n3A_56 = arith.select %and3A_54, %add3A_55, %rem3A_47 : i32
        %mul3A_57 = arith.constant 16 : i32
        %mul3A_58 = arith.muli %select_n3A_56, %mul3A_57 : i32
        %swap3A = arith.index_cast %select_n3A : i32 to index
        %swap3A_59 = arith.index_cast %mul3A_58 : i32 to index
        %swap3A_60 = tpu.vector_load %arg9[%swap3A, %swap3A_59] {strides = array<i32>} : memref<128x128xf32, #tpu.memory_space<vmem>>, vector<1x16xf32>,
        %swap3A_61 = vector.shape_cast %swap3A_60 : vector<1x16xf32> to vector<16xf32>
        %swap3A_62 = vector.shape_cast %broadcast_in_dim3A_13 : vector<16xf32> to vector<1x16xf32>
        tpu.vector_store %arg9[%swap3A, %swap3A_59], %swap3A_62 {strides = array<i32>} : memref<128x128xf32, #tpu.memory_space<vmem>>, vector<1x16xf32>,
      }
      %scan3A_17 = arith.constant 1024 : i32
      %scan3A_18 = arith.constant 0 : i32
      %scan3A_19 = arith.constant 4 : i32
      %scan3A_20 = arith.addi %scan3A_18, %scan3A_19 : i32
      %scan3A_21 = arith.constant 1 : i32
      scf.for %scan3A_25 = %scan3A_18 to %scan3A_20 step %scan3A_21  : i32 {
        %mul3A_26 = arith.constant 632 : i32
        %mul3A_27 = arith.muli %arg1, %mul3A_26 : i32
        %mul3A_28 = arith.constant 128 : i32
        %mul3A_29 = arith.muli %scan3A_25, %mul3A_28 : i32
        %add3A_30 = arith.addi %mul3A_27, %mul3A_29 : i32
        "tpu.region"() ({
          %run_scoped3A = tpu.sem_alloc : memref<!tpu.dma_semaphore, #tpu.memory_space<semaphore_mem>>
          %dma_start3A = arith.constant 0 : i32
          %dma_start3A_31 = tpu.memref_slice %arg11[%add3A_30, %dma_start3A] : memref<10112x128xf32, #tpu.memory_space<vmem_shared>> -> memref<128x128xf32, #tpu.memory_space<vmem_shared>>
          %dma_start3A_32 = arith.constant 0 : i32
          %dma_start3A_33 = tpu.memref_slice %arg11[%add3A_30, %dma_start3A_32] : memref<10112x128xf32, #tpu.memory_space<vmem_shared>> -> memref<128x128xf32, #tpu.memory_space<vmem_shared>>
          tpu.enqueue_dma source(%arg9 : memref<128x128xf32, #tpu.memory_space<vmem>>) target(%dma_start3A_33 : memref<128x128xf32, #tpu.memory_space<vmem_shared>>) target_semaphore(%run_scoped3A : memref<!tpu.dma_semaphore, #tpu.memory_space<semaphore_mem>>)
          %dma_wait3A = arith.constant 0 : i32
          %dma_wait3A_34 = tpu.memref_slice %arg11[%add3A_30, %dma_wait3A] : memref<10112x128xf32, #tpu.memory_space<vmem_shared>> -> memref<128x128xf32, #tpu.memory_space<vmem_shared>>
          %dma_wait3A_35 = arith.constant 0 : i32
          %dma_wait3A_36 = tpu.memref_slice %arg11[%add3A_30, %dma_wait3A_35] : memref<10112x128xf32, #tpu.memory_space<vmem_shared>> -> memref<128x128xf32, #tpu.memory_space<vmem_shared>>
          tpu.wait_dma2 semaphore(%run_scoped3A : memref<!tpu.dma_semaphore, #tpu.memory_space<semaphore_mem>>) src(%arg9 : memref<128x128xf32, #tpu.memory_space<vmem>>) dst(%dma_wait3A_36 : memref<128x128xf32, #tpu.memory_space<vmem_shared>>)
          tpu.yield
        }) : () -> ()
      }
      %scan3A_22 = arith.constant 4 : i32
      %mul3A = arith.constant 632 : i32
      %mul3A_23 = arith.muli %arg1, %mul3A : i32
      %add3A = arith.constant 512 : i32
      %add3A_24 = arith.addi %mul3A_23, %add3A : i32
      "tpu.region"() ({
        %run_scoped3A = tpu.sem_alloc : memref<!tpu.dma_semaphore, #tpu.memory_space<semaphore_mem>>
        %dma_start3A = arith.constant 0 : i32
        %dma_start3A_25 = arith.constant 0 : i32
        %dma_start3A_26 = tpu.memref_slice %arg9[%dma_start3A, %dma_start3A_25] : memref<128x128xf32, #tpu.memory_space<vmem>> -> memref<120x128xf32, #tpu.memory_space<vmem>>
        %dma_start3A_27 = arith.constant 0 : i32
        %dma_start3A_28 = tpu.memref_slice %arg11[%add3A_24, %dma_start3A_27] : memref<10112x128xf32, #tpu.memory_space<vmem_shared>> -> memref<120x128xf32, #tpu.memory_space<vmem_shared>>
        %dma_start3A_29 = arith.constant 0 : i32
        %dma_start3A_30 = tpu.memref_slice %arg11[%add3A_24, %dma_start3A_29] : memref<10112x128xf32, #tpu.memory_space<vmem_shared>> -> memref<120x128xf32, #tpu.memory_space<vmem_shared>>
        %dma_start3A_31 = arith.constant 0 : i32
        %dma_start3A_32 = arith.constant 0 : i32
        %dma_start3A_33 = tpu.memref_slice %arg9[%dma_start3A_31, %dma_start3A_32] : memref<128x128xf32, #tpu.memory_space<vmem>> -> memref<120x128xf32, #tpu.memory_space<vmem>>
        tpu.enqueue_dma source(%dma_start3A_33 : memref<120x128xf32, #tpu.memory_space<vmem>>) target(%dma_start3A_30 : memref<120x128xf32, #tpu.memory_space<vmem_shared>>) target_semaphore(%run_scoped3A : memref<!tpu.dma_semaphore, #tpu.memory_space<semaphore_mem>>)
        %dma_wait3A = arith.constant 0 : i32
        %dma_wait3A_34 = arith.constant 0 : i32
        %dma_wait3A_35 = tpu.memref_slice %arg9[%dma_wait3A, %dma_wait3A_34] : memref<128x128xf32, #tpu.memory_space<vmem>> -> memref<120x128xf32, #tpu.memory_space<vmem>>
        %dma_wait3A_36 = arith.constant 0 : i32
        %dma_wait3A_37 = tpu.memref_slice %arg11[%add3A_24, %dma_wait3A_36] : memref<10112x128xf32, #tpu.memory_space<vmem_shared>> -> memref<120x128xf32, #tpu.memory_space<vmem_shared>>
        %dma_wait3A_38 = arith.constant 0 : i32
        %dma_wait3A_39 = tpu.memref_slice %arg11[%add3A_24, %dma_wait3A_38] : memref<10112x128xf32, #tpu.memory_space<vmem_shared>> -> memref<120x128xf32, #tpu.memory_space<vmem_shared>>
        %dma_wait3A_40 = arith.constant 0 : i32
        %dma_wait3A_41 = arith.constant 0 : i32
        %dma_wait3A_42 = tpu.memref_slice %arg9[%dma_wait3A_40, %dma_wait3A_41] : memref<128x128xf32, #tpu.memory_space<vmem>> -> memref<120x128xf32, #tpu.memory_space<vmem>>
        tpu.wait_dma2 semaphore(%run_scoped3A : memref<!tpu.dma_semaphore, #tpu.memory_space<semaphore_mem>>) src(%dma_wait3A_42 : memref<120x128xf32, #tpu.memory_space<vmem>>) dst(%dma_wait3A_39 : memref<120x128xf32, #tpu.memory_space<vmem_shared>>)
        tpu.yield
      }) : () -> ()
    } else {
    }
    %barrier3A = arith.constant 0 : index
    tpu.barrier barrier_id(%barrier3A)
    %eq3A_2 = arith.constant 0 : i32
    %eq3A_3 = arith.cmpi eq, %arg0, %eq3A_2 : i32
    %convert_element_type3A_4 = arith.extui %eq3A_3 : i1 to i32
    %cond3A_5 = arith.constant 0 : i32
    %cond3A_6 = arith.cmpi ne, %convert_element_type3A_4, %cond3A_5 : i32
    scf.if %cond3A_6 {
      "tpu.region"() ({
        %run_scoped3A = tpu.sem_alloc : memref<!tpu.dma_semaphore, #tpu.memory_space<semaphore_mem>>
        %dma_start3A_30 = arith.constant 0 : i32
        %dma_start3A_31 = arith.constant 0 : i32
        %dma_start3A_32 = tpu.memref_slice %arg3[%arg1, %dma_start3A_30, %dma_start3A_31] : memref<16x160x128xi32, #tpu.memory_space<hbm>> -> memref<1x16x128xi32, #tpu.memory_space<hbm>>
        %dma_start3A_33 = tpu.memref_squeeze %dma_start3A_32 : memref<1x16x128xi32, #tpu.memory_space<hbm>> -> memref<16x128xi32, #tpu.memory_space<hbm>>
        %dma_start3A_34 = arith.constant 0 : i32
        %dma_start3A_35 = arith.constant 0 : i32
        %dma_start3A_36 = tpu.memref_slice %arg3[%arg1, %dma_start3A_34, %dma_start3A_35] : memref<16x160x128xi32, #tpu.memory_space<hbm>> -> memref<1x16x128xi32, #tpu.memory_space<hbm>>
        %dma_start3A_37 = tpu.memref_squeeze %dma_start3A_36 : memref<1x16x128xi32, #tpu.memory_space<hbm>> -> memref<16x128xi32, #tpu.memory_space<hbm>>
        tpu.enqueue_dma source(%dma_start3A_37 : memref<16x128xi32, #tpu.memory_space<hbm>>) target(%arg6 : memref<16x128xi32, #tpu.memory_space<vmem>>) target_semaphore(%run_scoped3A : memref<!tpu.dma_semaphore, #tpu.memory_space<semaphore_mem>>)
        %dma_wait3A = arith.constant 0 : i32
        %dma_wait3A_38 = arith.constant 0 : i32
        %dma_wait3A_39 = tpu.memref_slice %arg3[%arg1, %dma_wait3A, %dma_wait3A_38] : memref<16x160x128xi32, #tpu.memory_space<hbm>> -> memref<1x16x128xi32, #tpu.memory_space<hbm>>
        %dma_wait3A_40 = tpu.memref_squeeze %dma_wait3A_39 : memref<1x16x128xi32, #tpu.memory_space<hbm>> -> memref<16x128xi32, #tpu.memory_space<hbm>>
        %dma_wait3A_41 = arith.constant 0 : i32
        %dma_wait3A_42 = arith.constant 0 : i32
        %dma_wait3A_43 = tpu.memref_slice %arg3[%arg1, %dma_wait3A_41, %dma_wait3A_42] : memref<16x160x128xi32, #tpu.memory_space<hbm>> -> memref<1x16x128xi32, #tpu.memory_space<hbm>>
        %dma_wait3A_44 = tpu.memref_squeeze %dma_wait3A_43 : memref<1x16x128xi32, #tpu.memory_space<hbm>> -> memref<16x128xi32, #tpu.memory_space<hbm>>
        tpu.wait_dma2 semaphore(%run_scoped3A : memref<!tpu.dma_semaphore, #tpu.memory_space<semaphore_mem>>) src(%dma_wait3A_44 : memref<16x128xi32, #tpu.memory_space<hbm>>) dst(%arg6 : memref<16x128xi32, #tpu.memory_space<vmem>>)
        tpu.yield
      }) : () -> ()
      %dma_start3A = arith.constant 0 : i32
      %dma_start3A_13 = arith.constant 0 : i32
      %dma_start3A_14 = tpu.memref_slice %arg6[%dma_start3A, %dma_start3A_13] : memref<16x128xi32, #tpu.memory_space<vmem>> -> memref<1x128xi32, #tpu.memory_space<vmem>>
      %dma_start3A_15 = tpu.memref_squeeze %dma_start3A_14 : memref<1x128xi32, #tpu.memory_space<vmem>> -> memref<128xi32, #tpu.memory_space<vmem>>
      %dma_start3A_16 = arith.constant 0 : i32
      %dma_start3A_17 = arith.constant 0 : i32
      %dma_start3A_18 = tpu.memref_slice %arg2[%dma_start3A_16, %dma_start3A_17] : memref<10000x128xf32, #tpu.memory_space<hbm>> -> memref<10000x128xf32, #tpu.memory_space<hbm>>
      tpu.enqueue_indirect_dma source(%dma_start3A_18 : memref<10000x128xf32, #tpu.memory_space<hbm>>) target(%arg9 : memref<128x128xf32, #tpu.memory_space<vmem>>) offsets(%dma_start3A_15 : memref<128xi32, #tpu.memory_space<vmem>>) semaphore(%arg12 : memref<!tpu.dma_semaphore, #tpu.memory_space<semaphore_mem>>)
      %dma_start3A_19 = arith.constant 1 : i32
      %dma_start3A_20 = arith.constant 0 : i32
      %dma_start3A_21 = tpu.memref_slice %arg6[%dma_start3A_19, %dma_start3A_20] : memref<16x128xi32, #tpu.memory_space<vmem>> -> memref<1x128xi32, #tpu.memory_space<vmem>>
      %dma_start3A_22 = tpu.memref_squeeze %dma_start3A_21 : memref<1x128xi32, #tpu.memory_space<vmem>> -> memref<128xi32, #tpu.memory_space<vmem>>
      %dma_start3A_23 = arith.constant 0 : i32
      %dma_start3A_24 = arith.constant 0 : i32
      %dma_start3A_25 = tpu.memref_slice %arg2[%dma_start3A_23, %dma_start3A_24] : memref<10000x128xf32, #tpu.memory_space<hbm>> -> memref<10000x128xf32, #tpu.memory_space<hbm>>
      tpu.enqueue_indirect_dma source(%dma_start3A_25 : memref<10000x128xf32, #tpu.memory_space<hbm>>) target(%arg10 : memref<128x128xf32, #tpu.memory_space<vmem>>) offsets(%dma_start3A_22 : memref<128xi32, #tpu.memory_space<vmem>>) semaphore(%arg13 : memref<!tpu.dma_semaphore, #tpu.memory_space<semaphore_mem>>)
      %scan3A = arith.constant 0 : i32
      %scan3A_26 = arith.constant 5 : i32
      %scan3A_27 = arith.addi %scan3A, %scan3A_26 : i32
      %scan3A_28 = arith.constant 1 : i32
      scf.for %scan3A_30 = %scan3A to %scan3A_27 step %scan3A_28  : i32 {
        %mul3A = arith.constant 2 : i32
        %mul3A_31 = arith.muli %mul3A, %scan3A_30 : i32
        %mul3A_32 = arith.constant 16 : i32
        %mul3A_33 = arith.muli %mul3A_31, %mul3A_32 : i32
        %add3A = arith.constant 16 : i32
        %add3A_34 = arith.addi %mul3A_33, %add3A : i32
        "tpu.region"() ({
          %run_scoped3A_109 = tpu.sem_alloc : memref<!tpu.dma_semaphore, #tpu.memory_space<semaphore_mem>>
          %dma_start3A_110 = arith.constant 0 : i32
          %dma_start3A_111 = tpu.memref_slice %arg3[%arg1, %add3A_34, %dma_start3A_110] : memref<16x160x128xi32, #tpu.memory_space<hbm>> -> memref<1x16x128xi32, #tpu.memory_space<hbm>>
          %dma_start3A_112 = tpu.memref_squeeze %dma_start3A_111 : memref<1x16x128xi32, #tpu.memory_space<hbm>> -> memref<16x128xi32, #tpu.memory_space<hbm>>
          %dma_start3A_113 = arith.constant 0 : i32
          %dma_start3A_114 = tpu.memref_slice %arg3[%arg1, %add3A_34, %dma_start3A_113] : memref<16x160x128xi32, #tpu.memory_space<hbm>> -> memref<1x16x128xi32, #tpu.memory_space<hbm>>
          %dma_start3A_115 = tpu.memref_squeeze %dma_start3A_114 : memref<1x16x128xi32, #tpu.memory_space<hbm>> -> memref<16x128xi32, #tpu.memory_space<hbm>>
          tpu.enqueue_dma source(%dma_start3A_115 : memref<16x128xi32, #tpu.memory_space<hbm>>) target(%arg7 : memref<16x128xi32, #tpu.memory_space<vmem>>) target_semaphore(%run_scoped3A_109 : memref<!tpu.dma_semaphore, #tpu.memory_space<semaphore_mem>>)
          %dma_wait3A_116 = arith.constant 0 : i32
          %dma_wait3A_117 = tpu.memref_slice %arg3[%arg1, %add3A_34, %dma_wait3A_116] : memref<16x160x128xi32, #tpu.memory_space<hbm>> -> memref<1x16x128xi32, #tpu.memory_space<hbm>>
          %dma_wait3A_118 = tpu.memref_squeeze %dma_wait3A_117 : memref<1x16x128xi32, #tpu.memory_space<hbm>> -> memref<16x128xi32, #tpu.memory_space<hbm>>
          %dma_wait3A_119 = arith.constant 0 : i32
          %dma_wait3A_120 = tpu.memref_slice %arg3[%arg1, %add3A_34, %dma_wait3A_119] : memref<16x160x128xi32, #tpu.memory_space<hbm>> -> memref<1x16x128xi32, #tpu.memory_space<hbm>>
          %dma_wait3A_121 = tpu.memref_squeeze %dma_wait3A_120 : memref<1x16x128xi32, #tpu.memory_space<hbm>> -> memref<16x128xi32, #tpu.memory_space<hbm>>
          tpu.wait_dma2 semaphore(%run_scoped3A_109 : memref<!tpu.dma_semaphore, #tpu.memory_space<semaphore_mem>>) src(%dma_wait3A_121 : memref<16x128xi32, #tpu.memory_space<hbm>>) dst(%arg7 : memref<16x128xi32, #tpu.memory_space<vmem>>)
          tpu.yield
        }) : () -> ()
        "tpu.region"() ({
          %run_scoped3A_109 = tpu.sem_alloc : memref<!tpu.dma_semaphore, #tpu.memory_space<semaphore_mem>>
          %dma_start3A_110 = arith.constant 0 : i32
          %dma_start3A_111 = tpu.memref_slice %arg4[%arg1, %mul3A_33, %dma_start3A_110] : memref<16x160x128xi32, #tpu.memory_space<hbm>> -> memref<1x16x128xi32, #tpu.memory_space<hbm>>
          %dma_start3A_112 = tpu.memref_squeeze %dma_start3A_111 : memref<1x16x128xi32, #tpu.memory_space<hbm>> -> memref<16x128xi32, #tpu.memory_space<hbm>>
          %dma_start3A_113 = arith.constant 0 : i32
          %dma_start3A_114 = tpu.memref_slice %arg4[%arg1, %mul3A_33, %dma_start3A_113] : memref<16x160x128xi32, #tpu.memory_space<hbm>> -> memref<1x16x128xi32, #tpu.memory_space<hbm>>
          %dma_start3A_115 = tpu.memref_squeeze %dma_start3A_114 : memref<1x16x128xi32, #tpu.memory_space<hbm>> -> memref<16x128xi32, #tpu.memory_space<hbm>>
          tpu.enqueue_dma source(%dma_start3A_115 : memref<16x128xi32, #tpu.memory_space<hbm>>) target(%arg8 : memref<16x128xi32, #tpu.memory_space<vmem>>) target_semaphore(%run_scoped3A_109 : memref<!tpu.dma_semaphore, #tpu.memory_space<semaphore_mem>>)
          %dma_wait3A_116 = arith.constant 0 : i32
          %dma_wait3A_117 = tpu.memref_slice %arg4[%arg1, %mul3A_33, %dma_wait3A_116] : memref<16x160x128xi32, #tpu.memory_space<hbm>> -> memref<1x16x128xi32, #tpu.memory_space<hbm>>
          %dma_wait3A_118 = tpu.memref_squeeze %dma_wait3A_117 : memref<1x16x128xi32, #tpu.memory_space<hbm>> -> memref<16x128xi32, #tpu.memory_space<hbm>>
          %dma_wait3A_119 = arith.constant 0 : i32
          %dma_wait3A_120 = tpu.memref_slice %arg4[%arg1, %mul3A_33, %dma_wait3A_119] : memref<16x160x128xi32, #tpu.memory_space<hbm>> -> memref<1x16x128xi32, #tpu.memory_space<hbm>>
          %dma_wait3A_121 = tpu.memref_squeeze %dma_wait3A_120 : memref<1x16x128xi32, #tpu.memory_space<hbm>> -> memref<16x128xi32, #tpu.memory_space<hbm>>
          tpu.wait_dma2 semaphore(%run_scoped3A_109 : memref<!tpu.dma_semaphore, #tpu.memory_space<semaphore_mem>>) src(%dma_wait3A_121 : memref<16x128xi32, #tpu.memory_space<hbm>>) dst(%arg8 : memref<16x128xi32, #tpu.memory_space<vmem>>)
          tpu.yield
        }) : () -> ()
        %scan3A_35 = arith.constant 0 : i32
        %scan3A_36 = arith.constant 7 : i32
        %scan3A_37 = arith.addi %scan3A_35, %scan3A_36 : i32
        %scan3A_38 = arith.constant 1 : i32
        scf.for %scan3A_109 = %scan3A_35 to %scan3A_37 step %scan3A_38  : i32 {
          %mul3A_110 = arith.constant 2 : i32
          %mul3A_111 = arith.muli %mul3A_110, %scan3A_109 : i32
          %dma_wait3A_112 = arith.constant 0 : i32
          %dma_wait3A_113 = arith.constant 0 : i32
          %dma_wait3A_114 = tpu.memref_slice %arg6[%dma_wait3A_112, %dma_wait3A_113] : memref<16x128xi32, #tpu.memory_space<vmem>> -> memref<1x128xi32, #tpu.memory_space<vmem>>
          %dma_wait3A_115 = tpu.memref_squeeze %dma_wait3A_114 : memref<1x128xi32, #tpu.memory_space<vmem>> -> memref<128xi32, #tpu.memory_space<vmem>>
          %dma_wait3A_116 = arith.constant 0 : i32
          %dma_wait3A_117 = arith.constant 0 : i32
          %dma_wait3A_118 = tpu.memref_slice %arg2[%dma_wait3A_116, %dma_wait3A_117] : memref<10000x128xf32, #tpu.memory_space<hbm>> -> memref<10000x128xf32, #tpu.memory_space<hbm>>
          tpu.wait_indirect_dma semaphore(%arg12 : memref<!tpu.dma_semaphore, #tpu.memory_space<semaphore_mem>>) src(%dma_wait3A_118 : memref<10000x128xf32, #tpu.memory_space<hbm>>) dst(%arg9 : memref<128x128xf32, #tpu.memory_space<vmem>>)
          "tpu.region"() ({
            %run_scoped3A_144 = tpu.sem_alloc : memref<!tpu.dma_semaphore, #tpu.memory_space<semaphore_mem>>
            %dma_start3A_145 = arith.constant 0 : i32
            %dma_start3A_146 = tpu.memref_slice %arg8[%mul3A_111, %dma_start3A_145] : memref<16x128xi32, #tpu.memory_space<vmem>> -> memref<1x128xi32, #tpu.memory_space<vmem>>
            %dma_start3A_147 = tpu.memref_squeeze %dma_start3A_146 : memref<1x128xi32, #tpu.memory_space<vmem>> -> memref<128xi32, #tpu.memory_space<vmem>>
            %dma_start3A_148 = arith.constant 0 : i32
            %dma_start3A_149 = arith.constant 0 : i32
            %dma_start3A_150 = tpu.memref_slice %arg11[%dma_start3A_148, %dma_start3A_149] : memref<10112x128xf32, #tpu.memory_space<vmem_shared>> -> memref<10112x128xf32, #tpu.memory_space<vmem_shared>>
            tpu.enqueue_indirect_dma source(%arg9 : memref<128x128xf32, #tpu.memory_space<vmem>>) target(%dma_start3A_150 : memref<10112x128xf32, #tpu.memory_space<vmem_shared>>) offsets(%dma_start3A_147 : memref<128xi32, #tpu.memory_space<vmem>>) semaphore(%run_scoped3A_144 : memref<!tpu.dma_semaphore, #tpu.memory_space<semaphore_mem>>) {add = true}
            %dma_wait3A_151 = arith.constant 0 : i32
            %dma_wait3A_152 = tpu.memref_slice %arg8[%mul3A_111, %dma_wait3A_151] : memref<16x128xi32, #tpu.memory_space<vmem>> -> memref<1x128xi32, #tpu.memory_space<vmem>>
            %dma_wait3A_153 = tpu.memref_squeeze %dma_wait3A_152 : memref<1x128xi32, #tpu.memory_space<vmem>> -> memref<128xi32, #tpu.memory_space<vmem>>
            %dma_wait3A_154 = arith.constant 0 : i32
            %dma_wait3A_155 = arith.constant 0 : i32
            %dma_wait3A_156 = tpu.memref_slice %arg11[%dma_wait3A_154, %dma_wait3A_155] : memref<10112x128xf32, #tpu.memory_space<vmem_shared>> -> memref<10112x128xf32, #tpu.memory_space<vmem_shared>>
            tpu.wait_indirect_dma semaphore(%run_scoped3A_144 : memref<!tpu.dma_semaphore, #tpu.memory_space<semaphore_mem>>) src(%arg9 : memref<128x128xf32, #tpu.memory_space<vmem>>) dst(%dma_wait3A_156 : memref<10112x128xf32, #tpu.memory_space<vmem_shared>>)
            tpu.yield
          }) : () -> ()
          %add3A_119 = arith.constant 2 : i32
          %add3A_120 = arith.addi %mul3A_111, %add3A_119 : i32
          %dma_start3A_121 = arith.constant 0 : i32
          %dma_start3A_122 = tpu.memref_slice %arg6[%add3A_120, %dma_start3A_121] : memref<16x128xi32, #tpu.memory_space<vmem>> -> memref<1x128xi32, #tpu.memory_space<vmem>>
          %dma_start3A_123 = tpu.memref_squeeze %dma_start3A_122 : memref<1x128xi32, #tpu.memory_space<vmem>> -> memref<128xi32, #tpu.memory_space<vmem>>
          %dma_start3A_124 = arith.constant 0 : i32
          %dma_start3A_125 = arith.constant 0 : i32
          %dma_start3A_126 = tpu.memref_slice %arg2[%dma_start3A_124, %dma_start3A_125] : memref<10000x128xf32, #tpu.memory_space<hbm>> -> memref<10000x128xf32, #tpu.memory_space<hbm>>
          tpu.enqueue_indirect_dma source(%dma_start3A_126 : memref<10000x128xf32, #tpu.memory_space<hbm>>) target(%arg9 : memref<128x128xf32, #tpu.memory_space<vmem>>) offsets(%dma_start3A_123 : memref<128xi32, #tpu.memory_space<vmem>>) semaphore(%arg12 : memref<!tpu.dma_semaphore, #tpu.memory_space<semaphore_mem>>)
          %add3A_127 = arith.constant 1 : i32
          %add3A_128 = arith.addi %mul3A_111, %add3A_127 : i32
          %dma_wait3A_129 = arith.constant 0 : i32
          %dma_wait3A_130 = arith.constant 0 : i32
          %dma_wait3A_131 = tpu.memref_slice %arg6[%dma_wait3A_129, %dma_wait3A_130] : memref<16x128xi32, #tpu.memory_space<vmem>> -> memref<1x128xi32, #tpu.memory_space<vmem>>
          %dma_wait3A_132 = tpu.memref_squeeze %dma_wait3A_131 : memref<1x128xi32, #tpu.memory_space<vmem>> -> memref<128xi32, #tpu.memory_space<vmem>>
          %dma_wait3A_133 = arith.constant 0 : i32
          %dma_wait3A_134 = arith.constant 0 : i32
          %dma_wait3A_135 = tpu.memref_slice %arg2[%dma_wait3A_133, %dma_wait3A_134] : memref<10000x128xf32, #tpu.memory_space<hbm>> -> memref<10000x128xf32, #tpu.memory_space<hbm>>
          tpu.wait_indirect_dma semaphore(%arg13 : memref<!tpu.dma_semaphore, #tpu.memory_space<semaphore_mem>>) src(%dma_wait3A_135 : memref<10000x128xf32, #tpu.memory_space<hbm>>) dst(%arg10 : memref<128x128xf32, #tpu.memory_space<vmem>>)
          "tpu.region"() ({
            %run_scoped3A_144 = tpu.sem_alloc : memref<!tpu.dma_semaphore, #tpu.memory_space<semaphore_mem>>
            %dma_start3A_145 = arith.constant 0 : i32
            %dma_start3A_146 = tpu.memref_slice %arg8[%add3A_128, %dma_start3A_145] : memref<16x128xi32, #tpu.memory_space<vmem>> -> memref<1x128xi32, #tpu.memory_space<vmem>>
            %dma_start3A_147 = tpu.memref_squeeze %dma_start3A_146 : memref<1x128xi32, #tpu.memory_space<vmem>> -> memref<128xi32, #tpu.memory_space<vmem>>
            %dma_start3A_148 = arith.constant 0 : i32
            %dma_start3A_149 = arith.constant 0 : i32
            %dma_start3A_150 = tpu.memref_slice %arg11[%dma_start3A_148, %dma_start3A_149] : memref<10112x128xf32, #tpu.memory_space<vmem_shared>> -> memref<10112x128xf32, #tpu.memory_space<vmem_shared>>
            tpu.enqueue_indirect_dma source(%arg10 : memref<128x128xf32, #tpu.memory_space<vmem>>) target(%dma_start3A_150 : memref<10112x128xf32, #tpu.memory_space<vmem_shared>>) offsets(%dma_start3A_147 : memref<128xi32, #tpu.memory_space<vmem>>) semaphore(%run_scoped3A_144 : memref<!tpu.dma_semaphore, #tpu.memory_space<semaphore_mem>>) {add = true}
            %dma_wait3A_151 = arith.constant 0 : i32
            %dma_wait3A_152 = tpu.memref_slice %arg8[%add3A_128, %dma_wait3A_151] : memref<16x128xi32, #tpu.memory_space<vmem>> -> memref<1x128xi32, #tpu.memory_space<vmem>>
            %dma_wait3A_153 = tpu.memref_squeeze %dma_wait3A_152 : memref<1x128xi32, #tpu.memory_space<vmem>> -> memref<128xi32, #tpu.memory_space<vmem>>
            %dma_wait3A_154 = arith.constant 0 : i32
            %dma_wait3A_155 = arith.constant 0 : i32
            %dma_wait3A_156 = tpu.memref_slice %arg11[%dma_wait3A_154, %dma_wait3A_155] : memref<10112x128xf32, #tpu.memory_space<vmem_shared>> -> memref<10112x128xf32, #tpu.memory_space<vmem_shared>>
            tpu.wait_indirect_dma semaphore(%run_scoped3A_144 : memref<!tpu.dma_semaphore, #tpu.memory_space<semaphore_mem>>) src(%arg10 : memref<128x128xf32, #tpu.memory_space<vmem>>) dst(%dma_wait3A_156 : memref<10112x128xf32, #tpu.memory_space<vmem_shared>>)
            tpu.yield
          }) : () -> ()
          %add3A_136 = arith.constant 3 : i32
          %add3A_137 = arith.addi %mul3A_111, %add3A_136 : i32
          %dma_start3A_138 = arith.constant 0 : i32
          %dma_start3A_139 = tpu.memref_slice %arg6[%add3A_137, %dma_start3A_138] : memref<16x128xi32, #tpu.memory_space<vmem>> -> memref<1x128xi32, #tpu.memory_space<vmem>>
          %dma_start3A_140 = tpu.memref_squeeze %dma_start3A_139 : memref<1x128xi32, #tpu.memory_space<vmem>> -> memref<128xi32, #tpu.memory_space<vmem>>
          %dma_start3A_141 = arith.constant 0 : i32
          %dma_start3A_142 = arith.constant 0 : i32
          %dma_start3A_143 = tpu.memref_slice %arg2[%dma_start3A_141, %dma_start3A_142] : memref<10000x128xf32, #tpu.memory_space<hbm>> -> memref<10000x128xf32, #tpu.memory_space<hbm>>
          tpu.enqueue_indirect_dma source(%dma_start3A_143 : memref<10000x128xf32, #tpu.memory_space<hbm>>) target(%arg10 : memref<128x128xf32, #tpu.memory_space<vmem>>) offsets(%dma_start3A_140 : memref<128xi32, #tpu.memory_space<vmem>>) semaphore(%arg13 : memref<!tpu.dma_semaphore, #tpu.memory_space<semaphore_mem>>)
        }
        %scan3A_39 = arith.constant 7 : i32
        %dma_wait3A = arith.constant 0 : i32
        %dma_wait3A_40 = arith.constant 0 : i32
        %dma_wait3A_41 = tpu.memref_slice %arg6[%dma_wait3A, %dma_wait3A_40] : memref<16x128xi32, #tpu.memory_space<vmem>> -> memref<1x128xi32, #tpu.memory_space<vmem>>
        %dma_wait3A_42 = tpu.memref_squeeze %dma_wait3A_41 : memref<1x128xi32, #tpu.memory_space<vmem>> -> memref<128xi32, #tpu.memory_space<vmem>>
        %dma_wait3A_43 = arith.constant 0 : i32
        %dma_wait3A_44 = arith.constant 0 : i32
        %dma_wait3A_45 = tpu.memref_slice %arg2[%dma_wait3A_43, %dma_wait3A_44] : memref<10000x128xf32, #tpu.memory_space<hbm>> -> memref<10000x128xf32, #tpu.memory_space<hbm>>
        tpu.wait_indirect_dma semaphore(%arg12 : memref<!tpu.dma_semaphore, #tpu.memory_space<semaphore_mem>>) src(%dma_wait3A_45 : memref<10000x128xf32, #tpu.memory_space<hbm>>) dst(%arg9 : memref<128x128xf32, #tpu.memory_space<vmem>>)
        %run_scoped3A = arith.constant 14 : i32
        "tpu.region"() ({
          %run_scoped3A_109 = tpu.sem_alloc : memref<!tpu.dma_semaphore, #tpu.memory_space<semaphore_mem>>
          %dma_start3A_110 = arith.constant 0 : i32
          %dma_start3A_111 = tpu.memref_slice %arg8[%run_scoped3A, %dma_start3A_110] : memref<16x128xi32, #tpu.memory_space<vmem>> -> memref<1x128xi32, #tpu.memory_space<vmem>>
          %dma_start3A_112 = tpu.memref_squeeze %dma_start3A_111 : memref<1x128xi32, #tpu.memory_space<vmem>> -> memref<128xi32, #tpu.memory_space<vmem>>
          %dma_start3A_113 = arith.constant 0 : i32
          %dma_start3A_114 = arith.constant 0 : i32
          %dma_start3A_115 = tpu.memref_slice %arg11[%dma_start3A_113, %dma_start3A_114] : memref<10112x128xf32, #tpu.memory_space<vmem_shared>> -> memref<10112x128xf32, #tpu.memory_space<vmem_shared>>
          tpu.enqueue_indirect_dma source(%arg9 : memref<128x128xf32, #tpu.memory_space<vmem>>) target(%dma_start3A_115 : memref<10112x128xf32, #tpu.memory_space<vmem_shared>>) offsets(%dma_start3A_112 : memref<128xi32, #tpu.memory_space<vmem>>) semaphore(%run_scoped3A_109 : memref<!tpu.dma_semaphore, #tpu.memory_space<semaphore_mem>>) {add = true}
          %dma_wait3A_116 = arith.constant 0 : i32
          %dma_wait3A_117 = tpu.memref_slice %arg8[%run_scoped3A, %dma_wait3A_116] : memref<16x128xi32, #tpu.memory_space<vmem>> -> memref<1x128xi32, #tpu.memory_space<vmem>>
          %dma_wait3A_118 = tpu.memref_squeeze %dma_wait3A_117 : memref<1x128xi32, #tpu.memory_space<vmem>> -> memref<128xi32, #tpu.memory_space<vmem>>
          %dma_wait3A_119 = arith.constant 0 : i32
          %dma_wait3A_120 = arith.constant 0 : i32
          %dma_wait3A_121 = tpu.memref_slice %arg11[%dma_wait3A_119, %dma_wait3A_120] : memref<10112x128xf32, #tpu.memory_space<vmem_shared>> -> memref<10112x128xf32, #tpu.memory_space<vmem_shared>>
          tpu.wait_indirect_dma semaphore(%run_scoped3A_109 : memref<!tpu.dma_semaphore, #tpu.memory_space<semaphore_mem>>) src(%arg9 : memref<128x128xf32, #tpu.memory_space<vmem>>) dst(%dma_wait3A_121 : memref<10112x128xf32, #tpu.memory_space<vmem_shared>>)
          tpu.yield
        }) : () -> ()
        %dma_start3A_46 = arith.constant 0 : i32
        %dma_start3A_47 = arith.constant 0 : i32
        %dma_start3A_48 = tpu.memref_slice %arg7[%dma_start3A_46, %dma_start3A_47] : memref<16x128xi32, #tpu.memory_space<vmem>> -> memref<1x128xi32, #tpu.memory_space<vmem>>
        %dma_start3A_49 = tpu.memref_squeeze %dma_start3A_48 : memref<1x128xi32, #tpu.memory_space<vmem>> -> memref<128xi32, #tpu.memory_space<vmem>>
        %dma_start3A_50 = arith.constant 0 : i32
        %dma_start3A_51 = arith.constant 0 : i32
        %dma_start3A_52 = tpu.memref_slice %arg2[%dma_start3A_50, %dma_start3A_51] : memref<10000x128xf32, #tpu.memory_space<hbm>> -> memref<10000x128xf32, #tpu.memory_space<hbm>>
        tpu.enqueue_indirect_dma source(%dma_start3A_52 : memref<10000x128xf32, #tpu.memory_space<hbm>>) target(%arg9 : memref<128x128xf32, #tpu.memory_space<vmem>>) offsets(%dma_start3A_49 : memref<128xi32, #tpu.memory_space<vmem>>) semaphore(%arg12 : memref<!tpu.dma_semaphore, #tpu.memory_space<semaphore_mem>>)
        %dma_wait3A_53 = arith.constant 0 : i32
        %dma_wait3A_54 = arith.constant 0 : i32
        %dma_wait3A_55 = tpu.memref_slice %arg6[%dma_wait3A_53, %dma_wait3A_54] : memref<16x128xi32, #tpu.memory_space<vmem>> -> memref<1x128xi32, #tpu.memory_space<vmem>>
        %dma_wait3A_56 = tpu.memref_squeeze %dma_wait3A_55 : memref<1x128xi32, #tpu.memory_space<vmem>> -> memref<128xi32, #tpu.memory_space<vmem>>
        %dma_wait3A_57 = arith.constant 0 : i32
        %dma_wait3A_58 = arith.constant 0 : i32
        %dma_wait3A_59 = tpu.memref_slice %arg2[%dma_wait3A_57, %dma_wait3A_58] : memref<10000x128xf32, #tpu.memory_space<hbm>> -> memref<10000x128xf32, #tpu.memory_space<hbm>>
        tpu.wait_indirect_dma semaphore(%arg13 : memref<!tpu.dma_semaphore, #tpu.memory_space<semaphore_mem>>) src(%dma_wait3A_59 : memref<10000x128xf32, #tpu.memory_space<hbm>>) dst(%arg10 : memref<128x128xf32, #tpu.memory_space<vmem>>)
        %run_scoped3A_60 = arith.constant 15 : i32
        "tpu.region"() ({
          %run_scoped3A_109 = tpu.sem_alloc : memref<!tpu.dma_semaphore, #tpu.memory_space<semaphore_mem>>
          %dma_start3A_110 = arith.constant 0 : i32
          %dma_start3A_111 = tpu.memref_slice %arg8[%run_scoped3A_60, %dma_start3A_110] : memref<16x128xi32, #tpu.memory_space<vmem>> -> memref<1x128xi32, #tpu.memory_space<vmem>>
          %dma_start3A_112 = tpu.memref_squeeze %dma_start3A_111 : memref<1x128xi32, #tpu.memory_space<vmem>> -> memref<128xi32, #tpu.memory_space<vmem>>
          %dma_start3A_113 = arith.constant 0 : i32
          %dma_start3A_114 = arith.constant 0 : i32
          %dma_start3A_115 = tpu.memref_slice %arg11[%dma_start3A_113, %dma_start3A_114] : memref<10112x128xf32, #tpu.memory_space<vmem_shared>> -> memref<10112x128xf32, #tpu.memory_space<vmem_shared>>
          tpu.enqueue_indirect_dma source(%arg10 : memref<128x128xf32, #tpu.memory_space<vmem>>) target(%dma_start3A_115 : memref<10112x128xf32, #tpu.memory_space<vmem_shared>>) offsets(%dma_start3A_112 : memref<128xi32, #tpu.memory_space<vmem>>) semaphore(%run_scoped3A_109 : memref<!tpu.dma_semaphore, #tpu.memory_space<semaphore_mem>>) {add = true}
          %dma_wait3A_116 = arith.constant 0 : i32
          %dma_wait3A_117 = tpu.memref_slice %arg8[%run_scoped3A_60, %dma_wait3A_116] : memref<16x128xi32, #tpu.memory_space<vmem>> -> memref<1x128xi32, #tpu.memory_space<vmem>>
          %dma_wait3A_118 = tpu.memref_squeeze %dma_wait3A_117 : memref<1x128xi32, #tpu.memory_space<vmem>> -> memref<128xi32, #tpu.memory_space<vmem>>
          %dma_wait3A_119 = arith.constant 0 : i32
          %dma_wait3A_120 = arith.constant 0 : i32
          %dma_wait3A_121 = tpu.memref_slice %arg11[%dma_wait3A_119, %dma_wait3A_120] : memref<10112x128xf32, #tpu.memory_space<vmem_shared>> -> memref<10112x128xf32, #tpu.memory_space<vmem_shared>>
          tpu.wait_indirect_dma semaphore(%run_scoped3A_109 : memref<!tpu.dma_semaphore, #tpu.memory_space<semaphore_mem>>) src(%arg10 : memref<128x128xf32, #tpu.memory_space<vmem>>) dst(%dma_wait3A_121 : memref<10112x128xf32, #tpu.memory_space<vmem_shared>>)
          tpu.yield
        }) : () -> ()
        %dma_start3A_61 = arith.constant 1 : i32
        %dma_start3A_62 = arith.constant 0 : i32
        %dma_start3A_63 = tpu.memref_slice %arg7[%dma_start3A_61, %dma_start3A_62] : memref<16x128xi32, #tpu.memory_space<vmem>> -> memref<1x128xi32, #tpu.memory_space<vmem>>
        %dma_start3A_64 = tpu.memref_squeeze %dma_start3A_63 : memref<1x128xi32, #tpu.memory_space<vmem>> -> memref<128xi32, #tpu.memory_space<vmem>>
        %dma_start3A_65 = arith.constant 0 : i32
        %dma_start3A_66 = arith.constant 0 : i32
        %dma_start3A_67 = tpu.memref_slice %arg2[%dma_start3A_65, %dma_start3A_66] : memref<10000x128xf32, #tpu.memory_space<hbm>> -> memref<10000x128xf32, #tpu.memory_space<hbm>>
        tpu.enqueue_indirect_dma source(%dma_start3A_67 : memref<10000x128xf32, #tpu.memory_space<hbm>>) target(%arg10 : memref<128x128xf32, #tpu.memory_space<vmem>>) offsets(%dma_start3A_64 : memref<128xi32, #tpu.memory_space<vmem>>) semaphore(%arg13 : memref<!tpu.dma_semaphore, #tpu.memory_space<semaphore_mem>>)
        %add3A_68 = arith.constant 1 : i32
        %add3A_69 = arith.addi %scan3A_30, %add3A_68 : i32
        %lt3A = arith.constant 5 : i32
        %lt3A_70 = arith.cmpi slt, %add3A_69, %lt3A : i32
        %convert_element_type3A_71 = arith.extui %lt3A_70 : i1 to i32
        %cond3A_72 = arith.constant 0 : i32
        %cond3A_73 = arith.cmpi ne, %convert_element_type3A_71, %cond3A_72 : i32
        scf.if %cond3A_73 {
          %add3A_109 = arith.constant 16 : i32
          %add3A_110 = arith.addi %add3A_34, %add3A_109 : i32
          "tpu.region"() ({
            %run_scoped3A_111 = tpu.sem_alloc : memref<!tpu.dma_semaphore, #tpu.memory_space<semaphore_mem>>
            %dma_start3A_112 = arith.constant 0 : i32
            %dma_start3A_113 = tpu.memref_slice %arg3[%arg1, %add3A_110, %dma_start3A_112] : memref<16x160x128xi32, #tpu.memory_space<hbm>> -> memref<1x16x128xi32, #tpu.memory_space<hbm>>
            %dma_start3A_114 = tpu.memref_squeeze %dma_start3A_113 : memref<1x16x128xi32, #tpu.memory_space<hbm>> -> memref<16x128xi32, #tpu.memory_space<hbm>>
            %dma_start3A_115 = arith.constant 0 : i32
            %dma_start3A_116 = tpu.memref_slice %arg3[%arg1, %add3A_110, %dma_start3A_115] : memref<16x160x128xi32, #tpu.memory_space<hbm>> -> memref<1x16x128xi32, #tpu.memory_space<hbm>>
            %dma_start3A_117 = tpu.memref_squeeze %dma_start3A_116 : memref<1x16x128xi32, #tpu.memory_space<hbm>> -> memref<16x128xi32, #tpu.memory_space<hbm>>
            tpu.enqueue_dma source(%dma_start3A_117 : memref<16x128xi32, #tpu.memory_space<hbm>>) target(%arg6 : memref<16x128xi32, #tpu.memory_space<vmem>>) target_semaphore(%run_scoped3A_111 : memref<!tpu.dma_semaphore, #tpu.memory_space<semaphore_mem>>)
            %dma_wait3A_118 = arith.constant 0 : i32
            %dma_wait3A_119 = tpu.memref_slice %arg3[%arg1, %add3A_110, %dma_wait3A_118] : memref<16x160x128xi32, #tpu.memory_space<hbm>> -> memref<1x16x128xi32, #tpu.memory_space<hbm>>
            %dma_wait3A_120 = tpu.memref_squeeze %dma_wait3A_119 : memref<1x16x128xi32, #tpu.memory_space<hbm>> -> memref<16x128xi32, #tpu.memory_space<hbm>>
            %dma_wait3A_121 = arith.constant 0 : i32
            %dma_wait3A_122 = tpu.memref_slice %arg3[%arg1, %add3A_110, %dma_wait3A_121] : memref<16x160x128xi32, #tpu.memory_space<hbm>> -> memref<1x16x128xi32, #tpu.memory_space<hbm>>
            %dma_wait3A_123 = tpu.memref_squeeze %dma_wait3A_122 : memref<1x16x128xi32, #tpu.memory_space<hbm>> -> memref<16x128xi32, #tpu.memory_space<hbm>>
            tpu.wait_dma2 semaphore(%run_scoped3A_111 : memref<!tpu.dma_semaphore, #tpu.memory_space<semaphore_mem>>) src(%dma_wait3A_123 : memref<16x128xi32, #tpu.memory_space<hbm>>) dst(%arg6 : memref<16x128xi32, #tpu.memory_space<vmem>>)
            tpu.yield
          }) : () -> ()
        } else {
        }
        "tpu.region"() ({
          %run_scoped3A_109 = tpu.sem_alloc : memref<!tpu.dma_semaphore, #tpu.memory_space<semaphore_mem>>
          %dma_start3A_110 = arith.constant 0 : i32
          %dma_start3A_111 = tpu.memref_slice %arg4[%arg1, %add3A_34, %dma_start3A_110] : memref<16x160x128xi32, #tpu.memory_space<hbm>> -> memref<1x16x128xi32, #tpu.memory_space<hbm>>
          %dma_start3A_112 = tpu.memref_squeeze %dma_start3A_111 : memref<1x16x128xi32, #tpu.memory_space<hbm>> -> memref<16x128xi32, #tpu.memory_space<hbm>>
          %dma_start3A_113 = arith.constant 0 : i32
          %dma_start3A_114 = tpu.memref_slice %arg4[%arg1, %add3A_34, %dma_start3A_113] : memref<16x160x128xi32, #tpu.memory_space<hbm>> -> memref<1x16x128xi32, #tpu.memory_space<hbm>>
          %dma_start3A_115 = tpu.memref_squeeze %dma_start3A_114 : memref<1x16x128xi32, #tpu.memory_space<hbm>> -> memref<16x128xi32, #tpu.memory_space<hbm>>
          tpu.enqueue_dma source(%dma_start3A_115 : memref<16x128xi32, #tpu.memory_space<hbm>>) target(%arg8 : memref<16x128xi32, #tpu.memory_space<vmem>>) target_semaphore(%run_scoped3A_109 : memref<!tpu.dma_semaphore, #tpu.memory_space<semaphore_mem>>)
          %dma_wait3A_116 = arith.constant 0 : i32
          %dma_wait3A_117 = tpu.memref_slice %arg4[%arg1, %add3A_34, %dma_wait3A_116] : memref<16x160x128xi32, #tpu.memory_space<hbm>> -> memref<1x16x128xi32, #tpu.memory_space<hbm>>
          %dma_wait3A_118 = tpu.memref_squeeze %dma_wait3A_117 : memref<1x16x128xi32, #tpu.memory_space<hbm>> -> memref<16x128xi32, #tpu.memory_space<hbm>>
          %dma_wait3A_119 = arith.constant 0 : i32
          %dma_wait3A_120 = tpu.memref_slice %arg4[%arg1, %add3A_34, %dma_wait3A_119] : memref<16x160x128xi32, #tpu.memory_space<hbm>> -> memref<1x16x128xi32, #tpu.memory_space<hbm>>
          %dma_wait3A_121 = tpu.memref_squeeze %dma_wait3A_120 : memref<1x16x128xi32, #tpu.memory_space<hbm>> -> memref<16x128xi32, #tpu.memory_space<hbm>>
          tpu.wait_dma2 semaphore(%run_scoped3A_109 : memref<!tpu.dma_semaphore, #tpu.memory_space<semaphore_mem>>) src(%dma_wait3A_121 : memref<16x128xi32, #tpu.memory_space<hbm>>) dst(%arg8 : memref<16x128xi32, #tpu.memory_space<vmem>>)
          tpu.yield
        }) : () -> ()
        %scan3A_74 = arith.constant 0 : i32
        %scan3A_75 = arith.constant 7 : i32
        %scan3A_76 = arith.addi %scan3A_74, %scan3A_75 : i32
        %scan3A_77 = arith.constant 1 : i32
        scf.for %scan3A_109 = %scan3A_74 to %scan3A_76 step %scan3A_77  : i32 {
          %mul3A_110 = arith.constant 2 : i32
          %mul3A_111 = arith.muli %mul3A_110, %scan3A_109 : i32
          %dma_wait3A_112 = arith.constant 0 : i32
          %dma_wait3A_113 = arith.constant 0 : i32
          %dma_wait3A_114 = tpu.memref_slice %arg6[%dma_wait3A_112, %dma_wait3A_113] : memref<16x128xi32, #tpu.memory_space<vmem>> -> memref<1x128xi32, #tpu.memory_space<vmem>>
          %dma_wait3A_115 = tpu.memref_squeeze %dma_wait3A_114 : memref<1x128xi32, #tpu.memory_space<vmem>> -> memref<128xi32, #tpu.memory_space<vmem>>
          %dma_wait3A_116 = arith.constant 0 : i32
          %dma_wait3A_117 = arith.constant 0 : i32
          %dma_wait3A_118 = tpu.memref_slice %arg2[%dma_wait3A_116, %dma_wait3A_117] : memref<10000x128xf32, #tpu.memory_space<hbm>> -> memref<10000x128xf32, #tpu.memory_space<hbm>>
          tpu.wait_indirect_dma semaphore(%arg12 : memref<!tpu.dma_semaphore, #tpu.memory_space<semaphore_mem>>) src(%dma_wait3A_118 : memref<10000x128xf32, #tpu.memory_space<hbm>>) dst(%arg9 : memref<128x128xf32, #tpu.memory_space<vmem>>)
          "tpu.region"() ({
            %run_scoped3A_144 = tpu.sem_alloc : memref<!tpu.dma_semaphore, #tpu.memory_space<semaphore_mem>>
            %dma_start3A_145 = arith.constant 0 : i32
            %dma_start3A_146 = tpu.memref_slice %arg8[%mul3A_111, %dma_start3A_145] : memref<16x128xi32, #tpu.memory_space<vmem>> -> memref<1x128xi32, #tpu.memory_space<vmem>>
            %dma_start3A_147 = tpu.memref_squeeze %dma_start3A_146 : memref<1x128xi32, #tpu.memory_space<vmem>> -> memref<128xi32, #tpu.memory_space<vmem>>
            %dma_start3A_148 = arith.constant 0 : i32
            %dma_start3A_149 = arith.constant 0 : i32
            %dma_start3A_150 = tpu.memref_slice %arg11[%dma_start3A_148, %dma_start3A_149] : memref<10112x128xf32, #tpu.memory_space<vmem_shared>> -> memref<10112x128xf32, #tpu.memory_space<vmem_shared>>
            tpu.enqueue_indirect_dma source(%arg9 : memref<128x128xf32, #tpu.memory_space<vmem>>) target(%dma_start3A_150 : memref<10112x128xf32, #tpu.memory_space<vmem_shared>>) offsets(%dma_start3A_147 : memref<128xi32, #tpu.memory_space<vmem>>) semaphore(%run_scoped3A_144 : memref<!tpu.dma_semaphore, #tpu.memory_space<semaphore_mem>>) {add = true}
            %dma_wait3A_151 = arith.constant 0 : i32
            %dma_wait3A_152 = tpu.memref_slice %arg8[%mul3A_111, %dma_wait3A_151] : memref<16x128xi32, #tpu.memory_space<vmem>> -> memref<1x128xi32, #tpu.memory_space<vmem>>
            %dma_wait3A_153 = tpu.memref_squeeze %dma_wait3A_152 : memref<1x128xi32, #tpu.memory_space<vmem>> -> memref<128xi32, #tpu.memory_space<vmem>>
            %dma_wait3A_154 = arith.constant 0 : i32
            %dma_wait3A_155 = arith.constant 0 : i32
            %dma_wait3A_156 = tpu.memref_slice %arg11[%dma_wait3A_154, %dma_wait3A_155] : memref<10112x128xf32, #tpu.memory_space<vmem_shared>> -> memref<10112x128xf32, #tpu.memory_space<vmem_shared>>
            tpu.wait_indirect_dma semaphore(%run_scoped3A_144 : memref<!tpu.dma_semaphore, #tpu.memory_space<semaphore_mem>>) src(%arg9 : memref<128x128xf32, #tpu.memory_space<vmem>>) dst(%dma_wait3A_156 : memref<10112x128xf32, #tpu.memory_space<vmem_shared>>)
            tpu.yield
          }) : () -> ()
          %add3A_119 = arith.constant 2 : i32
          %add3A_120 = arith.addi %mul3A_111, %add3A_119 : i32
          %dma_start3A_121 = arith.constant 0 : i32
          %dma_start3A_122 = tpu.memref_slice %arg7[%add3A_120, %dma_start3A_121] : memref<16x128xi32, #tpu.memory_space<vmem>> -> memref<1x128xi32, #tpu.memory_space<vmem>>
          %dma_start3A_123 = tpu.memref_squeeze %dma_start3A_122 : memref<1x128xi32, #tpu.memory_space<vmem>> -> memref<128xi32, #tpu.memory_space<vmem>>
          %dma_start3A_124 = arith.constant 0 : i32
          %dma_start3A_125 = arith.constant 0 : i32
          %dma_start3A_126 = tpu.memref_slice %arg2[%dma_start3A_124, %dma_start3A_125] : memref<10000x128xf32, #tpu.memory_space<hbm>> -> memref<10000x128xf32, #tpu.memory_space<hbm>>
          tpu.enqueue_indirect_dma source(%dma_start3A_126 : memref<10000x128xf32, #tpu.memory_space<hbm>>) target(%arg9 : memref<128x128xf32, #tpu.memory_space<vmem>>) offsets(%dma_start3A_123 : memref<128xi32, #tpu.memory_space<vmem>>) semaphore(%arg12 : memref<!tpu.dma_semaphore, #tpu.memory_space<semaphore_mem>>)
          %add3A_127 = arith.constant 1 : i32
          %add3A_128 = arith.addi %mul3A_111, %add3A_127 : i32
          %dma_wait3A_129 = arith.constant 0 : i32
          %dma_wait3A_130 = arith.constant 0 : i32
          %dma_wait3A_131 = tpu.memref_slice %arg6[%dma_wait3A_129, %dma_wait3A_130] : memref<16x128xi32, #tpu.memory_space<vmem>> -> memref<1x128xi32, #tpu.memory_space<vmem>>
          %dma_wait3A_132 = tpu.memref_squeeze %dma_wait3A_131 : memref<1x128xi32, #tpu.memory_space<vmem>> -> memref<128xi32, #tpu.memory_space<vmem>>
          %dma_wait3A_133 = arith.constant 0 : i32
          %dma_wait3A_134 = arith.constant 0 : i32
          %dma_wait3A_135 = tpu.memref_slice %arg2[%dma_wait3A_133, %dma_wait3A_134] : memref<10000x128xf32, #tpu.memory_space<hbm>> -> memref<10000x128xf32, #tpu.memory_space<hbm>>
          tpu.wait_indirect_dma semaphore(%arg13 : memref<!tpu.dma_semaphore, #tpu.memory_space<semaphore_mem>>) src(%dma_wait3A_135 : memref<10000x128xf32, #tpu.memory_space<hbm>>) dst(%arg10 : memref<128x128xf32, #tpu.memory_space<vmem>>)
          "tpu.region"() ({
            %run_scoped3A_144 = tpu.sem_alloc : memref<!tpu.dma_semaphore, #tpu.memory_space<semaphore_mem>>
            %dma_start3A_145 = arith.constant 0 : i32
            %dma_start3A_146 = tpu.memref_slice %arg8[%add3A_128, %dma_start3A_145] : memref<16x128xi32, #tpu.memory_space<vmem>> -> memref<1x128xi32, #tpu.memory_space<vmem>>
            %dma_start3A_147 = tpu.memref_squeeze %dma_start3A_146 : memref<1x128xi32, #tpu.memory_space<vmem>> -> memref<128xi32, #tpu.memory_space<vmem>>
            %dma_start3A_148 = arith.constant 0 : i32
            %dma_start3A_149 = arith.constant 0 : i32
            %dma_start3A_150 = tpu.memref_slice %arg11[%dma_start3A_148, %dma_start3A_149] : memref<10112x128xf32, #tpu.memory_space<vmem_shared>> -> memref<10112x128xf32, #tpu.memory_space<vmem_shared>>
            tpu.enqueue_indirect_dma source(%arg10 : memref<128x128xf32, #tpu.memory_space<vmem>>) target(%dma_start3A_150 : memref<10112x128xf32, #tpu.memory_space<vmem_shared>>) offsets(%dma_start3A_147 : memref<128xi32, #tpu.memory_space<vmem>>) semaphore(%run_scoped3A_144 : memref<!tpu.dma_semaphore, #tpu.memory_space<semaphore_mem>>) {add = true}
            %dma_wait3A_151 = arith.constant 0 : i32
            %dma_wait3A_152 = tpu.memref_slice %arg8[%add3A_128, %dma_wait3A_151] : memref<16x128xi32, #tpu.memory_space<vmem>> -> memref<1x128xi32, #tpu.memory_space<vmem>>
            %dma_wait3A_153 = tpu.memref_squeeze %dma_wait3A_152 : memref<1x128xi32, #tpu.memory_space<vmem>> -> memref<128xi32, #tpu.memory_space<vmem>>
            %dma_wait3A_154 = arith.constant 0 : i32
            %dma_wait3A_155 = arith.constant 0 : i32
            %dma_wait3A_156 = tpu.memref_slice %arg11[%dma_wait3A_154, %dma_wait3A_155] : memref<10112x128xf32, #tpu.memory_space<vmem_shared>> -> memref<10112x128xf32, #tpu.memory_space<vmem_shared>>
            tpu.wait_indirect_dma semaphore(%run_scoped3A_144 : memref<!tpu.dma_semaphore, #tpu.memory_space<semaphore_mem>>) src(%arg10 : memref<128x128xf32, #tpu.memory_space<vmem>>) dst(%dma_wait3A_156 : memref<10112x128xf32, #tpu.memory_space<vmem_shared>>)
            tpu.yield
          }) : () -> ()
          %add3A_136 = arith.constant 3 : i32
          %add3A_137 = arith.addi %mul3A_111, %add3A_136 : i32
          %dma_start3A_138 = arith.constant 0 : i32
          %dma_start3A_139 = tpu.memref_slice %arg7[%add3A_137, %dma_start3A_138] : memref<16x128xi32, #tpu.memory_space<vmem>> -> memref<1x128xi32, #tpu.memory_space<vmem>>
          %dma_start3A_140 = tpu.memref_squeeze %dma_start3A_139 : memref<1x128xi32, #tpu.memory_space<vmem>> -> memref<128xi32, #tpu.memory_space<vmem>>
          %dma_start3A_141 = arith.constant 0 : i32
          %dma_start3A_142 = arith.constant 0 : i32
          %dma_start3A_143 = tpu.memref_slice %arg2[%dma_start3A_141, %dma_start3A_142] : memref<10000x128xf32, #tpu.memory_space<hbm>> -> memref<10000x128xf32, #tpu.memory_space<hbm>>
          tpu.enqueue_indirect_dma source(%dma_start3A_143 : memref<10000x128xf32, #tpu.memory_space<hbm>>) target(%arg10 : memref<128x128xf32, #tpu.memory_space<vmem>>) offsets(%dma_start3A_140 : memref<128xi32, #tpu.memory_space<vmem>>) semaphore(%arg13 : memref<!tpu.dma_semaphore, #tpu.memory_space<semaphore_mem>>)
        }
        %scan3A_78 = arith.constant 7 : i32
        %dma_wait3A_79 = arith.constant 0 : i32
        %dma_wait3A_80 = arith.constant 0 : i32
        %dma_wait3A_81 = tpu.memref_slice %arg6[%dma_wait3A_79, %dma_wait3A_80] : memref<16x128xi32, #tpu.memory_space<vmem>> -> memref<1x128xi32, #tpu.memory_space<vmem>>
        %dma_wait3A_82 = tpu.memref_squeeze %dma_wait3A_81 : memref<1x128xi32, #tpu.memory_space<vmem>> -> memref<128xi32, #tpu.memory_space<vmem>>
        %dma_wait3A_83 = arith.constant 0 : i32
        %dma_wait3A_84 = arith.constant 0 : i32
        %dma_wait3A_85 = tpu.memref_slice %arg2[%dma_wait3A_83, %dma_wait3A_84] : memref<10000x128xf32, #tpu.memory_space<hbm>> -> memref<10000x128xf32, #tpu.memory_space<hbm>>
        tpu.wait_indirect_dma semaphore(%arg12 : memref<!tpu.dma_semaphore, #tpu.memory_space<semaphore_mem>>) src(%dma_wait3A_85 : memref<10000x128xf32, #tpu.memory_space<hbm>>) dst(%arg9 : memref<128x128xf32, #tpu.memory_space<vmem>>)
        %run_scoped3A_86 = arith.constant 14 : i32
        "tpu.region"() ({
          %run_scoped3A_109 = tpu.sem_alloc : memref<!tpu.dma_semaphore, #tpu.memory_space<semaphore_mem>>
          %dma_start3A_110 = arith.constant 0 : i32
          %dma_start3A_111 = tpu.memref_slice %arg8[%run_scoped3A_86, %dma_start3A_110] : memref<16x128xi32, #tpu.memory_space<vmem>> -> memref<1x128xi32, #tpu.memory_space<vmem>>
          %dma_start3A_112 = tpu.memref_squeeze %dma_start3A_111 : memref<1x128xi32, #tpu.memory_space<vmem>> -> memref<128xi32, #tpu.memory_space<vmem>>
          %dma_start3A_113 = arith.constant 0 : i32
          %dma_start3A_114 = arith.constant 0 : i32
          %dma_start3A_115 = tpu.memref_slice %arg11[%dma_start3A_113, %dma_start3A_114] : memref<10112x128xf32, #tpu.memory_space<vmem_shared>> -> memref<10112x128xf32, #tpu.memory_space<vmem_shared>>
          tpu.enqueue_indirect_dma source(%arg9 : memref<128x128xf32, #tpu.memory_space<vmem>>) target(%dma_start3A_115 : memref<10112x128xf32, #tpu.memory_space<vmem_shared>>) offsets(%dma_start3A_112 : memref<128xi32, #tpu.memory_space<vmem>>) semaphore(%run_scoped3A_109 : memref<!tpu.dma_semaphore, #tpu.memory_space<semaphore_mem>>) {add = true}
          %dma_wait3A_116 = arith.constant 0 : i32
          %dma_wait3A_117 = tpu.memref_slice %arg8[%run_scoped3A_86, %dma_wait3A_116] : memref<16x128xi32, #tpu.memory_space<vmem>> -> memref<1x128xi32, #tpu.memory_space<vmem>>
          %dma_wait3A_118 = tpu.memref_squeeze %dma_wait3A_117 : memref<1x128xi32, #tpu.memory_space<vmem>> -> memref<128xi32, #tpu.memory_space<vmem>>
          %dma_wait3A_119 = arith.constant 0 : i32
          %dma_wait3A_120 = arith.constant 0 : i32
          %dma_wait3A_121 = tpu.memref_slice %arg11[%dma_wait3A_119, %dma_wait3A_120] : memref<10112x128xf32, #tpu.memory_space<vmem_shared>> -> memref<10112x128xf32, #tpu.memory_space<vmem_shared>>
          tpu.wait_indirect_dma semaphore(%run_scoped3A_109 : memref<!tpu.dma_semaphore, #tpu.memory_space<semaphore_mem>>) src(%arg9 : memref<128x128xf32, #tpu.memory_space<vmem>>) dst(%dma_wait3A_121 : memref<10112x128xf32, #tpu.memory_space<vmem_shared>>)
          tpu.yield
        }) : () -> ()
        %add3A_87 = arith.constant 1 : i32
        %add3A_88 = arith.addi %scan3A_30, %add3A_87 : i32
        %lt3A_89 = arith.constant 5 : i32
        %lt3A_90 = arith.cmpi slt, %add3A_88, %lt3A_89 : i32
        %convert_element_type3A_91 = arith.extui %lt3A_90 : i1 to i32
        %cond3A_92 = arith.constant 0 : i32
        %cond3A_93 = arith.cmpi ne, %convert_element_type3A_91, %cond3A_92 : i32
        scf.if %cond3A_93 {
          %dma_start3A_109 = arith.constant 0 : i32
          %dma_start3A_110 = arith.constant 0 : i32
          %dma_start3A_111 = tpu.memref_slice %arg6[%dma_start3A_109, %dma_start3A_110] : memref<16x128xi32, #tpu.memory_space<vmem>> -> memref<1x128xi32, #tpu.memory_space<vmem>>
          %dma_start3A_112 = tpu.memref_squeeze %dma_start3A_111 : memref<1x128xi32, #tpu.memory_space<vmem>> -> memref<128xi32, #tpu.memory_space<vmem>>
          %dma_start3A_113 = arith.constant 0 : i32
          %dma_start3A_114 = arith.constant 0 : i32
          %dma_start3A_115 = tpu.memref_slice %arg2[%dma_start3A_113, %dma_start3A_114] : memref<10000x128xf32, #tpu.memory_space<hbm>> -> memref<10000x128xf32, #tpu.memory_space<hbm>>
          tpu.enqueue_indirect_dma source(%dma_start3A_115 : memref<10000x128xf32, #tpu.memory_space<hbm>>) target(%arg9 : memref<128x128xf32, #tpu.memory_space<vmem>>) offsets(%dma_start3A_112 : memref<128xi32, #tpu.memory_space<vmem>>) semaphore(%arg12 : memref<!tpu.dma_semaphore, #tpu.memory_space<semaphore_mem>>)
        } else {
        }
        %dma_wait3A_94 = arith.constant 0 : i32
        %dma_wait3A_95 = arith.constant 0 : i32
        %dma_wait3A_96 = tpu.memref_slice %arg6[%dma_wait3A_94, %dma_wait3A_95] : memref<16x128xi32, #tpu.memory_space<vmem>> -> memref<1x128xi32, #tpu.memory_space<vmem>>
        %dma_wait3A_97 = tpu.memref_squeeze %dma_wait3A_96 : memref<1x128xi32, #tpu.memory_space<vmem>> -> memref<128xi32, #tpu.memory_space<vmem>>
        %dma_wait3A_98 = arith.constant 0 : i32
        %dma_wait3A_99 = arith.constant 0 : i32
        %dma_wait3A_100 = tpu.memref_slice %arg2[%dma_wait3A_98, %dma_wait3A_99] : memref<10000x128xf32, #tpu.memory_space<hbm>> -> memref<10000x128xf32, #tpu.memory_space<hbm>>
        tpu.wait_indirect_dma semaphore(%arg13 : memref<!tpu.dma_semaphore, #tpu.memory_space<semaphore_mem>>) src(%dma_wait3A_100 : memref<10000x128xf32, #tpu.memory_space<hbm>>) dst(%arg10 : memref<128x128xf32, #tpu.memory_space<vmem>>)
        %run_scoped3A_101 = arith.constant 15 : i32
        "tpu.region"() ({
          %run_scoped3A_109 = tpu.sem_alloc : memref<!tpu.dma_semaphore, #tpu.memory_space<semaphore_mem>>
          %dma_start3A_110 = arith.constant 0 : i32
          %dma_start3A_111 = tpu.memref_slice %arg8[%run_scoped3A_101, %dma_start3A_110] : memref<16x128xi32, #tpu.memory_space<vmem>> -> memref<1x128xi32, #tpu.memory_space<vmem>>
          %dma_start3A_112 = tpu.memref_squeeze %dma_start3A_111 : memref<1x128xi32, #tpu.memory_space<vmem>> -> memref<128xi32, #tpu.memory_space<vmem>>
          %dma_start3A_113 = arith.constant 0 : i32
          %dma_start3A_114 = arith.constant 0 : i32
          %dma_start3A_115 = tpu.memref_slice %arg11[%dma_start3A_113, %dma_start3A_114] : memref<10112x128xf32, #tpu.memory_space<vmem_shared>> -> memref<10112x128xf32, #tpu.memory_space<vmem_shared>>
          tpu.enqueue_indirect_dma source(%arg10 : memref<128x128xf32, #tpu.memory_space<vmem>>) target(%dma_start3A_115 : memref<10112x128xf32, #tpu.memory_space<vmem_shared>>) offsets(%dma_start3A_112 : memref<128xi32, #tpu.memory_space<vmem>>) semaphore(%run_scoped3A_109 : memref<!tpu.dma_semaphore, #tpu.memory_space<semaphore_mem>>) {add = true}
          %dma_wait3A_116 = arith.constant 0 : i32
          %dma_wait3A_117 = tpu.memref_slice %arg8[%run_scoped3A_101, %dma_wait3A_116] : memref<16x128xi32, #tpu.memory_space<vmem>> -> memref<1x128xi32, #tpu.memory_space<vmem>>
          %dma_wait3A_118 = tpu.memref_squeeze %dma_wait3A_117 : memref<1x128xi32, #tpu.memory_space<vmem>> -> memref<128xi32, #tpu.memory_space<vmem>>
          %dma_wait3A_119 = arith.constant 0 : i32
          %dma_wait3A_120 = arith.constant 0 : i32
          %dma_wait3A_121 = tpu.memref_slice %arg11[%dma_wait3A_119, %dma_wait3A_120] : memref<10112x128xf32, #tpu.memory_space<vmem_shared>> -> memref<10112x128xf32, #tpu.memory_space<vmem_shared>>
          tpu.wait_indirect_dma semaphore(%run_scoped3A_109 : memref<!tpu.dma_semaphore, #tpu.memory_space<semaphore_mem>>) src(%arg10 : memref<128x128xf32, #tpu.memory_space<vmem>>) dst(%dma_wait3A_121 : memref<10112x128xf32, #tpu.memory_space<vmem_shared>>)
          tpu.yield
        }) : () -> ()
        %add3A_102 = arith.constant 1 : i32
        %add3A_103 = arith.addi %scan3A_30, %add3A_102 : i32
        %lt3A_104 = arith.constant 5 : i32
        %lt3A_105 = arith.cmpi slt, %add3A_103, %lt3A_104 : i32
        %convert_element_type3A_106 = arith.extui %lt3A_105 : i1 to i32
        %cond3A_107 = arith.constant 0 : i32
        %cond3A_108 = arith.cmpi ne, %convert_element_type3A_106, %cond3A_107 : i32
        scf.if %cond3A_108 {
          %dma_start3A_109 = arith.constant 1 : i32
          %dma_start3A_110 = arith.constant 0 : i32
          %dma_start3A_111 = tpu.memref_slice %arg6[%dma_start3A_109, %dma_start3A_110] : memref<16x128xi32, #tpu.memory_space<vmem>> -> memref<1x128xi32, #tpu.memory_space<vmem>>
          %dma_start3A_112 = tpu.memref_squeeze %dma_start3A_111 : memref<1x128xi32, #tpu.memory_space<vmem>> -> memref<128xi32, #tpu.memory_space<vmem>>
          %dma_start3A_113 = arith.constant 0 : i32
          %dma_start3A_114 = arith.constant 0 : i32
          %dma_start3A_115 = tpu.memref_slice %arg2[%dma_start3A_113, %dma_start3A_114] : memref<10000x128xf32, #tpu.memory_space<hbm>> -> memref<10000x128xf32, #tpu.memory_space<hbm>>
          tpu.enqueue_indirect_dma source(%dma_start3A_115 : memref<10000x128xf32, #tpu.memory_space<hbm>>) target(%arg10 : memref<128x128xf32, #tpu.memory_space<vmem>>) offsets(%dma_start3A_112 : memref<128xi32, #tpu.memory_space<vmem>>) semaphore(%arg13 : memref<!tpu.dma_semaphore, #tpu.memory_space<semaphore_mem>>)
        } else {
        }
      }
      %scan3A_29 = arith.constant 5 : i32
    } else {
    }
    %barrier3A_7 = arith.constant 0 : index
    tpu.barrier barrier_id(%barrier3A_7)
    %eq3A_8 = arith.constant 0 : i32
    %eq3A_9 = arith.cmpi eq, %arg0, %eq3A_8 : i32
    %convert_element_type3A_10 = arith.extui %eq3A_9 : i1 to i32
    %cond3A_11 = arith.constant 0 : i32
    %cond3A_12 = arith.cmpi ne, %convert_element_type3A_10, %cond3A_11 : i32
    scf.if %cond3A_12 {
      %mul3A = arith.constant 632 : i32
      %mul3A_13 = arith.muli %arg1, %mul3A : i32
      %mul3A_14 = arith.constant 632 : i32
      %mul3A_15 = arith.muli %arg1, %mul3A_14 : i32
      "tpu.region"() ({
        %run_scoped3A = tpu.sem_alloc : memref<!tpu.dma_semaphore, #tpu.memory_space<semaphore_mem>>
        %dma_start3A = arith.constant 0 : i32
        %dma_start3A_16 = tpu.memref_slice %arg5[%mul3A_15, %dma_start3A] : memref<10112x128xf32, #tpu.memory_space<hbm>> -> memref<632x128xf32, #tpu.memory_space<hbm>>
        %dma_start3A_17 = arith.constant 0 : i32
        %dma_start3A_18 = tpu.memref_slice %arg11[%mul3A_13, %dma_start3A_17] : memref<10112x128xf32, #tpu.memory_space<vmem_shared>> -> memref<632x128xf32, #tpu.memory_space<vmem_shared>>
        tpu.enqueue_dma source(%dma_start3A_18 : memref<632x128xf32, #tpu.memory_space<vmem_shared>>) target(%dma_start3A_16 : memref<632x128xf32, #tpu.memory_space<hbm>>) target_semaphore(%run_scoped3A : memref<!tpu.dma_semaphore, #tpu.memory_space<semaphore_mem>>)
        %dma_wait3A = arith.constant 0 : i32
        %dma_wait3A_19 = tpu.memref_slice %arg5[%mul3A_15, %dma_wait3A] : memref<10112x128xf32, #tpu.memory_space<hbm>> -> memref<632x128xf32, #tpu.memory_space<hbm>>
        %dma_wait3A_20 = arith.constant 0 : i32
        %dma_wait3A_21 = tpu.memref_slice %arg11[%mul3A_13, %dma_wait3A_20] : memref<10112x128xf32, #tpu.memory_space<vmem_shared>> -> memref<632x128xf32, #tpu.memory_space<vmem_shared>>
        tpu.wait_dma2 semaphore(%run_scoped3A : memref<!tpu.dma_semaphore, #tpu.memory_space<semaphore_mem>>) src(%dma_wait3A_21 : memref<632x128xf32, #tpu.memory_space<vmem_shared>>) dst(%dma_wait3A_19 : memref<632x128xf32, #tpu.memory_space<hbm>>)
        tpu.yield
      }) : () -> ()
    } else {
    }
    return
  }
}

#map = affine_map<(d0, d1) -> (0, 0)>
#map1 = affine_map<(d0, d1) -> (0, 0, 0)>
module attributes {stable_mosaic.version = 14 : i64} {
  func.func @_spmm_body(%arg0: i32, %arg1: i32, %arg2: memref<10000x128xf32, #tpu.memory_space<hbm>>, %arg3: memref<16x160x128xi32, #tpu.memory_space<hbm>>, %arg4: memref<16x160x128xi32, #tpu.memory_space<hbm>>, %arg5: memref<10112x128xf32, #tpu.memory_space<hbm>>, %arg6: memref<16x128xi32, #tpu.memory_space<vmem>>, %arg7: memref<16x128xi32, #tpu.memory_space<vmem>>, %arg8: memref<16x128xi32, #tpu.memory_space<vmem>>, %arg9: memref<128x128xf32, #tpu.memory_space<vmem>>, %arg10: memref<128x128xf32, #tpu.memory_space<vmem>>, %arg11: memref<10112x128xf32, #tpu.memory_space<vmem_shared>>, %arg12: memref<!tpu.dma_semaphore, #tpu.memory_space<semaphore_mem>>, %arg13: memref<!tpu.dma_semaphore, #tpu.memory_space<semaphore_mem>>) attributes {dimension_semantics = [#tpu.dimension_semantics<core_parallel>, #tpu.dimension_semantics<subcore_parallel>], iteration_bounds = array<i64: 2, 16>, scalar_prefetch = 0 : i64, scratch_operands = 8 : i64, tpu.core_type = #tpu.core_type<sc_vector_subcore>, window_params = [{transform_indices = #map}, {transform_indices = #map1}, {transform_indices = #map1}, {transform_indices = #map}]} {
    %eq3A = arith.constant 0 : i32
    %eq3A_0 = arith.cmpi eq, %arg0, %eq3A : i32
    %convert_element_type3A = arith.extui %eq3A_0 : i1 to i32
    %cond3A = arith.constant 0 : i32
    %cond3A_1 = arith.cmpi ne, %convert_element_type3A, %cond3A : i32
    scf.if %cond3A_1 {
      %broadcast_in_dim3A = arith.constant 0.000000e+00 : f32
      %broadcast_in_dim3A_13 = vector.broadcast %broadcast_in_dim3A : f32 to vector<16xf32>
      %scan3A = arith.constant 0 : i32
      %scan3A_14 = arith.constant 1024 : i32
      %scan3A_15 = arith.addi %scan3A, %scan3A_14 : i32
      %scan3A_16 = arith.constant 1 : i32
      scf.for %scan3A_25 = %scan3A to %scan3A_15 step %scan3A_16  : i32 {
        %jit3A = arith.constant 8 : i32
        %div3A = arith.divsi %scan3A_25, %jit3A : i32
        %sign3A = arith.constant 0 : i32
        %sign3A_26 = arith.cmpi sgt, %scan3A_25, %sign3A : i32
        %sign3A_27 = arith.extui %sign3A_26 : i1 to i32
        %sign3A_28 = arith.constant 0 : i32
        %sign3A_29 = arith.cmpi slt, %scan3A_25, %sign3A_28 : i32
        %sign3A_30 = arith.extui %sign3A_29 : i1 to i32
        %sign3A_31 = arith.subi %sign3A_27, %sign3A_30 : i32
        %sign3A_32 = arith.constant 0 : i32
        %sign3A_33 = arith.cmpi sgt, %jit3A, %sign3A_32 : i32
        %sign3A_34 = arith.extui %sign3A_33 : i1 to i32
        %sign3A_35 = arith.constant 0 : i32
        %sign3A_36 = arith.cmpi slt, %jit3A, %sign3A_35 : i32
        %sign3A_37 = arith.extui %sign3A_36 : i1 to i32
        %sign3A_38 = arith.subi %sign3A_34, %sign3A_37 : i32
        %ne3A = arith.cmpi ne, %sign3A_31, %sign3A_38 : i32
        %rem3A = arith.remsi %scan3A_25, %jit3A : i32
        %ne3A_39 = arith.constant 0 : i32
        %ne3A_40 = arith.cmpi ne, %rem3A, %ne3A_39 : i32
        %and3A = arith.andi %ne3A, %ne3A_40 : i1
        %sub3A = arith.constant 1 : i32
        %sub3A_41 = arith.subi %div3A, %sub3A : i32
        %select_n3A = arith.select %and3A, %sub3A_41, %div3A : i32
        %jit3A_42 = arith.constant 8 : i32
        %eq3A_43 = arith.constant 0 : i32
        %eq3A_44 = arith.cmpi eq, %jit3A_42, %eq3A_43 : i32
        %jit3A_45 = arith.constant 1 : i32
        %select_n3A_46 = arith.select %eq3A_44, %jit3A_45, %jit3A_42 : i32
        %rem3A_47 = arith.remsi %scan3A_25, %select_n3A_46 : i32
        %ne3A_48 = arith.constant 0 : i32
        %ne3A_49 = arith.cmpi ne, %rem3A_47, %ne3A_48 : i32
        %lt3A = arith.constant 0 : i32
        %lt3A_50 = arith.cmpi slt, %rem3A_47, %lt3A : i32
        %lt3A_51 = arith.constant 0 : i32
        %lt3A_52 = arith.cmpi slt, %select_n3A_46, %lt3A_51 : i32
        %ne3A_53 = arith.xori %lt3A_50, %lt3A_52 : i1
        %and3A_54 = arith.andi %ne3A_53, %ne3A_49 : i1
        %add3A_55 = arith.addi %rem3A_47, %select_n3A_46 : i32
        %select_n3A_56 = arith.select %and3A_54, %add3A_55, %rem3A_47 : i32
        %mul3A_57 = arith.constant 16 : i32
        %mul3A_58 = arith.muli %select_n3A_56, %mul3A_57 : i32
        %swap3A = arith.index_cast %select_n3A : i32 to index
        %swap3A_59 = arith.index_cast %mul3A_58 : i32 to index
        %swap3A_60 = tpu.vector_load %arg9[%swap3A, %swap3A_59] {strides = array<i32>} : memref<128x128xf32, #tpu.memory_space<vmem>>, vector<1x16xf32>,
        %swap3A_61 = vector.shape_cast %swap3A_60 : vector<1x16xf32> to vector<16xf32>
        %swap3A_62 = vector.shape_cast %broadcast_in_dim3A_13 : vector<16xf32> to vector<1x16xf32>
        tpu.vector_store %arg9[%swap3A, %swap3A_59], %swap3A_62 {strides = array<i32>} : memref<128x128xf32, #tpu.memory_space<vmem>>, vector<1x16xf32>,
      }
      %scan3A_17 = arith.constant 1024 : i32
      %scan3A_18 = arith.constant 0 : i32
      %scan3A_19 = arith.constant 4 : i32
      %scan3A_20 = arith.addi %scan3A_18, %scan3A_19 : i32
      %scan3A_21 = arith.constant 1 : i32
      scf.for %scan3A_25 = %scan3A_18 to %scan3A_20 step %scan3A_21  : i32 {
        %mul3A_26 = arith.constant 632 : i32
        %mul3A_27 = arith.muli %arg1, %mul3A_26 : i32
        %mul3A_28 = arith.constant 128 : i32
        %mul3A_29 = arith.muli %scan3A_25, %mul3A_28 : i32
        %add3A_30 = arith.addi %mul3A_27, %mul3A_29 : i32
        "tpu.region"() ({
          %run_scoped3A = tpu.sem_alloc : memref<!tpu.dma_semaphore, #tpu.memory_space<semaphore_mem>>
          %dma_start3A = arith.constant 0 : i32
          %dma_start3A_31 = tpu.memref_slice %arg11[%add3A_30, %dma_start3A] : memref<10112x128xf32, #tpu.memory_space<vmem_shared>> -> memref<128x128xf32, #tpu.memory_space<vmem_shared>>
          %dma_start3A_32 = arith.constant 0 : i32
          %dma_start3A_33 = tpu.memref_slice %arg11[%add3A_30, %dma_start3A_32] : memref<10112x128xf32, #tpu.memory_space<vmem_shared>> -> memref<128x128xf32, #tpu.memory_space<vmem_shared>>
          tpu.enqueue_dma source(%arg9 : memref<128x128xf32, #tpu.memory_space<vmem>>) target(%dma_start3A_33 : memref<128x128xf32, #tpu.memory_space<vmem_shared>>) target_semaphore(%run_scoped3A : memref<!tpu.dma_semaphore, #tpu.memory_space<semaphore_mem>>)
          %dma_wait3A = arith.constant 0 : i32
          %dma_wait3A_34 = tpu.memref_slice %arg11[%add3A_30, %dma_wait3A] : memref<10112x128xf32, #tpu.memory_space<vmem_shared>> -> memref<128x128xf32, #tpu.memory_space<vmem_shared>>
          %dma_wait3A_35 = arith.constant 0 : i32
          %dma_wait3A_36 = tpu.memref_slice %arg11[%add3A_30, %dma_wait3A_35] : memref<10112x128xf32, #tpu.memory_space<vmem_shared>> -> memref<128x128xf32, #tpu.memory_space<vmem_shared>>
          tpu.wait_dma2 semaphore(%run_scoped3A : memref<!tpu.dma_semaphore, #tpu.memory_space<semaphore_mem>>) src(%arg9 : memref<128x128xf32, #tpu.memory_space<vmem>>) dst(%dma_wait3A_36 : memref<128x128xf32, #tpu.memory_space<vmem_shared>>)
          tpu.yield
        }) : () -> ()
      }
      %scan3A_22 = arith.constant 4 : i32
      %mul3A = arith.constant 632 : i32
      %mul3A_23 = arith.muli %arg1, %mul3A : i32
      %add3A = arith.constant 512 : i32
      %add3A_24 = arith.addi %mul3A_23, %add3A : i32
      "tpu.region"() ({
        %run_scoped3A = tpu.sem_alloc : memref<!tpu.dma_semaphore, #tpu.memory_space<semaphore_mem>>
        %dma_start3A = arith.constant 0 : i32
        %dma_start3A_25 = arith.constant 0 : i32
        %dma_start3A_26 = tpu.memref_slice %arg9[%dma_start3A, %dma_start3A_25] : memref<128x128xf32, #tpu.memory_space<vmem>> -> memref<120x128xf32, #tpu.memory_space<vmem>>
        %dma_start3A_27 = arith.constant 0 : i32
        %dma_start3A_28 = tpu.memref_slice %arg11[%add3A_24, %dma_start3A_27] : memref<10112x128xf32, #tpu.memory_space<vmem_shared>> -> memref<120x128xf32, #tpu.memory_space<vmem_shared>>
        %dma_start3A_29 = arith.constant 0 : i32
        %dma_start3A_30 = tpu.memref_slice %arg11[%add3A_24, %dma_start3A_29] : memref<10112x128xf32, #tpu.memory_space<vmem_shared>> -> memref<120x128xf32, #tpu.memory_space<vmem_shared>>
        %dma_start3A_31 = arith.constant 0 : i32
        %dma_start3A_32 = arith.constant 0 : i32
        %dma_start3A_33 = tpu.memref_slice %arg9[%dma_start3A_31, %dma_start3A_32] : memref<128x128xf32, #tpu.memory_space<vmem>> -> memref<120x128xf32, #tpu.memory_space<vmem>>
        tpu.enqueue_dma source(%dma_start3A_33 : memref<120x128xf32, #tpu.memory_space<vmem>>) target(%dma_start3A_30 : memref<120x128xf32, #tpu.memory_space<vmem_shared>>) target_semaphore(%run_scoped3A : memref<!tpu.dma_semaphore, #tpu.memory_space<semaphore_mem>>)
        %dma_wait3A = arith.constant 0 : i32
        %dma_wait3A_34 = arith.constant 0 : i32
        %dma_wait3A_35 = tpu.memref_slice %arg9[%dma_wait3A, %dma_wait3A_34] : memref<128x128xf32, #tpu.memory_space<vmem>> -> memref<120x128xf32, #tpu.memory_space<vmem>>
        %dma_wait3A_36 = arith.constant 0 : i32
        %dma_wait3A_37 = tpu.memref_slice %arg11[%add3A_24, %dma_wait3A_36] : memref<10112x128xf32, #tpu.memory_space<vmem_shared>> -> memref<120x128xf32, #tpu.memory_space<vmem_shared>>
        %dma_wait3A_38 = arith.constant 0 : i32
        %dma_wait3A_39 = tpu.memref_slice %arg11[%add3A_24, %dma_wait3A_38] : memref<10112x128xf32, #tpu.memory_space<vmem_shared>> -> memref<120x128xf32, #tpu.memory_space<vmem_shared>>
        %dma_wait3A_40 = arith.constant 0 : i32
        %dma_wait3A_41 = arith.constant 0 : i32
        %dma_wait3A_42 = tpu.memref_slice %arg9[%dma_wait3A_40, %dma_wait3A_41] : memref<128x128xf32, #tpu.memory_space<vmem>> -> memref<120x128xf32, #tpu.memory_space<vmem>>
        tpu.wait_dma2 semaphore(%run_scoped3A : memref<!tpu.dma_semaphore, #tpu.memory_space<semaphore_mem>>) src(%dma_wait3A_42 : memref<120x128xf32, #tpu.memory_space<vmem>>) dst(%dma_wait3A_39 : memref<120x128xf32, #tpu.memory_space<vmem_shared>>)
        tpu.yield
      }) : () -> ()
    } else {
    }
    %barrier3A = arith.constant 0 : index
    tpu.barrier barrier_id(%barrier3A)
    %eq3A_2 = arith.constant 0 : i32
    %eq3A_3 = arith.cmpi eq, %arg0, %eq3A_2 : i32
    %convert_element_type3A_4 = arith.extui %eq3A_3 : i1 to i32
    %cond3A_5 = arith.constant 0 : i32
    %cond3A_6 = arith.cmpi ne, %convert_element_type3A_4, %cond3A_5 : i32
    scf.if %cond3A_6 {
      "tpu.region"() ({
        %run_scoped3A = tpu.sem_alloc : memref<!tpu.dma_semaphore, #tpu.memory_space<semaphore_mem>>
        %dma_start3A_30 = arith.constant 0 : i32
        %dma_start3A_31 = arith.constant 0 : i32
        %dma_start3A_32 = tpu.memref_slice %arg3[%arg1, %dma_start3A_30, %dma_start3A_31] : memref<16x160x128xi32, #tpu.memory_space<hbm>> -> memref<1x16x128xi32, #tpu.memory_space<hbm>>
        %dma_start3A_33 = tpu.memref_squeeze %dma_start3A_32 : memref<1x16x128xi32, #tpu.memory_space<hbm>> -> memref<16x128xi32, #tpu.memory_space<hbm>>
        %dma_start3A_34 = arith.constant 0 : i32
        %dma_start3A_35 = arith.constant 0 : i32
        %dma_start3A_36 = tpu.memref_slice %arg3[%arg1, %dma_start3A_34, %dma_start3A_35] : memref<16x160x128xi32, #tpu.memory_space<hbm>> -> memref<1x16x128xi32, #tpu.memory_space<hbm>>
        %dma_start3A_37 = tpu.memref_squeeze %dma_start3A_36 : memref<1x16x128xi32, #tpu.memory_space<hbm>> -> memref<16x128xi32, #tpu.memory_space<hbm>>
        tpu.enqueue_dma source(%dma_start3A_37 : memref<16x128xi32, #tpu.memory_space<hbm>>) target(%arg6 : memref<16x128xi32, #tpu.memory_space<vmem>>) target_semaphore(%run_scoped3A : memref<!tpu.dma_semaphore, #tpu.memory_space<semaphore_mem>>)
        %dma_wait3A = arith.constant 0 : i32
        %dma_wait3A_38 = arith.constant 0 : i32
        %dma_wait3A_39 = tpu.memref_slice %arg3[%arg1, %dma_wait3A, %dma_wait3A_38] : memref<16x160x128xi32, #tpu.memory_space<hbm>> -> memref<1x16x128xi32, #tpu.memory_space<hbm>>
        %dma_wait3A_40 = tpu.memref_squeeze %dma_wait3A_39 : memref<1x16x128xi32, #tpu.memory_space<hbm>> -> memref<16x128xi32, #tpu.memory_space<hbm>>
        %dma_wait3A_41 = arith.constant 0 : i32
        %dma_wait3A_42 = arith.constant 0 : i32
        %dma_wait3A_43 = tpu.memref_slice %arg3[%arg1, %dma_wait3A_41, %dma_wait3A_42] : memref<16x160x128xi32, #tpu.memory_space<hbm>> -> memref<1x16x128xi32, #tpu.memory_space<hbm>>
        %dma_wait3A_44 = tpu.memref_squeeze %dma_wait3A_43 : memref<1x16x128xi32, #tpu.memory_space<hbm>> -> memref<16x128xi32, #tpu.memory_space<hbm>>
        tpu.wait_dma2 semaphore(%run_scoped3A : memref<!tpu.dma_semaphore, #tpu.memory_space<semaphore_mem>>) src(%dma_wait3A_44 : memref<16x128xi32, #tpu.memory_space<hbm>>) dst(%arg6 : memref<16x128xi32, #tpu.memory_space<vmem>>)
        tpu.yield
      }) : () -> ()
      %dma_start3A = arith.constant 0 : i32
      %dma_start3A_13 = arith.constant 0 : i32
      %dma_start3A_14 = tpu.memref_slice %arg6[%dma_start3A, %dma_start3A_13] : memref<16x128xi32, #tpu.memory_space<vmem>> -> memref<1x128xi32, #tpu.memory_space<vmem>>
      %dma_start3A_15 = tpu.memref_squeeze %dma_start3A_14 : memref<1x128xi32, #tpu.memory_space<vmem>> -> memref<128xi32, #tpu.memory_space<vmem>>
      %dma_start3A_16 = arith.constant 0 : i32
      %dma_start3A_17 = arith.constant 0 : i32
      %dma_start3A_18 = tpu.memref_slice %arg2[%dma_start3A_16, %dma_start3A_17] : memref<10000x128xf32, #tpu.memory_space<hbm>> -> memref<10000x128xf32, #tpu.memory_space<hbm>>
      tpu.enqueue_indirect_dma source(%dma_start3A_18 : memref<10000x128xf32, #tpu.memory_space<hbm>>) target(%arg9 : memref<128x128xf32, #tpu.memory_space<vmem>>) offsets(%dma_start3A_15 : memref<128xi32, #tpu.memory_space<vmem>>) semaphore(%arg12 : memref<!tpu.dma_semaphore, #tpu.memory_space<semaphore_mem>>)
      %dma_start3A_19 = arith.constant 1 : i32
      %dma_start3A_20 = arith.constant 0 : i32
      %dma_start3A_21 = tpu.memref_slice %arg6[%dma_start3A_19, %dma_start3A_20] : memref<16x128xi32, #tpu.memory_space<vmem>> -> memref<1x128xi32, #tpu.memory_space<vmem>>
      %dma_start3A_22 = tpu.memref_squeeze %dma_start3A_21 : memref<1x128xi32, #tpu.memory_space<vmem>> -> memref<128xi32, #tpu.memory_space<vmem>>
      %dma_start3A_23 = arith.constant 0 : i32
      %dma_start3A_24 = arith.constant 0 : i32
      %dma_start3A_25 = tpu.memref_slice %arg2[%dma_start3A_23, %dma_start3A_24] : memref<10000x128xf32, #tpu.memory_space<hbm>> -> memref<10000x128xf32, #tpu.memory_space<hbm>>
      tpu.enqueue_indirect_dma source(%dma_start3A_25 : memref<10000x128xf32, #tpu.memory_space<hbm>>) target(%arg10 : memref<128x128xf32, #tpu.memory_space<vmem>>) offsets(%dma_start3A_22 : memref<128xi32, #tpu.memory_space<vmem>>) semaphore(%arg13 : memref<!tpu.dma_semaphore, #tpu.memory_space<semaphore_mem>>)
      %scan3A = arith.constant 0 : i32
      %scan3A_26 = arith.constant 5 : i32
      %scan3A_27 = arith.addi %scan3A, %scan3A_26 : i32
      %scan3A_28 = arith.constant 1 : i32
      scf.for %scan3A_30 = %scan3A to %scan3A_27 step %scan3A_28  : i32 {
        %mul3A = arith.constant 2 : i32
        %mul3A_31 = arith.muli %mul3A, %scan3A_30 : i32
        %mul3A_32 = arith.constant 16 : i32
        %mul3A_33 = arith.muli %mul3A_31, %mul3A_32 : i32
        %add3A = arith.constant 16 : i32
        %add3A_34 = arith.addi %mul3A_33, %add3A : i32
        "tpu.region"() ({
          %run_scoped3A_109 = tpu.sem_alloc : memref<!tpu.dma_semaphore, #tpu.memory_space<semaphore_mem>>
          %dma_start3A_110 = arith.constant 0 : i32
          %dma_start3A_111 = tpu.memref_slice %arg3[%arg1, %add3A_34, %dma_start3A_110] : memref<16x160x128xi32, #tpu.memory_space<hbm>> -> memref<1x16x128xi32, #tpu.memory_space<hbm>>
          %dma_start3A_112 = tpu.memref_squeeze %dma_start3A_111 : memref<1x16x128xi32, #tpu.memory_space<hbm>> -> memref<16x128xi32, #tpu.memory_space<hbm>>
          %dma_start3A_113 = arith.constant 0 : i32
          %dma_start3A_114 = tpu.memref_slice %arg3[%arg1, %add3A_34, %dma_start3A_113] : memref<16x160x128xi32, #tpu.memory_space<hbm>> -> memref<1x16x128xi32, #tpu.memory_space<hbm>>
          %dma_start3A_115 = tpu.memref_squeeze %dma_start3A_114 : memref<1x16x128xi32, #tpu.memory_space<hbm>> -> memref<16x128xi32, #tpu.memory_space<hbm>>
          tpu.enqueue_dma source(%dma_start3A_115 : memref<16x128xi32, #tpu.memory_space<hbm>>) target(%arg7 : memref<16x128xi32, #tpu.memory_space<vmem>>) target_semaphore(%run_scoped3A_109 : memref<!tpu.dma_semaphore, #tpu.memory_space<semaphore_mem>>)
          %dma_wait3A_116 = arith.constant 0 : i32
          %dma_wait3A_117 = tpu.memref_slice %arg3[%arg1, %add3A_34, %dma_wait3A_116] : memref<16x160x128xi32, #tpu.memory_space<hbm>> -> memref<1x16x128xi32, #tpu.memory_space<hbm>>
          %dma_wait3A_118 = tpu.memref_squeeze %dma_wait3A_117 : memref<1x16x128xi32, #tpu.memory_space<hbm>> -> memref<16x128xi32, #tpu.memory_space<hbm>>
          %dma_wait3A_119 = arith.constant 0 : i32
          %dma_wait3A_120 = tpu.memref_slice %arg3[%arg1, %add3A_34, %dma_wait3A_119] : memref<16x160x128xi32, #tpu.memory_space<hbm>> -> memref<1x16x128xi32, #tpu.memory_space<hbm>>
          %dma_wait3A_121 = tpu.memref_squeeze %dma_wait3A_120 : memref<1x16x128xi32, #tpu.memory_space<hbm>> -> memref<16x128xi32, #tpu.memory_space<hbm>>
          tpu.wait_dma2 semaphore(%run_scoped3A_109 : memref<!tpu.dma_semaphore, #tpu.memory_space<semaphore_mem>>) src(%dma_wait3A_121 : memref<16x128xi32, #tpu.memory_space<hbm>>) dst(%arg7 : memref<16x128xi32, #tpu.memory_space<vmem>>)
          tpu.yield
        }) : () -> ()
        "tpu.region"() ({
          %run_scoped3A_109 = tpu.sem_alloc : memref<!tpu.dma_semaphore, #tpu.memory_space<semaphore_mem>>
          %dma_start3A_110 = arith.constant 0 : i32
          %dma_start3A_111 = tpu.memref_slice %arg4[%arg1, %mul3A_33, %dma_start3A_110] : memref<16x160x128xi32, #tpu.memory_space<hbm>> -> memref<1x16x128xi32, #tpu.memory_space<hbm>>
          %dma_start3A_112 = tpu.memref_squeeze %dma_start3A_111 : memref<1x16x128xi32, #tpu.memory_space<hbm>> -> memref<16x128xi32, #tpu.memory_space<hbm>>
          %dma_start3A_113 = arith.constant 0 : i32
          %dma_start3A_114 = tpu.memref_slice %arg4[%arg1, %mul3A_33, %dma_start3A_113] : memref<16x160x128xi32, #tpu.memory_space<hbm>> -> memref<1x16x128xi32, #tpu.memory_space<hbm>>
          %dma_start3A_115 = tpu.memref_squeeze %dma_start3A_114 : memref<1x16x128xi32, #tpu.memory_space<hbm>> -> memref<16x128xi32, #tpu.memory_space<hbm>>
          tpu.enqueue_dma source(%dma_start3A_115 : memref<16x128xi32, #tpu.memory_space<hbm>>) target(%arg8 : memref<16x128xi32, #tpu.memory_space<vmem>>) target_semaphore(%run_scoped3A_109 : memref<!tpu.dma_semaphore, #tpu.memory_space<semaphore_mem>>)
          %dma_wait3A_116 = arith.constant 0 : i32
          %dma_wait3A_117 = tpu.memref_slice %arg4[%arg1, %mul3A_33, %dma_wait3A_116] : memref<16x160x128xi32, #tpu.memory_space<hbm>> -> memref<1x16x128xi32, #tpu.memory_space<hbm>>
          %dma_wait3A_118 = tpu.memref_squeeze %dma_wait3A_117 : memref<1x16x128xi32, #tpu.memory_space<hbm>> -> memref<16x128xi32, #tpu.memory_space<hbm>>
          %dma_wait3A_119 = arith.constant 0 : i32
          %dma_wait3A_120 = tpu.memref_slice %arg4[%arg1, %mul3A_33, %dma_wait3A_119] : memref<16x160x128xi32, #tpu.memory_space<hbm>> -> memref<1x16x128xi32, #tpu.memory_space<hbm>>
          %dma_wait3A_121 = tpu.memref_squeeze %dma_wait3A_120 : memref<1x16x128xi32, #tpu.memory_space<hbm>> -> memref<16x128xi32, #tpu.memory_space<hbm>>
          tpu.wait_dma2 semaphore(%run_scoped3A_109 : memref<!tpu.dma_semaphore, #tpu.memory_space<semaphore_mem>>) src(%dma_wait3A_121 : memref<16x128xi32, #tpu.memory_space<hbm>>) dst(%arg8 : memref<16x128xi32, #tpu.memory_space<vmem>>)
          tpu.yield
        }) : () -> ()
        %scan3A_35 = arith.constant 0 : i32
        %scan3A_36 = arith.constant 7 : i32
        %scan3A_37 = arith.addi %scan3A_35, %scan3A_36 : i32
        %scan3A_38 = arith.constant 1 : i32
        scf.for %scan3A_109 = %scan3A_35 to %scan3A_37 step %scan3A_38  : i32 {
          %mul3A_110 = arith.constant 2 : i32
          %mul3A_111 = arith.muli %mul3A_110, %scan3A_109 : i32
          %dma_wait3A_112 = arith.constant 0 : i32
          %dma_wait3A_113 = arith.constant 0 : i32
          %dma_wait3A_114 = tpu.memref_slice %arg6[%dma_wait3A_112, %dma_wait3A_113] : memref<16x128xi32, #tpu.memory_space<vmem>> -> memref<1x128xi32, #tpu.memory_space<vmem>>
          %dma_wait3A_115 = tpu.memref_squeeze %dma_wait3A_114 : memref<1x128xi32, #tpu.memory_space<vmem>> -> memref<128xi32, #tpu.memory_space<vmem>>
          %dma_wait3A_116 = arith.constant 0 : i32
          %dma_wait3A_117 = arith.constant 0 : i32
          %dma_wait3A_118 = tpu.memref_slice %arg2[%dma_wait3A_116, %dma_wait3A_117] : memref<10000x128xf32, #tpu.memory_space<hbm>> -> memref<10000x128xf32, #tpu.memory_space<hbm>>
          tpu.wait_indirect_dma semaphore(%arg12 : memref<!tpu.dma_semaphore, #tpu.memory_space<semaphore_mem>>) src(%dma_wait3A_118 : memref<10000x128xf32, #tpu.memory_space<hbm>>) dst(%arg9 : memref<128x128xf32, #tpu.memory_space<vmem>>)
          "tpu.region"() ({
            %run_scoped3A_144 = tpu.sem_alloc : memref<!tpu.dma_semaphore, #tpu.memory_space<semaphore_mem>>
            %dma_start3A_145 = arith.constant 0 : i32
            %dma_start3A_146 = tpu.memref_slice %arg8[%mul3A_111, %dma_start3A_145] : memref<16x128xi32, #tpu.memory_space<vmem>> -> memref<1x128xi32, #tpu.memory_space<vmem>>
            %dma_start3A_147 = tpu.memref_squeeze %dma_start3A_146 : memref<1x128xi32, #tpu.memory_space<vmem>> -> memref<128xi32, #tpu.memory_space<vmem>>
            %dma_start3A_148 = arith.constant 0 : i32
            %dma_start3A_149 = arith.constant 0 : i32
            %dma_start3A_150 = tpu.memref_slice %arg11[%dma_start3A_148, %dma_start3A_149] : memref<10112x128xf32, #tpu.memory_space<vmem_shared>> -> memref<10112x128xf32, #tpu.memory_space<vmem_shared>>
            tpu.enqueue_indirect_dma source(%arg9 : memref<128x128xf32, #tpu.memory_space<vmem>>) target(%dma_start3A_150 : memref<10112x128xf32, #tpu.memory_space<vmem_shared>>) offsets(%dma_start3A_147 : memref<128xi32, #tpu.memory_space<vmem>>) semaphore(%run_scoped3A_144 : memref<!tpu.dma_semaphore, #tpu.memory_space<semaphore_mem>>) {add = true}
            %dma_wait3A_151 = arith.constant 0 : i32
            %dma_wait3A_152 = tpu.memref_slice %arg8[%mul3A_111, %dma_wait3A_151] : memref<16x128xi32, #tpu.memory_space<vmem>> -> memref<1x128xi32, #tpu.memory_space<vmem>>
            %dma_wait3A_153 = tpu.memref_squeeze %dma_wait3A_152 : memref<1x128xi32, #tpu.memory_space<vmem>> -> memref<128xi32, #tpu.memory_space<vmem>>
            %dma_wait3A_154 = arith.constant 0 : i32
            %dma_wait3A_155 = arith.constant 0 : i32
            %dma_wait3A_156 = tpu.memref_slice %arg11[%dma_wait3A_154, %dma_wait3A_155] : memref<10112x128xf32, #tpu.memory_space<vmem_shared>> -> memref<10112x128xf32, #tpu.memory_space<vmem_shared>>
            tpu.wait_indirect_dma semaphore(%run_scoped3A_144 : memref<!tpu.dma_semaphore, #tpu.memory_space<semaphore_mem>>) src(%arg9 : memref<128x128xf32, #tpu.memory_space<vmem>>) dst(%dma_wait3A_156 : memref<10112x128xf32, #tpu.memory_space<vmem_shared>>)
            tpu.yield
          }) : () -> ()
          %add3A_119 = arith.constant 2 : i32
          %add3A_120 = arith.addi %mul3A_111, %add3A_119 : i32
          %dma_start3A_121 = arith.constant 0 : i32
          %dma_start3A_122 = tpu.memref_slice %arg6[%add3A_120, %dma_start3A_121] : memref<16x128xi32, #tpu.memory_space<vmem>> -> memref<1x128xi32, #tpu.memory_space<vmem>>
          %dma_start3A_123 = tpu.memref_squeeze %dma_start3A_122 : memref<1x128xi32, #tpu.memory_space<vmem>> -> memref<128xi32, #tpu.memory_space<vmem>>
          %dma_start3A_124 = arith.constant 0 : i32
          %dma_start3A_125 = arith.constant 0 : i32
          %dma_start3A_126 = tpu.memref_slice %arg2[%dma_start3A_124, %dma_start3A_125] : memref<10000x128xf32, #tpu.memory_space<hbm>> -> memref<10000x128xf32, #tpu.memory_space<hbm>>
          tpu.enqueue_indirect_dma source(%dma_start3A_126 : memref<10000x128xf32, #tpu.memory_space<hbm>>) target(%arg9 : memref<128x128xf32, #tpu.memory_space<vmem>>) offsets(%dma_start3A_123 : memref<128xi32, #tpu.memory_space<vmem>>) semaphore(%arg12 : memref<!tpu.dma_semaphore, #tpu.memory_space<semaphore_mem>>)
          %add3A_127 = arith.constant 1 : i32
          %add3A_128 = arith.addi %mul3A_111, %add3A_127 : i32
          %dma_wait3A_129 = arith.constant 0 : i32
          %dma_wait3A_130 = arith.constant 0 : i32
          %dma_wait3A_131 = tpu.memref_slice %arg6[%dma_wait3A_129, %dma_wait3A_130] : memref<16x128xi32, #tpu.memory_space<vmem>> -> memref<1x128xi32, #tpu.memory_space<vmem>>
          %dma_wait3A_132 = tpu.memref_squeeze %dma_wait3A_131 : memref<1x128xi32, #tpu.memory_space<vmem>> -> memref<128xi32, #tpu.memory_space<vmem>>
          %dma_wait3A_133 = arith.constant 0 : i32
          %dma_wait3A_134 = arith.constant 0 : i32
          %dma_wait3A_135 = tpu.memref_slice %arg2[%dma_wait3A_133, %dma_wait3A_134] : memref<10000x128xf32, #tpu.memory_space<hbm>> -> memref<10000x128xf32, #tpu.memory_space<hbm>>
          tpu.wait_indirect_dma semaphore(%arg13 : memref<!tpu.dma_semaphore, #tpu.memory_space<semaphore_mem>>) src(%dma_wait3A_135 : memref<10000x128xf32, #tpu.memory_space<hbm>>) dst(%arg10 : memref<128x128xf32, #tpu.memory_space<vmem>>)
          "tpu.region"() ({
            %run_scoped3A_144 = tpu.sem_alloc : memref<!tpu.dma_semaphore, #tpu.memory_space<semaphore_mem>>
            %dma_start3A_145 = arith.constant 0 : i32
            %dma_start3A_146 = tpu.memref_slice %arg8[%add3A_128, %dma_start3A_145] : memref<16x128xi32, #tpu.memory_space<vmem>> -> memref<1x128xi32, #tpu.memory_space<vmem>>
            %dma_start3A_147 = tpu.memref_squeeze %dma_start3A_146 : memref<1x128xi32, #tpu.memory_space<vmem>> -> memref<128xi32, #tpu.memory_space<vmem>>
            %dma_start3A_148 = arith.constant 0 : i32
            %dma_start3A_149 = arith.constant 0 : i32
            %dma_start3A_150 = tpu.memref_slice %arg11[%dma_start3A_148, %dma_start3A_149] : memref<10112x128xf32, #tpu.memory_space<vmem_shared>> -> memref<10112x128xf32, #tpu.memory_space<vmem_shared>>
            tpu.enqueue_indirect_dma source(%arg10 : memref<128x128xf32, #tpu.memory_space<vmem>>) target(%dma_start3A_150 : memref<10112x128xf32, #tpu.memory_space<vmem_shared>>) offsets(%dma_start3A_147 : memref<128xi32, #tpu.memory_space<vmem>>) semaphore(%run_scoped3A_144 : memref<!tpu.dma_semaphore, #tpu.memory_space<semaphore_mem>>) {add = true}
            %dma_wait3A_151 = arith.constant 0 : i32
            %dma_wait3A_152 = tpu.memref_slice %arg8[%add3A_128, %dma_wait3A_151] : memref<16x128xi32, #tpu.memory_space<vmem>> -> memref<1x128xi32, #tpu.memory_space<vmem>>
            %dma_wait3A_153 = tpu.memref_squeeze %dma_wait3A_152 : memref<1x128xi32, #tpu.memory_space<vmem>> -> memref<128xi32, #tpu.memory_space<vmem>>
            %dma_wait3A_154 = arith.constant 0 : i32
            %dma_wait3A_155 = arith.constant 0 : i32
            %dma_wait3A_156 = tpu.memref_slice %arg11[%dma_wait3A_154, %dma_wait3A_155] : memref<10112x128xf32, #tpu.memory_space<vmem_shared>> -> memref<10112x128xf32, #tpu.memory_space<vmem_shared>>
            tpu.wait_indirect_dma semaphore(%run_scoped3A_144 : memref<!tpu.dma_semaphore, #tpu.memory_space<semaphore_mem>>) src(%arg10 : memref<128x128xf32, #tpu.memory_space<vmem>>) dst(%dma_wait3A_156 : memref<10112x128xf32, #tpu.memory_space<vmem_shared>>)
            tpu.yield
          }) : () -> ()
          %add3A_136 = arith.constant 3 : i32
          %add3A_137 = arith.addi %mul3A_111, %add3A_136 : i32
          %dma_start3A_138 = arith.constant 0 : i32
          %dma_start3A_139 = tpu.memref_slice %arg6[%add3A_137, %dma_start3A_138] : memref<16x128xi32, #tpu.memory_space<vmem>> -> memref<1x128xi32, #tpu.memory_space<vmem>>
          %dma_start3A_140 = tpu.memref_squeeze %dma_start3A_139 : memref<1x128xi32, #tpu.memory_space<vmem>> -> memref<128xi32, #tpu.memory_space<vmem>>
          %dma_start3A_141 = arith.constant 0 : i32
          %dma_start3A_142 = arith.constant 0 : i32
          %dma_start3A_143 = tpu.memref_slice %arg2[%dma_start3A_141, %dma_start3A_142] : memref<10000x128xf32, #tpu.memory_space<hbm>> -> memref<10000x128xf32, #tpu.memory_space<hbm>>
          tpu.enqueue_indirect_dma source(%dma_start3A_143 : memref<10000x128xf32, #tpu.memory_space<hbm>>) target(%arg10 : memref<128x128xf32, #tpu.memory_space<vmem>>) offsets(%dma_start3A_140 : memref<128xi32, #tpu.memory_space<vmem>>) semaphore(%arg13 : memref<!tpu.dma_semaphore, #tpu.memory_space<semaphore_mem>>)
        }
        %scan3A_39 = arith.constant 7 : i32
        %dma_wait3A = arith.constant 0 : i32
        %dma_wait3A_40 = arith.constant 0 : i32
        %dma_wait3A_41 = tpu.memref_slice %arg6[%dma_wait3A, %dma_wait3A_40] : memref<16x128xi32, #tpu.memory_space<vmem>> -> memref<1x128xi32, #tpu.memory_space<vmem>>
        %dma_wait3A_42 = tpu.memref_squeeze %dma_wait3A_41 : memref<1x128xi32, #tpu.memory_space<vmem>> -> memref<128xi32, #tpu.memory_space<vmem>>
        %dma_wait3A_43 = arith.constant 0 : i32
        %dma_wait3A_44 = arith.constant 0 : i32
        %dma_wait3A_45 = tpu.memref_slice %arg2[%dma_wait3A_43, %dma_wait3A_44] : memref<10000x128xf32, #tpu.memory_space<hbm>> -> memref<10000x128xf32, #tpu.memory_space<hbm>>
        tpu.wait_indirect_dma semaphore(%arg12 : memref<!tpu.dma_semaphore, #tpu.memory_space<semaphore_mem>>) src(%dma_wait3A_45 : memref<10000x128xf32, #tpu.memory_space<hbm>>) dst(%arg9 : memref<128x128xf32, #tpu.memory_space<vmem>>)
        %run_scoped3A = arith.constant 14 : i32
        "tpu.region"() ({
          %run_scoped3A_109 = tpu.sem_alloc : memref<!tpu.dma_semaphore, #tpu.memory_space<semaphore_mem>>
          %dma_start3A_110 = arith.constant 0 : i32
          %dma_start3A_111 = tpu.memref_slice %arg8[%run_scoped3A, %dma_start3A_110] : memref<16x128xi32, #tpu.memory_space<vmem>> -> memref<1x128xi32, #tpu.memory_space<vmem>>
          %dma_start3A_112 = tpu.memref_squeeze %dma_start3A_111 : memref<1x128xi32, #tpu.memory_space<vmem>> -> memref<128xi32, #tpu.memory_space<vmem>>
          %dma_start3A_113 = arith.constant 0 : i32
          %dma_start3A_114 = arith.constant 0 : i32
          %dma_start3A_115 = tpu.memref_slice %arg11[%dma_start3A_113, %dma_start3A_114] : memref<10112x128xf32, #tpu.memory_space<vmem_shared>> -> memref<10112x128xf32, #tpu.memory_space<vmem_shared>>
          tpu.enqueue_indirect_dma source(%arg9 : memref<128x128xf32, #tpu.memory_space<vmem>>) target(%dma_start3A_115 : memref<10112x128xf32, #tpu.memory_space<vmem_shared>>) offsets(%dma_start3A_112 : memref<128xi32, #tpu.memory_space<vmem>>) semaphore(%run_scoped3A_109 : memref<!tpu.dma_semaphore, #tpu.memory_space<semaphore_mem>>) {add = true}
          %dma_wait3A_116 = arith.constant 0 : i32
          %dma_wait3A_117 = tpu.memref_slice %arg8[%run_scoped3A, %dma_wait3A_116] : memref<16x128xi32, #tpu.memory_space<vmem>> -> memref<1x128xi32, #tpu.memory_space<vmem>>
          %dma_wait3A_118 = tpu.memref_squeeze %dma_wait3A_117 : memref<1x128xi32, #tpu.memory_space<vmem>> -> memref<128xi32, #tpu.memory_space<vmem>>
          %dma_wait3A_119 = arith.constant 0 : i32
          %dma_wait3A_120 = arith.constant 0 : i32
          %dma_wait3A_121 = tpu.memref_slice %arg11[%dma_wait3A_119, %dma_wait3A_120] : memref<10112x128xf32, #tpu.memory_space<vmem_shared>> -> memref<10112x128xf32, #tpu.memory_space<vmem_shared>>
          tpu.wait_indirect_dma semaphore(%run_scoped3A_109 : memref<!tpu.dma_semaphore, #tpu.memory_space<semaphore_mem>>) src(%arg9 : memref<128x128xf32, #tpu.memory_space<vmem>>) dst(%dma_wait3A_121 : memref<10112x128xf32, #tpu.memory_space<vmem_shared>>)
          tpu.yield
        }) : () -> ()
        %dma_start3A_46 = arith.constant 0 : i32
        %dma_start3A_47 = arith.constant 0 : i32
        %dma_start3A_48 = tpu.memref_slice %arg7[%dma_start3A_46, %dma_start3A_47] : memref<16x128xi32, #tpu.memory_space<vmem>> -> memref<1x128xi32, #tpu.memory_space<vmem>>
        %dma_start3A_49 = tpu.memref_squeeze %dma_start3A_48 : memref<1x128xi32, #tpu.memory_space<vmem>> -> memref<128xi32, #tpu.memory_space<vmem>>
        %dma_start3A_50 = arith.constant 0 : i32
        %dma_start3A_51 = arith.constant 0 : i32
        %dma_start3A_52 = tpu.memref_slice %arg2[%dma_start3A_50, %dma_start3A_51] : memref<10000x128xf32, #tpu.memory_space<hbm>> -> memref<10000x128xf32, #tpu.memory_space<hbm>>
        tpu.enqueue_indirect_dma source(%dma_start3A_52 : memref<10000x128xf32, #tpu.memory_space<hbm>>) target(%arg9 : memref<128x128xf32, #tpu.memory_space<vmem>>) offsets(%dma_start3A_49 : memref<128xi32, #tpu.memory_space<vmem>>) semaphore(%arg12 : memref<!tpu.dma_semaphore, #tpu.memory_space<semaphore_mem>>)
        %dma_wait3A_53 = arith.constant 0 : i32
        %dma_wait3A_54 = arith.constant 0 : i32
        %dma_wait3A_55 = tpu.memref_slice %arg6[%dma_wait3A_53, %dma_wait3A_54] : memref<16x128xi32, #tpu.memory_space<vmem>> -> memref<1x128xi32, #tpu.memory_space<vmem>>
        %dma_wait3A_56 = tpu.memref_squeeze %dma_wait3A_55 : memref<1x128xi32, #tpu.memory_space<vmem>> -> memref<128xi32, #tpu.memory_space<vmem>>
        %dma_wait3A_57 = arith.constant 0 : i32
        %dma_wait3A_58 = arith.constant 0 : i32
        %dma_wait3A_59 = tpu.memref_slice %arg2[%dma_wait3A_57, %dma_wait3A_58] : memref<10000x128xf32, #tpu.memory_space<hbm>> -> memref<10000x128xf32, #tpu.memory_space<hbm>>
        tpu.wait_indirect_dma semaphore(%arg13 : memref<!tpu.dma_semaphore, #tpu.memory_space<semaphore_mem>>) src(%dma_wait3A_59 : memref<10000x128xf32, #tpu.memory_space<hbm>>) dst(%arg10 : memref<128x128xf32, #tpu.memory_space<vmem>>)
        %run_scoped3A_60 = arith.constant 15 : i32
        "tpu.region"() ({
          %run_scoped3A_109 = tpu.sem_alloc : memref<!tpu.dma_semaphore, #tpu.memory_space<semaphore_mem>>
          %dma_start3A_110 = arith.constant 0 : i32
          %dma_start3A_111 = tpu.memref_slice %arg8[%run_scoped3A_60, %dma_start3A_110] : memref<16x128xi32, #tpu.memory_space<vmem>> -> memref<1x128xi32, #tpu.memory_space<vmem>>
          %dma_start3A_112 = tpu.memref_squeeze %dma_start3A_111 : memref<1x128xi32, #tpu.memory_space<vmem>> -> memref<128xi32, #tpu.memory_space<vmem>>
          %dma_start3A_113 = arith.constant 0 : i32
          %dma_start3A_114 = arith.constant 0 : i32
          %dma_start3A_115 = tpu.memref_slice %arg11[%dma_start3A_113, %dma_start3A_114] : memref<10112x128xf32, #tpu.memory_space<vmem_shared>> -> memref<10112x128xf32, #tpu.memory_space<vmem_shared>>
          tpu.enqueue_indirect_dma source(%arg10 : memref<128x128xf32, #tpu.memory_space<vmem>>) target(%dma_start3A_115 : memref<10112x128xf32, #tpu.memory_space<vmem_shared>>) offsets(%dma_start3A_112 : memref<128xi32, #tpu.memory_space<vmem>>) semaphore(%run_scoped3A_109 : memref<!tpu.dma_semaphore, #tpu.memory_space<semaphore_mem>>) {add = true}
          %dma_wait3A_116 = arith.constant 0 : i32
          %dma_wait3A_117 = tpu.memref_slice %arg8[%run_scoped3A_60, %dma_wait3A_116] : memref<16x128xi32, #tpu.memory_space<vmem>> -> memref<1x128xi32, #tpu.memory_space<vmem>>
          %dma_wait3A_118 = tpu.memref_squeeze %dma_wait3A_117 : memref<1x128xi32, #tpu.memory_space<vmem>> -> memref<128xi32, #tpu.memory_space<vmem>>
          %dma_wait3A_119 = arith.constant 0 : i32
          %dma_wait3A_120 = arith.constant 0 : i32
          %dma_wait3A_121 = tpu.memref_slice %arg11[%dma_wait3A_119, %dma_wait3A_120] : memref<10112x128xf32, #tpu.memory_space<vmem_shared>> -> memref<10112x128xf32, #tpu.memory_space<vmem_shared>>
          tpu.wait_indirect_dma semaphore(%run_scoped3A_109 : memref<!tpu.dma_semaphore, #tpu.memory_space<semaphore_mem>>) src(%arg10 : memref<128x128xf32, #tpu.memory_space<vmem>>) dst(%dma_wait3A_121 : memref<10112x128xf32, #tpu.memory_space<vmem_shared>>)
          tpu.yield
        }) : () -> ()
        %dma_start3A_61 = arith.constant 1 : i32
        %dma_start3A_62 = arith.constant 0 : i32
        %dma_start3A_63 = tpu.memref_slice %arg7[%dma_start3A_61, %dma_start3A_62] : memref<16x128xi32, #tpu.memory_space<vmem>> -> memref<1x128xi32, #tpu.memory_space<vmem>>
        %dma_start3A_64 = tpu.memref_squeeze %dma_start3A_63 : memref<1x128xi32, #tpu.memory_space<vmem>> -> memref<128xi32, #tpu.memory_space<vmem>>
        %dma_start3A_65 = arith.constant 0 : i32
        %dma_start3A_66 = arith.constant 0 : i32
        %dma_start3A_67 = tpu.memref_slice %arg2[%dma_start3A_65, %dma_start3A_66] : memref<10000x128xf32, #tpu.memory_space<hbm>> -> memref<10000x128xf32, #tpu.memory_space<hbm>>
        tpu.enqueue_indirect_dma source(%dma_start3A_67 : memref<10000x128xf32, #tpu.memory_space<hbm>>) target(%arg10 : memref<128x128xf32, #tpu.memory_space<vmem>>) offsets(%dma_start3A_64 : memref<128xi32, #tpu.memory_space<vmem>>) semaphore(%arg13 : memref<!tpu.dma_semaphore, #tpu.memory_space<semaphore_mem>>)
        %add3A_68 = arith.constant 1 : i32
        %add3A_69 = arith.addi %scan3A_30, %add3A_68 : i32
        %lt3A = arith.constant 5 : i32
        %lt3A_70 = arith.cmpi slt, %add3A_69, %lt3A : i32
        %convert_element_type3A_71 = arith.extui %lt3A_70 : i1 to i32
        %cond3A_72 = arith.constant 0 : i32
        %cond3A_73 = arith.cmpi ne, %convert_element_type3A_71, %cond3A_72 : i32
        scf.if %cond3A_73 {
          %add3A_109 = arith.constant 16 : i32
          %add3A_110 = arith.addi %add3A_34, %add3A_109 : i32
          "tpu.region"() ({
            %run_scoped3A_111 = tpu.sem_alloc : memref<!tpu.dma_semaphore, #tpu.memory_space<semaphore_mem>>
            %dma_start3A_112 = arith.constant 0 : i32
            %dma_start3A_113 = tpu.memref_slice %arg3[%arg1, %add3A_110, %dma_start3A_112] : memref<16x160x128xi32, #tpu.memory_space<hbm>> -> memref<1x16x128xi32, #tpu.memory_space<hbm>>
            %dma_start3A_114 = tpu.memref_squeeze %dma_start3A_113 : memref<1x16x128xi32, #tpu.memory_space<hbm>> -> memref<16x128xi32, #tpu.memory_space<hbm>>
            %dma_start3A_115 = arith.constant 0 : i32
            %dma_start3A_116 = tpu.memref_slice %arg3[%arg1, %add3A_110, %dma_start3A_115] : memref<16x160x128xi32, #tpu.memory_space<hbm>> -> memref<1x16x128xi32, #tpu.memory_space<hbm>>
            %dma_start3A_117 = tpu.memref_squeeze %dma_start3A_116 : memref<1x16x128xi32, #tpu.memory_space<hbm>> -> memref<16x128xi32, #tpu.memory_space<hbm>>
            tpu.enqueue_dma source(%dma_start3A_117 : memref<16x128xi32, #tpu.memory_space<hbm>>) target(%arg6 : memref<16x128xi32, #tpu.memory_space<vmem>>) target_semaphore(%run_scoped3A_111 : memref<!tpu.dma_semaphore, #tpu.memory_space<semaphore_mem>>)
            %dma_wait3A_118 = arith.constant 0 : i32
            %dma_wait3A_119 = tpu.memref_slice %arg3[%arg1, %add3A_110, %dma_wait3A_118] : memref<16x160x128xi32, #tpu.memory_space<hbm>> -> memref<1x16x128xi32, #tpu.memory_space<hbm>>
            %dma_wait3A_120 = tpu.memref_squeeze %dma_wait3A_119 : memref<1x16x128xi32, #tpu.memory_space<hbm>> -> memref<16x128xi32, #tpu.memory_space<hbm>>
            %dma_wait3A_121 = arith.constant 0 : i32
            %dma_wait3A_122 = tpu.memref_slice %arg3[%arg1, %add3A_110, %dma_wait3A_121] : memref<16x160x128xi32, #tpu.memory_space<hbm>> -> memref<1x16x128xi32, #tpu.memory_space<hbm>>
            %dma_wait3A_123 = tpu.memref_squeeze %dma_wait3A_122 : memref<1x16x128xi32, #tpu.memory_space<hbm>> -> memref<16x128xi32, #tpu.memory_space<hbm>>
            tpu.wait_dma2 semaphore(%run_scoped3A_111 : memref<!tpu.dma_semaphore, #tpu.memory_space<semaphore_mem>>) src(%dma_wait3A_123 : memref<16x128xi32, #tpu.memory_space<hbm>>) dst(%arg6 : memref<16x128xi32, #tpu.memory_space<vmem>>)
            tpu.yield
          }) : () -> ()
        } else {
        }
        "tpu.region"() ({
          %run_scoped3A_109 = tpu.sem_alloc : memref<!tpu.dma_semaphore, #tpu.memory_space<semaphore_mem>>
          %dma_start3A_110 = arith.constant 0 : i32
          %dma_start3A_111 = tpu.memref_slice %arg4[%arg1, %add3A_34, %dma_start3A_110] : memref<16x160x128xi32, #tpu.memory_space<hbm>> -> memref<1x16x128xi32, #tpu.memory_space<hbm>>
          %dma_start3A_112 = tpu.memref_squeeze %dma_start3A_111 : memref<1x16x128xi32, #tpu.memory_space<hbm>> -> memref<16x128xi32, #tpu.memory_space<hbm>>
          %dma_start3A_113 = arith.constant 0 : i32
          %dma_start3A_114 = tpu.memref_slice %arg4[%arg1, %add3A_34, %dma_start3A_113] : memref<16x160x128xi32, #tpu.memory_space<hbm>> -> memref<1x16x128xi32, #tpu.memory_space<hbm>>
          %dma_start3A_115 = tpu.memref_squeeze %dma_start3A_114 : memref<1x16x128xi32, #tpu.memory_space<hbm>> -> memref<16x128xi32, #tpu.memory_space<hbm>>
          tpu.enqueue_dma source(%dma_start3A_115 : memref<16x128xi32, #tpu.memory_space<hbm>>) target(%arg8 : memref<16x128xi32, #tpu.memory_space<vmem>>) target_semaphore(%run_scoped3A_109 : memref<!tpu.dma_semaphore, #tpu.memory_space<semaphore_mem>>)
          %dma_wait3A_116 = arith.constant 0 : i32
          %dma_wait3A_117 = tpu.memref_slice %arg4[%arg1, %add3A_34, %dma_wait3A_116] : memref<16x160x128xi32, #tpu.memory_space<hbm>> -> memref<1x16x128xi32, #tpu.memory_space<hbm>>
          %dma_wait3A_118 = tpu.memref_squeeze %dma_wait3A_117 : memref<1x16x128xi32, #tpu.memory_space<hbm>> -> memref<16x128xi32, #tpu.memory_space<hbm>>
          %dma_wait3A_119 = arith.constant 0 : i32
          %dma_wait3A_120 = tpu.memref_slice %arg4[%arg1, %add3A_34, %dma_wait3A_119] : memref<16x160x128xi32, #tpu.memory_space<hbm>> -> memref<1x16x128xi32, #tpu.memory_space<hbm>>
          %dma_wait3A_121 = tpu.memref_squeeze %dma_wait3A_120 : memref<1x16x128xi32, #tpu.memory_space<hbm>> -> memref<16x128xi32, #tpu.memory_space<hbm>>
          tpu.wait_dma2 semaphore(%run_scoped3A_109 : memref<!tpu.dma_semaphore, #tpu.memory_space<semaphore_mem>>) src(%dma_wait3A_121 : memref<16x128xi32, #tpu.memory_space<hbm>>) dst(%arg8 : memref<16x128xi32, #tpu.memory_space<vmem>>)
          tpu.yield
        }) : () -> ()
        %scan3A_74 = arith.constant 0 : i32
        %scan3A_75 = arith.constant 7 : i32
        %scan3A_76 = arith.addi %scan3A_74, %scan3A_75 : i32
        %scan3A_77 = arith.constant 1 : i32
        scf.for %scan3A_109 = %scan3A_74 to %scan3A_76 step %scan3A_77  : i32 {
          %mul3A_110 = arith.constant 2 : i32
          %mul3A_111 = arith.muli %mul3A_110, %scan3A_109 : i32
          %dma_wait3A_112 = arith.constant 0 : i32
          %dma_wait3A_113 = arith.constant 0 : i32
          %dma_wait3A_114 = tpu.memref_slice %arg6[%dma_wait3A_112, %dma_wait3A_113] : memref<16x128xi32, #tpu.memory_space<vmem>> -> memref<1x128xi32, #tpu.memory_space<vmem>>
          %dma_wait3A_115 = tpu.memref_squeeze %dma_wait3A_114 : memref<1x128xi32, #tpu.memory_space<vmem>> -> memref<128xi32, #tpu.memory_space<vmem>>
          %dma_wait3A_116 = arith.constant 0 : i32
          %dma_wait3A_117 = arith.constant 0 : i32
          %dma_wait3A_118 = tpu.memref_slice %arg2[%dma_wait3A_116, %dma_wait3A_117] : memref<10000x128xf32, #tpu.memory_space<hbm>> -> memref<10000x128xf32, #tpu.memory_space<hbm>>
          tpu.wait_indirect_dma semaphore(%arg12 : memref<!tpu.dma_semaphore, #tpu.memory_space<semaphore_mem>>) src(%dma_wait3A_118 : memref<10000x128xf32, #tpu.memory_space<hbm>>) dst(%arg9 : memref<128x128xf32, #tpu.memory_space<vmem>>)
          "tpu.region"() ({
            %run_scoped3A_144 = tpu.sem_alloc : memref<!tpu.dma_semaphore, #tpu.memory_space<semaphore_mem>>
            %dma_start3A_145 = arith.constant 0 : i32
            %dma_start3A_146 = tpu.memref_slice %arg8[%mul3A_111, %dma_start3A_145] : memref<16x128xi32, #tpu.memory_space<vmem>> -> memref<1x128xi32, #tpu.memory_space<vmem>>
            %dma_start3A_147 = tpu.memref_squeeze %dma_start3A_146 : memref<1x128xi32, #tpu.memory_space<vmem>> -> memref<128xi32, #tpu.memory_space<vmem>>
            %dma_start3A_148 = arith.constant 0 : i32
            %dma_start3A_149 = arith.constant 0 : i32
            %dma_start3A_150 = tpu.memref_slice %arg11[%dma_start3A_148, %dma_start3A_149] : memref<10112x128xf32, #tpu.memory_space<vmem_shared>> -> memref<10112x128xf32, #tpu.memory_space<vmem_shared>>
            tpu.enqueue_indirect_dma source(%arg9 : memref<128x128xf32, #tpu.memory_space<vmem>>) target(%dma_start3A_150 : memref<10112x128xf32, #tpu.memory_space<vmem_shared>>) offsets(%dma_start3A_147 : memref<128xi32, #tpu.memory_space<vmem>>) semaphore(%run_scoped3A_144 : memref<!tpu.dma_semaphore, #tpu.memory_space<semaphore_mem>>) {add = true}
            %dma_wait3A_151 = arith.constant 0 : i32
            %dma_wait3A_152 = tpu.memref_slice %arg8[%mul3A_111, %dma_wait3A_151] : memref<16x128xi32, #tpu.memory_space<vmem>> -> memref<1x128xi32, #tpu.memory_space<vmem>>
            %dma_wait3A_153 = tpu.memref_squeeze %dma_wait3A_152 : memref<1x128xi32, #tpu.memory_space<vmem>> -> memref<128xi32, #tpu.memory_space<vmem>>
            %dma_wait3A_154 = arith.constant 0 : i32
            %dma_wait3A_155 = arith.constant 0 : i32
            %dma_wait3A_156 = tpu.memref_slice %arg11[%dma_wait3A_154, %dma_wait3A_155] : memref<10112x128xf32, #tpu.memory_space<vmem_shared>> -> memref<10112x128xf32, #tpu.memory_space<vmem_shared>>
            tpu.wait_indirect_dma semaphore(%run_scoped3A_144 : memref<!tpu.dma_semaphore, #tpu.memory_space<semaphore_mem>>) src(%arg9 : memref<128x128xf32, #tpu.memory_space<vmem>>) dst(%dma_wait3A_156 : memref<10112x128xf32, #tpu.memory_space<vmem_shared>>)
            tpu.yield
          }) : () -> ()
          %add3A_119 = arith.constant 2 : i32
          %add3A_120 = arith.addi %mul3A_111, %add3A_119 : i32
          %dma_start3A_121 = arith.constant 0 : i32
          %dma_start3A_122 = tpu.memref_slice %arg7[%add3A_120, %dma_start3A_121] : memref<16x128xi32, #tpu.memory_space<vmem>> -> memref<1x128xi32, #tpu.memory_space<vmem>>
          %dma_start3A_123 = tpu.memref_squeeze %dma_start3A_122 : memref<1x128xi32, #tpu.memory_space<vmem>> -> memref<128xi32, #tpu.memory_space<vmem>>
          %dma_start3A_124 = arith.constant 0 : i32
          %dma_start3A_125 = arith.constant 0 : i32
          %dma_start3A_126 = tpu.memref_slice %arg2[%dma_start3A_124, %dma_start3A_125] : memref<10000x128xf32, #tpu.memory_space<hbm>> -> memref<10000x128xf32, #tpu.memory_space<hbm>>
          tpu.enqueue_indirect_dma source(%dma_start3A_126 : memref<10000x128xf32, #tpu.memory_space<hbm>>) target(%arg9 : memref<128x128xf32, #tpu.memory_space<vmem>>) offsets(%dma_start3A_123 : memref<128xi32, #tpu.memory_space<vmem>>) semaphore(%arg12 : memref<!tpu.dma_semaphore, #tpu.memory_space<semaphore_mem>>)
          %add3A_127 = arith.constant 1 : i32
          %add3A_128 = arith.addi %mul3A_111, %add3A_127 : i32
          %dma_wait3A_129 = arith.constant 0 : i32
          %dma_wait3A_130 = arith.constant 0 : i32
          %dma_wait3A_131 = tpu.memref_slice %arg6[%dma_wait3A_129, %dma_wait3A_130] : memref<16x128xi32, #tpu.memory_space<vmem>> -> memref<1x128xi32, #tpu.memory_space<vmem>>
          %dma_wait3A_132 = tpu.memref_squeeze %dma_wait3A_131 : memref<1x128xi32, #tpu.memory_space<vmem>> -> memref<128xi32, #tpu.memory_space<vmem>>
          %dma_wait3A_133 = arith.constant 0 : i32
          %dma_wait3A_134 = arith.constant 0 : i32
          %dma_wait3A_135 = tpu.memref_slice %arg2[%dma_wait3A_133, %dma_wait3A_134] : memref<10000x128xf32, #tpu.memory_space<hbm>> -> memref<10000x128xf32, #tpu.memory_space<hbm>>
          tpu.wait_indirect_dma semaphore(%arg13 : memref<!tpu.dma_semaphore, #tpu.memory_space<semaphore_mem>>) src(%dma_wait3A_135 : memref<10000x128xf32, #tpu.memory_space<hbm>>) dst(%arg10 : memref<128x128xf32, #tpu.memory_space<vmem>>)
          "tpu.region"() ({
            %run_scoped3A_144 = tpu.sem_alloc : memref<!tpu.dma_semaphore, #tpu.memory_space<semaphore_mem>>
            %dma_start3A_145 = arith.constant 0 : i32
            %dma_start3A_146 = tpu.memref_slice %arg8[%add3A_128, %dma_start3A_145] : memref<16x128xi32, #tpu.memory_space<vmem>> -> memref<1x128xi32, #tpu.memory_space<vmem>>
            %dma_start3A_147 = tpu.memref_squeeze %dma_start3A_146 : memref<1x128xi32, #tpu.memory_space<vmem>> -> memref<128xi32, #tpu.memory_space<vmem>>
            %dma_start3A_148 = arith.constant 0 : i32
            %dma_start3A_149 = arith.constant 0 : i32
            %dma_start3A_150 = tpu.memref_slice %arg11[%dma_start3A_148, %dma_start3A_149] : memref<10112x128xf32, #tpu.memory_space<vmem_shared>> -> memref<10112x128xf32, #tpu.memory_space<vmem_shared>>
            tpu.enqueue_indirect_dma source(%arg10 : memref<128x128xf32, #tpu.memory_space<vmem>>) target(%dma_start3A_150 : memref<10112x128xf32, #tpu.memory_space<vmem_shared>>) offsets(%dma_start3A_147 : memref<128xi32, #tpu.memory_space<vmem>>) semaphore(%run_scoped3A_144 : memref<!tpu.dma_semaphore, #tpu.memory_space<semaphore_mem>>) {add = true}
            %dma_wait3A_151 = arith.constant 0 : i32
            %dma_wait3A_152 = tpu.memref_slice %arg8[%add3A_128, %dma_wait3A_151] : memref<16x128xi32, #tpu.memory_space<vmem>> -> memref<1x128xi32, #tpu.memory_space<vmem>>
            %dma_wait3A_153 = tpu.memref_squeeze %dma_wait3A_152 : memref<1x128xi32, #tpu.memory_space<vmem>> -> memref<128xi32, #tpu.memory_space<vmem>>
            %dma_wait3A_154 = arith.constant 0 : i32
            %dma_wait3A_155 = arith.constant 0 : i32
            %dma_wait3A_156 = tpu.memref_slice %arg11[%dma_wait3A_154, %dma_wait3A_155] : memref<10112x128xf32, #tpu.memory_space<vmem_shared>> -> memref<10112x128xf32, #tpu.memory_space<vmem_shared>>
            tpu.wait_indirect_dma semaphore(%run_scoped3A_144 : memref<!tpu.dma_semaphore, #tpu.memory_space<semaphore_mem>>) src(%arg10 : memref<128x128xf32, #tpu.memory_space<vmem>>) dst(%dma_wait3A_156 : memref<10112x128xf32, #tpu.memory_space<vmem_shared>>)
            tpu.yield
          }) : () -> ()
          %add3A_136 = arith.constant 3 : i32
          %add3A_137 = arith.addi %mul3A_111, %add3A_136 : i32
          %dma_start3A_138 = arith.constant 0 : i32
          %dma_start3A_139 = tpu.memref_slice %arg7[%add3A_137, %dma_start3A_138] : memref<16x128xi32, #tpu.memory_space<vmem>> -> memref<1x128xi32, #tpu.memory_space<vmem>>
          %dma_start3A_140 = tpu.memref_squeeze %dma_start3A_139 : memref<1x128xi32, #tpu.memory_space<vmem>> -> memref<128xi32, #tpu.memory_space<vmem>>
          %dma_start3A_141 = arith.constant 0 : i32
          %dma_start3A_142 = arith.constant 0 : i32
          %dma_start3A_143 = tpu.memref_slice %arg2[%dma_start3A_141, %dma_start3A_142] : memref<10000x128xf32, #tpu.memory_space<hbm>> -> memref<10000x128xf32, #tpu.memory_space<hbm>>
          tpu.enqueue_indirect_dma source(%dma_start3A_143 : memref<10000x128xf32, #tpu.memory_space<hbm>>) target(%arg10 : memref<128x128xf32, #tpu.memory_space<vmem>>) offsets(%dma_start3A_140 : memref<128xi32, #tpu.memory_space<vmem>>) semaphore(%arg13 : memref<!tpu.dma_semaphore, #tpu.memory_space<semaphore_mem>>)
        }
        %scan3A_78 = arith.constant 7 : i32
        %dma_wait3A_79 = arith.constant 0 : i32
        %dma_wait3A_80 = arith.constant 0 : i32
        %dma_wait3A_81 = tpu.memref_slice %arg6[%dma_wait3A_79, %dma_wait3A_80] : memref<16x128xi32, #tpu.memory_space<vmem>> -> memref<1x128xi32, #tpu.memory_space<vmem>>
        %dma_wait3A_82 = tpu.memref_squeeze %dma_wait3A_81 : memref<1x128xi32, #tpu.memory_space<vmem>> -> memref<128xi32, #tpu.memory_space<vmem>>
        %dma_wait3A_83 = arith.constant 0 : i32
        %dma_wait3A_84 = arith.constant 0 : i32
        %dma_wait3A_85 = tpu.memref_slice %arg2[%dma_wait3A_83, %dma_wait3A_84] : memref<10000x128xf32, #tpu.memory_space<hbm>> -> memref<10000x128xf32, #tpu.memory_space<hbm>>
        tpu.wait_indirect_dma semaphore(%arg12 : memref<!tpu.dma_semaphore, #tpu.memory_space<semaphore_mem>>) src(%dma_wait3A_85 : memref<10000x128xf32, #tpu.memory_space<hbm>>) dst(%arg9 : memref<128x128xf32, #tpu.memory_space<vmem>>)
        %run_scoped3A_86 = arith.constant 14 : i32
        "tpu.region"() ({
          %run_scoped3A_109 = tpu.sem_alloc : memref<!tpu.dma_semaphore, #tpu.memory_space<semaphore_mem>>
          %dma_start3A_110 = arith.constant 0 : i32
          %dma_start3A_111 = tpu.memref_slice %arg8[%run_scoped3A_86, %dma_start3A_110] : memref<16x128xi32, #tpu.memory_space<vmem>> -> memref<1x128xi32, #tpu.memory_space<vmem>>
          %dma_start3A_112 = tpu.memref_squeeze %dma_start3A_111 : memref<1x128xi32, #tpu.memory_space<vmem>> -> memref<128xi32, #tpu.memory_space<vmem>>
          %dma_start3A_113 = arith.constant 0 : i32
          %dma_start3A_114 = arith.constant 0 : i32
          %dma_start3A_115 = tpu.memref_slice %arg11[%dma_start3A_113, %dma_start3A_114] : memref<10112x128xf32, #tpu.memory_space<vmem_shared>> -> memref<10112x128xf32, #tpu.memory_space<vmem_shared>>
          tpu.enqueue_indirect_dma source(%arg9 : memref<128x128xf32, #tpu.memory_space<vmem>>) target(%dma_start3A_115 : memref<10112x128xf32, #tpu.memory_space<vmem_shared>>) offsets(%dma_start3A_112 : memref<128xi32, #tpu.memory_space<vmem>>) semaphore(%run_scoped3A_109 : memref<!tpu.dma_semaphore, #tpu.memory_space<semaphore_mem>>) {add = true}
          %dma_wait3A_116 = arith.constant 0 : i32
          %dma_wait3A_117 = tpu.memref_slice %arg8[%run_scoped3A_86, %dma_wait3A_116] : memref<16x128xi32, #tpu.memory_space<vmem>> -> memref<1x128xi32, #tpu.memory_space<vmem>>
          %dma_wait3A_118 = tpu.memref_squeeze %dma_wait3A_117 : memref<1x128xi32, #tpu.memory_space<vmem>> -> memref<128xi32, #tpu.memory_space<vmem>>
          %dma_wait3A_119 = arith.constant 0 : i32
          %dma_wait3A_120 = arith.constant 0 : i32
          %dma_wait3A_121 = tpu.memref_slice %arg11[%dma_wait3A_119, %dma_wait3A_120] : memref<10112x128xf32, #tpu.memory_space<vmem_shared>> -> memref<10112x128xf32, #tpu.memory_space<vmem_shared>>
          tpu.wait_indirect_dma semaphore(%run_scoped3A_109 : memref<!tpu.dma_semaphore, #tpu.memory_space<semaphore_mem>>) src(%arg9 : memref<128x128xf32, #tpu.memory_space<vmem>>) dst(%dma_wait3A_121 : memref<10112x128xf32, #tpu.memory_space<vmem_shared>>)
          tpu.yield
        }) : () -> ()
        %add3A_87 = arith.constant 1 : i32
        %add3A_88 = arith.addi %scan3A_30, %add3A_87 : i32
        %lt3A_89 = arith.constant 5 : i32
        %lt3A_90 = arith.cmpi slt, %add3A_88, %lt3A_89 : i32
        %convert_element_type3A_91 = arith.extui %lt3A_90 : i1 to i32
        %cond3A_92 = arith.constant 0 : i32
        %cond3A_93 = arith.cmpi ne, %convert_element_type3A_91, %cond3A_92 : i32
        scf.if %cond3A_93 {
          %dma_start3A_109 = arith.constant 0 : i32
          %dma_start3A_110 = arith.constant 0 : i32
          %dma_start3A_111 = tpu.memref_slice %arg6[%dma_start3A_109, %dma_start3A_110] : memref<16x128xi32, #tpu.memory_space<vmem>> -> memref<1x128xi32, #tpu.memory_space<vmem>>
          %dma_start3A_112 = tpu.memref_squeeze %dma_start3A_111 : memref<1x128xi32, #tpu.memory_space<vmem>> -> memref<128xi32, #tpu.memory_space<vmem>>
          %dma_start3A_113 = arith.constant 0 : i32
          %dma_start3A_114 = arith.constant 0 : i32
          %dma_start3A_115 = tpu.memref_slice %arg2[%dma_start3A_113, %dma_start3A_114] : memref<10000x128xf32, #tpu.memory_space<hbm>> -> memref<10000x128xf32, #tpu.memory_space<hbm>>
          tpu.enqueue_indirect_dma source(%dma_start3A_115 : memref<10000x128xf32, #tpu.memory_space<hbm>>) target(%arg9 : memref<128x128xf32, #tpu.memory_space<vmem>>) offsets(%dma_start3A_112 : memref<128xi32, #tpu.memory_space<vmem>>) semaphore(%arg12 : memref<!tpu.dma_semaphore, #tpu.memory_space<semaphore_mem>>)
        } else {
        }
        %dma_wait3A_94 = arith.constant 0 : i32
        %dma_wait3A_95 = arith.constant 0 : i32
        %dma_wait3A_96 = tpu.memref_slice %arg6[%dma_wait3A_94, %dma_wait3A_95] : memref<16x128xi32, #tpu.memory_space<vmem>> -> memref<1x128xi32, #tpu.memory_space<vmem>>
        %dma_wait3A_97 = tpu.memref_squeeze %dma_wait3A_96 : memref<1x128xi32, #tpu.memory_space<vmem>> -> memref<128xi32, #tpu.memory_space<vmem>>
        %dma_wait3A_98 = arith.constant 0 : i32
        %dma_wait3A_99 = arith.constant 0 : i32
        %dma_wait3A_100 = tpu.memref_slice %arg2[%dma_wait3A_98, %dma_wait3A_99] : memref<10000x128xf32, #tpu.memory_space<hbm>> -> memref<10000x128xf32, #tpu.memory_space<hbm>>
        tpu.wait_indirect_dma semaphore(%arg13 : memref<!tpu.dma_semaphore, #tpu.memory_space<semaphore_mem>>) src(%dma_wait3A_100 : memref<10000x128xf32, #tpu.memory_space<hbm>>) dst(%arg10 : memref<128x128xf32, #tpu.memory_space<vmem>>)
        %run_scoped3A_101 = arith.constant 15 : i32
        "tpu.region"() ({
          %run_scoped3A_109 = tpu.sem_alloc : memref<!tpu.dma_semaphore, #tpu.memory_space<semaphore_mem>>
          %dma_start3A_110 = arith.constant 0 : i32
          %dma_start3A_111 = tpu.memref_slice %arg8[%run_scoped3A_101, %dma_start3A_110] : memref<16x128xi32, #tpu.memory_space<vmem>> -> memref<1x128xi32, #tpu.memory_space<vmem>>
          %dma_start3A_112 = tpu.memref_squeeze %dma_start3A_111 : memref<1x128xi32, #tpu.memory_space<vmem>> -> memref<128xi32, #tpu.memory_space<vmem>>
          %dma_start3A_113 = arith.constant 0 : i32
          %dma_start3A_114 = arith.constant 0 : i32
          %dma_start3A_115 = tpu.memref_slice %arg11[%dma_start3A_113, %dma_start3A_114] : memref<10112x128xf32, #tpu.memory_space<vmem_shared>> -> memref<10112x128xf32, #tpu.memory_space<vmem_shared>>
          tpu.enqueue_indirect_dma source(%arg10 : memref<128x128xf32, #tpu.memory_space<vmem>>) target(%dma_start3A_115 : memref<10112x128xf32, #tpu.memory_space<vmem_shared>>) offsets(%dma_start3A_112 : memref<128xi32, #tpu.memory_space<vmem>>) semaphore(%run_scoped3A_109 : memref<!tpu.dma_semaphore, #tpu.memory_space<semaphore_mem>>) {add = true}
          %dma_wait3A_116 = arith.constant 0 : i32
          %dma_wait3A_117 = tpu.memref_slice %arg8[%run_scoped3A_101, %dma_wait3A_116] : memref<16x128xi32, #tpu.memory_space<vmem>> -> memref<1x128xi32, #tpu.memory_space<vmem>>
          %dma_wait3A_118 = tpu.memref_squeeze %dma_wait3A_117 : memref<1x128xi32, #tpu.memory_space<vmem>> -> memref<128xi32, #tpu.memory_space<vmem>>
          %dma_wait3A_119 = arith.constant 0 : i32
          %dma_wait3A_120 = arith.constant 0 : i32
          %dma_wait3A_121 = tpu.memref_slice %arg11[%dma_wait3A_119, %dma_wait3A_120] : memref<10112x128xf32, #tpu.memory_space<vmem_shared>> -> memref<10112x128xf32, #tpu.memory_space<vmem_shared>>
          tpu.wait_indirect_dma semaphore(%run_scoped3A_109 : memref<!tpu.dma_semaphore, #tpu.memory_space<semaphore_mem>>) src(%arg10 : memref<128x128xf32, #tpu.memory_space<vmem>>) dst(%dma_wait3A_121 : memref<10112x128xf32, #tpu.memory_space<vmem_shared>>)
          tpu.yield
        }) : () -> ()
        %add3A_102 = arith.constant 1 : i32
        %add3A_103 = arith.addi %scan3A_30, %add3A_102 : i32
        %lt3A_104 = arith.constant 5 : i32
        %lt3A_105 = arith.cmpi slt, %add3A_103, %lt3A_104 : i32
        %convert_element_type3A_106 = arith.extui %lt3A_105 : i1 to i32
        %cond3A_107 = arith.constant 0 : i32
        %cond3A_108 = arith.cmpi ne, %convert_element_type3A_106, %cond3A_107 : i32
        scf.if %cond3A_108 {
          %dma_start3A_109 = arith.constant 1 : i32
          %dma_start3A_110 = arith.constant 0 : i32
          %dma_start3A_111 = tpu.memref_slice %arg6[%dma_start3A_109, %dma_start3A_110] : memref<16x128xi32, #tpu.memory_space<vmem>> -> memref<1x128xi32, #tpu.memory_space<vmem>>
          %dma_start3A_112 = tpu.memref_squeeze %dma_start3A_111 : memref<1x128xi32, #tpu.memory_space<vmem>> -> memref<128xi32, #tpu.memory_space<vmem>>
          %dma_start3A_113 = arith.constant 0 : i32
          %dma_start3A_114 = arith.constant 0 : i32
          %dma_start3A_115 = tpu.memref_slice %arg2[%dma_start3A_113, %dma_start3A_114] : memref<10000x128xf32, #tpu.memory_space<hbm>> -> memref<10000x128xf32, #tpu.memory_space<hbm>>
          tpu.enqueue_indirect_dma source(%dma_start3A_115 : memref<10000x128xf32, #tpu.memory_space<hbm>>) target(%arg10 : memref<128x128xf32, #tpu.memory_space<vmem>>) offsets(%dma_start3A_112 : memref<128xi32, #tpu.memory_space<vmem>>) semaphore(%arg13 : memref<!tpu.dma_semaphore, #tpu.memory_space<semaphore_mem>>)
        } else {
        }
      }
      %scan3A_29 = arith.constant 5 : i32
    } else {
    }
    %barrier3A_7 = arith.constant 0 : index
    tpu.barrier barrier_id(%barrier3A_7)
    %eq3A_8 = arith.constant 0 : i32
    %eq3A_9 = arith.cmpi eq, %arg0, %eq3A_8 : i32
    %convert_element_type3A_10 = arith.extui %eq3A_9 : i1 to i32
    %cond3A_11 = arith.constant 0 : i32
    %cond3A_12 = arith.cmpi ne, %convert_element_type3A_10, %cond3A_11 : i32
    scf.if %cond3A_12 {
      %mul3A = arith.constant 632 : i32
      %mul3A_13 = arith.muli %arg1, %mul3A : i32
      %mul3A_14 = arith.constant 632 : i32
      %mul3A_15 = arith.muli %arg1, %mul3A_14 : i32
      "tpu.region"() ({
        %run_scoped3A = tpu.sem_alloc : memref<!tpu.dma_semaphore, #tpu.memory_space<semaphore_mem>>
        %dma_start3A = arith.constant 0 : i32
        %dma_start3A_16 = tpu.memref_slice %arg5[%mul3A_15, %dma_start3A] : memref<10112x128xf32, #tpu.memory_space<hbm>> -> memref<632x128xf32, #tpu.memory_space<hbm>>
        %dma_start3A_17 = arith.constant 0 : i32
        %dma_start3A_18 = tpu.memref_slice %arg11[%mul3A_13, %dma_start3A_17] : memref<10112x128xf32, #tpu.memory_space<vmem_shared>> -> memref<632x128xf32, #tpu.memory_space<vmem_shared>>
        tpu.enqueue_dma source(%dma_start3A_18 : memref<632x128xf32, #tpu.memory_space<vmem_shared>>) target(%dma_start3A_16 : memref<632x128xf32, #tpu.memory_space<hbm>>) target_semaphore(%run_scoped3A : memref<!tpu.dma_semaphore, #tpu.memory_space<semaphore_mem>>)
        %dma_wait3A = arith.constant 0 : i32
        %dma_wait3A_19 = tpu.memref_slice %arg5[%mul3A_15, %dma_wait3A] : memref<10112x128xf32, #tpu.memory_space<hbm>> -> memref<632x128xf32, #tpu.memory_space<hbm>>
        %dma_wait3A_20 = arith.constant 0 : i32
        %dma_wait3A_21 = tpu.memref_slice %arg11[%mul3A_13, %dma_wait3A_20] : memref<10112x128xf32, #tpu.memory_space<vmem_shared>> -> memref<632x128xf32, #tpu.memory_space<vmem_shared>>
        tpu.wait_dma2 semaphore(%run_scoped3A : memref<!tpu.dma_semaphore, #tpu.memory_space<semaphore_mem>>) src(%dma_wait3A_21 : memref<632x128xf32, #tpu.memory_space<vmem_shared>>) dst(%dma_wait3A_19 : memref<632x128xf32, #tpu.memory_space<hbm>>)
        tpu.yield
      }) : () -> ()
    } else {
    }
    return
  }
}

module attributes {stable_mosaic.version = 14 : i64} {
  func.func @_tc_layer_body(%arg0: i32, %arg1: memref<1000x128xf32, #tpu.memory_space<vmem>>, %arg2: memref<1000x128xf32, #tpu.memory_space<vmem>>, %arg3: memref<1000x128xf32, #tpu.memory_space<vmem>>, %arg4: memref<128x128xf32, #tpu.memory_space<vmem>>, %arg5: memref<128x128xf32, #tpu.memory_space<vmem>>, %arg6: memref<1000x128xf32, #tpu.memory_space<vmem>>, %arg7: memref<1000x128xf32, #tpu.memory_space<vmem>>, %arg8: memref<1000x128xf32, #tpu.memory_space<vmem>>, %arg9: memref<1000x128xf32, #tpu.memory_space<vmem>>) attributes {dimension_semantics = [#tpu.dimension_semantics<arbitrary>], iteration_bounds = array<i64: 10>, scalar_prefetch = 0 : i64, scratch_operands = 0 : i64, tpu.core_type = #tpu.core_type<tc>, window_params = [{transform_indices = @transform_0, window_bounds = array<i64: 1000, 128>}, {transform_indices = @transform_1, window_bounds = array<i64: 1000, 128>}, {transform_indices = @transform_2, window_bounds = array<i64: 1000, 128>}, {pipeline_mode = #tpu.pipeline_mode<synchronous>, transform_indices = @transform_3, window_bounds = array<i64: 128, 128>}, {pipeline_mode = #tpu.pipeline_mode<synchronous>, transform_indices = @transform_4, window_bounds = array<i64: 128, 128>}, {transform_indices = @transform_5, window_bounds = array<i64: 1000, 128>}, {transform_indices = @transform_6, window_bounds = array<i64: 1000, 128>}, {transform_indices = @transform_7, window_bounds = array<i64: 1000, 128>}, {transform_indices = @transform_8, window_bounds = array<i64: 1000, 128>}]} {
    %get3A = arith.constant 0 : index
    %get3A_0 = arith.constant 0 : index
    %get3A_1 = vector.load %arg1[%get3A, %get3A_0] : memref<1000x128xf32, #tpu.memory_space<vmem>>, vector<1000x128xf32>
    %get3A_2 = arith.constant 0 : index
    %get3A_3 = arith.constant 0 : index
    %get3A_4 = vector.load %arg3[%get3A_2, %get3A_3] : memref<1000x128xf32, #tpu.memory_space<vmem>>, vector<1000x128xf32>
    %get3A_5 = arith.constant 0 : index
    %get3A_6 = arith.constant 0 : index
    %get3A_7 = vector.load %arg2[%get3A_5, %get3A_6] : memref<1000x128xf32, #tpu.memory_space<vmem>>, vector<1000x128xf32>
    %mul3A = arith.mulf %get3A_7, %get3A_4 : vector<1000x128xf32>
    %lt3A = arith.constant 5 : i32
    %lt3A_8 = arith.cmpi slt, %arg0, %lt3A : i32
    %get3A_9 = arith.constant 0 : index
    %get3A_10 = arith.constant 0 : index
    %get3A_11 = vector.load %arg4[%get3A_9, %get3A_10] : memref<128x128xf32, #tpu.memory_space<vmem>>, vector<128x128xf32>
    %get3A_12 = arith.constant 0 : index
    %get3A_13 = arith.constant 0 : index
    %get3A_14 = vector.load %arg5[%get3A_12, %get3A_13] : memref<128x128xf32, #tpu.memory_space<vmem>>, vector<128x128xf32>
    %select_n3A = arith.select %lt3A_8, %get3A_11, %get3A_14 : vector<128x128xf32>
    %dot_general3A = arith.constant dense<0.000000e+00> : vector<1000x128xf32>
    %dot_general3A_15 = tpu.matmul %get3A_1, %select_n3A, %dot_general3A {dimension_numbers = #tpu.dot_dimension_numbers<[1], [0], [0], [1], [0, 0, 1, 1], [], []>, transpose_lhs_hint = false} : vector<1000x128xf32>, vector<128x128xf32>, vector<1000x128xf32> -> vector<1000x128xf32>
    %reduce_max3A = arith.constant dense<0xFF800000> : vector<1000xf32>
    %reduce_max3A_16 = vector.multi_reduction <maximumf>, %dot_general3A_15, %reduce_max3A [1] : vector<1000x128xf32> to vector<1000xf32>
    %broadcast_in_dim3A = vector.shape_cast %reduce_max3A_16 : vector<1000xf32> to vector<1000x1xf32>
    %sub3A = vector.broadcast %broadcast_in_dim3A : vector<1000x1xf32> to vector<1000x128xf32>
    %sub3A_17 = arith.subf %dot_general3A_15, %sub3A : vector<1000x128xf32>
    %exp3A = math.exp %sub3A_17 : vector<1000x128xf32>
    %reduce_sum3A = arith.constant dense<0.000000e+00> : vector<1000xf32>
    %reduce_sum3A_18 = vector.multi_reduction <add>, %exp3A, %reduce_sum3A [1] : vector<1000x128xf32> to vector<1000xf32>
    %broadcast_in_dim3A_19 = vector.shape_cast %reduce_sum3A_18 : vector<1000xf32> to vector<1000x1xf32>
    %div3A = vector.broadcast %broadcast_in_dim3A_19 : vector<1000x1xf32> to vector<1000x128xf32>
    %div3A_20 = arith.divf %exp3A, %div3A : vector<1000x128xf32>
    %dot_general3A_21 = arith.constant dense<0.000000e+00> : vector<1000x128xf32>
    %dot_general3A_22 = tpu.matmul %div3A_20, %select_n3A, %dot_general3A_21 {dimension_numbers = #tpu.dot_dimension_numbers<[1], [1], [0], [0], [0, 0, 1, 0], [], []>, transpose_lhs_hint = false} : vector<1000x128xf32>, vector<128x128xf32>, vector<1000x128xf32> -> vector<1000x128xf32>
    %swap3A = arith.constant 0 : index
    %swap3A_23 = arith.constant 0 : index
    %swap3A_24 = vector.load %arg6[%swap3A, %swap3A_23] : memref<1000x128xf32, #tpu.memory_space<vmem>>, vector<1000x128xf32>
    tpu.vector_store %arg6[%swap3A, %swap3A_23], %mul3A {strides = array<i32>} : memref<1000x128xf32, #tpu.memory_space<vmem>>, vector<1000x128xf32>,
    %swap3A_25 = arith.constant 0 : index
    %swap3A_26 = arith.constant 0 : index
    %swap3A_27 = vector.load %arg7[%swap3A_25, %swap3A_26] : memref<1000x128xf32, #tpu.memory_space<vmem>>, vector<1000x128xf32>
    tpu.vector_store %arg7[%swap3A_25, %swap3A_26], %dot_general3A_22 {strides = array<i32>} : memref<1000x128xf32, #tpu.memory_space<vmem>>, vector<1000x128xf32>,
    %add3A = arith.addf %mul3A, %dot_general3A_22 : vector<1000x128xf32>
    %add3A_28 = arith.addf %add3A, %get3A_1 : vector<1000x128xf32>
    %swap3A_29 = arith.constant 0 : index
    %swap3A_30 = arith.constant 0 : index
    %swap3A_31 = vector.load %arg8[%swap3A_29, %swap3A_30] : memref<1000x128xf32, #tpu.memory_space<vmem>>, vector<1000x128xf32>
    tpu.vector_store %arg8[%swap3A_29, %swap3A_30], %add3A_28 {strides = array<i32>} : memref<1000x128xf32, #tpu.memory_space<vmem>>, vector<1000x128xf32>,
    %mul3A_32 = arith.mulf %add3A_28, %get3A_4 : vector<1000x128xf32>
    %swap3A_33 = arith.constant 0 : index
    %swap3A_34 = arith.constant 0 : index
    %swap3A_35 = vector.load %arg9[%swap3A_33, %swap3A_34] : memref<1000x128xf32, #tpu.memory_space<vmem>>, vector<1000x128xf32>
    tpu.vector_store %arg9[%swap3A_33, %swap3A_34], %mul3A_32 {strides = array<i32>} : memref<1000x128xf32, #tpu.memory_space<vmem>>, vector<1000x128xf32>,
    return
  }
  func.func @transform_0(%arg0: i32) -> (i32, i32) {
    %c0_i32 = arith.constant 0 : i32
    %c0_i32_0 = arith.constant 0 : i32
    return %arg0, %c0_i32 : i32, i32
  }
  func.func @transform_1(%arg0: i32) -> (i32, i32) {
    %c0_i32 = arith.constant 0 : i32
    %c0_i32_0 = arith.constant 0 : i32
    return %arg0, %c0_i32 : i32, i32
  }
  func.func @transform_2(%arg0: i32) -> (i32, i32) {
    %c0_i32 = arith.constant 0 : i32
    %c0_i32_0 = arith.constant 0 : i32
    return %arg0, %c0_i32 : i32, i32
  }
  func.func @transform_3(%arg0: i32) -> (i32, i32) {
    %c0_i32 = arith.constant 0 : i32
    %c0_i32_0 = arith.constant 0 : i32
    %c0_i32_1 = arith.constant 0 : i32
    return %c0_i32, %c0_i32_0 : i32, i32
  }
  func.func @transform_4(%arg0: i32) -> (i32, i32) {
    %c0_i32 = arith.constant 0 : i32
    %c0_i32_0 = arith.constant 0 : i32
    %c0_i32_1 = arith.constant 0 : i32
    return %c0_i32, %c0_i32_0 : i32, i32
  }
  func.func @transform_5(%arg0: i32) -> (i32, i32) {
    %c0_i32 = arith.constant 0 : i32
    %c0_i32_0 = arith.constant 0 : i32
    return %arg0, %c0_i32 : i32, i32
  }
  func.func @transform_6(%arg0: i32) -> (i32, i32) {
    %c0_i32 = arith.constant 0 : i32
    %c0_i32_0 = arith.constant 0 : i32
    return %arg0, %c0_i32 : i32, i32
  }
  func.func @transform_7(%arg0: i32) -> (i32, i32) {
    %c0_i32 = arith.constant 0 : i32
    %c0_i32_0 = arith.constant 0 : i32
    return %arg0, %c0_i32 : i32, i32
  }
  func.func @transform_8(%arg0: i32) -> (i32, i32) {
    %c0_i32 = arith.constant 0 : i32
    %c0_i32_0 = arith.constant 0 : i32
    return %arg0, %c0_i32 : i32, i32
  }
}

module attributes {stable_mosaic.version = 14 : i64} {
  func.func @_tc_layer_body(%arg0: i32, %arg1: memref<1000x128xf32, #tpu.memory_space<vmem>>, %arg2: memref<1000x128xf32, #tpu.memory_space<vmem>>, %arg3: memref<1000x128xf32, #tpu.memory_space<vmem>>, %arg4: memref<128x128xf32, #tpu.memory_space<vmem>>, %arg5: memref<128x128xf32, #tpu.memory_space<vmem>>, %arg6: memref<1000x128xf32, #tpu.memory_space<vmem>>, %arg7: memref<1000x128xf32, #tpu.memory_space<vmem>>, %arg8: memref<1000x128xf32, #tpu.memory_space<vmem>>, %arg9: memref<1000x128xf32, #tpu.memory_space<vmem>>) attributes {dimension_semantics = [#tpu.dimension_semantics<arbitrary>], iteration_bounds = array<i64: 10>, scalar_prefetch = 0 : i64, scratch_operands = 0 : i64, tpu.core_type = #tpu.core_type<tc>, window_params = [{transform_indices = @transform_0, window_bounds = array<i64: 1000, 128>}, {transform_indices = @transform_1, window_bounds = array<i64: 1000, 128>}, {transform_indices = @transform_2, window_bounds = array<i64: 1000, 128>}, {pipeline_mode = #tpu.pipeline_mode<synchronous>, transform_indices = @transform_3, window_bounds = array<i64: 128, 128>}, {pipeline_mode = #tpu.pipeline_mode<synchronous>, transform_indices = @transform_4, window_bounds = array<i64: 128, 128>}, {transform_indices = @transform_5, window_bounds = array<i64: 1000, 128>}, {transform_indices = @transform_6, window_bounds = array<i64: 1000, 128>}, {transform_indices = @transform_7, window_bounds = array<i64: 1000, 128>}, {transform_indices = @transform_8, window_bounds = array<i64: 1000, 128>}]} {
    %get3A = arith.constant 0 : index
    %get3A_0 = arith.constant 0 : index
    %get3A_1 = vector.load %arg1[%get3A, %get3A_0] : memref<1000x128xf32, #tpu.memory_space<vmem>>, vector<1000x128xf32>
    %get3A_2 = arith.constant 0 : index
    %get3A_3 = arith.constant 0 : index
    %get3A_4 = vector.load %arg3[%get3A_2, %get3A_3] : memref<1000x128xf32, #tpu.memory_space<vmem>>, vector<1000x128xf32>
    %get3A_5 = arith.constant 0 : index
    %get3A_6 = arith.constant 0 : index
    %get3A_7 = vector.load %arg2[%get3A_5, %get3A_6] : memref<1000x128xf32, #tpu.memory_space<vmem>>, vector<1000x128xf32>
    %mul3A = arith.mulf %get3A_7, %get3A_4 : vector<1000x128xf32>
    %lt3A = arith.constant 5 : i32
    %lt3A_8 = arith.cmpi slt, %arg0, %lt3A : i32
    %get3A_9 = arith.constant 0 : index
    %get3A_10 = arith.constant 0 : index
    %get3A_11 = vector.load %arg4[%get3A_9, %get3A_10] : memref<128x128xf32, #tpu.memory_space<vmem>>, vector<128x128xf32>
    %get3A_12 = arith.constant 0 : index
    %get3A_13 = arith.constant 0 : index
    %get3A_14 = vector.load %arg5[%get3A_12, %get3A_13] : memref<128x128xf32, #tpu.memory_space<vmem>>, vector<128x128xf32>
    %select_n3A = arith.select %lt3A_8, %get3A_11, %get3A_14 : vector<128x128xf32>
    %dot_general3A = arith.constant dense<0.000000e+00> : vector<1000x128xf32>
    %dot_general3A_15 = tpu.matmul %get3A_1, %select_n3A, %dot_general3A {dimension_numbers = #tpu.dot_dimension_numbers<[1], [0], [0], [1], [0, 0, 1, 1], [], []>, transpose_lhs_hint = false} : vector<1000x128xf32>, vector<128x128xf32>, vector<1000x128xf32> -> vector<1000x128xf32>
    %reduce_max3A = arith.constant dense<0xFF800000> : vector<1000xf32>
    %reduce_max3A_16 = vector.multi_reduction <maximumf>, %dot_general3A_15, %reduce_max3A [1] : vector<1000x128xf32> to vector<1000xf32>
    %broadcast_in_dim3A = vector.shape_cast %reduce_max3A_16 : vector<1000xf32> to vector<1000x1xf32>
    %sub3A = vector.broadcast %broadcast_in_dim3A : vector<1000x1xf32> to vector<1000x128xf32>
    %sub3A_17 = arith.subf %dot_general3A_15, %sub3A : vector<1000x128xf32>
    %exp3A = math.exp %sub3A_17 : vector<1000x128xf32>
    %reduce_sum3A = arith.constant dense<0.000000e+00> : vector<1000xf32>
    %reduce_sum3A_18 = vector.multi_reduction <add>, %exp3A, %reduce_sum3A [1] : vector<1000x128xf32> to vector<1000xf32>
    %broadcast_in_dim3A_19 = vector.shape_cast %reduce_sum3A_18 : vector<1000xf32> to vector<1000x1xf32>
    %div3A = vector.broadcast %broadcast_in_dim3A_19 : vector<1000x1xf32> to vector<1000x128xf32>
    %div3A_20 = arith.divf %exp3A, %div3A : vector<1000x128xf32>
    %dot_general3A_21 = arith.constant dense<0.000000e+00> : vector<1000x128xf32>
    %dot_general3A_22 = tpu.matmul %div3A_20, %select_n3A, %dot_general3A_21 {dimension_numbers = #tpu.dot_dimension_numbers<[1], [1], [0], [0], [0, 0, 1, 0], [], []>, transpose_lhs_hint = false} : vector<1000x128xf32>, vector<128x128xf32>, vector<1000x128xf32> -> vector<1000x128xf32>
    %swap3A = arith.constant 0 : index
    %swap3A_23 = arith.constant 0 : index
    %swap3A_24 = vector.load %arg6[%swap3A, %swap3A_23] : memref<1000x128xf32, #tpu.memory_space<vmem>>, vector<1000x128xf32>
    tpu.vector_store %arg6[%swap3A, %swap3A_23], %mul3A {strides = array<i32>} : memref<1000x128xf32, #tpu.memory_space<vmem>>, vector<1000x128xf32>,
    %swap3A_25 = arith.constant 0 : index
    %swap3A_26 = arith.constant 0 : index
    %swap3A_27 = vector.load %arg7[%swap3A_25, %swap3A_26] : memref<1000x128xf32, #tpu.memory_space<vmem>>, vector<1000x128xf32>
    tpu.vector_store %arg7[%swap3A_25, %swap3A_26], %dot_general3A_22 {strides = array<i32>} : memref<1000x128xf32, #tpu.memory_space<vmem>>, vector<1000x128xf32>,
    %add3A = arith.addf %mul3A, %dot_general3A_22 : vector<1000x128xf32>
    %add3A_28 = arith.addf %add3A, %get3A_1 : vector<1000x128xf32>
    %swap3A_29 = arith.constant 0 : index
    %swap3A_30 = arith.constant 0 : index
    %swap3A_31 = vector.load %arg8[%swap3A_29, %swap3A_30] : memref<1000x128xf32, #tpu.memory_space<vmem>>, vector<1000x128xf32>
    tpu.vector_store %arg8[%swap3A_29, %swap3A_30], %add3A_28 {strides = array<i32>} : memref<1000x128xf32, #tpu.memory_space<vmem>>, vector<1000x128xf32>,
    %mul3A_32 = arith.mulf %add3A_28, %get3A_4 : vector<1000x128xf32>
    %swap3A_33 = arith.constant 0 : index
    %swap3A_34 = arith.constant 0 : index
    %swap3A_35 = vector.load %arg9[%swap3A_33, %swap3A_34] : memref<1000x128xf32, #tpu.memory_space<vmem>>, vector<1000x128xf32>
    tpu.vector_store %arg9[%swap3A_33, %swap3A_34], %mul3A_32 {strides = array<i32>} : memref<1000x128xf32, #tpu.memory_space<vmem>>, vector<1000x128xf32>,
    return
  }
  func.func @transform_0(%arg0: i32) -> (i32, i32) {
    %c0_i32 = arith.constant 0 : i32
    %c0_i32_0 = arith.constant 0 : i32
    return %arg0, %c0_i32 : i32, i32
  }
  func.func @transform_1(%arg0: i32) -> (i32, i32) {
    %c0_i32 = arith.constant 0 : i32
    %c0_i32_0 = arith.constant 0 : i32
    return %arg0, %c0_i32 : i32, i32
  }
  func.func @transform_2(%arg0: i32) -> (i32, i32) {
    %c0_i32 = arith.constant 0 : i32
    %c0_i32_0 = arith.constant 0 : i32
    return %arg0, %c0_i32 : i32, i32
  }
  func.func @transform_3(%arg0: i32) -> (i32, i32) {
    %c0_i32 = arith.constant 0 : i32
    %c0_i32_0 = arith.constant 0 : i32
    %c0_i32_1 = arith.constant 0 : i32
    return %c0_i32, %c0_i32_0 : i32, i32
  }
  func.func @transform_4(%arg0: i32) -> (i32, i32) {
    %c0_i32 = arith.constant 0 : i32
    %c0_i32_0 = arith.constant 0 : i32
    %c0_i32_1 = arith.constant 0 : i32
    return %c0_i32, %c0_i32_0 : i32, i32
  }
  func.func @transform_5(%arg0: i32) -> (i32, i32) {
    %c0_i32 = arith.constant 0 : i32
    %c0_i32_0 = arith.constant 0 : i32
    return %arg0, %c0_i32 : i32, i32
  }
  func.func @transform_6(%arg0: i32) -> (i32, i32) {
    %c0_i32 = arith.constant 0 : i32
    %c0_i32_0 = arith.constant 0 : i32
    return %arg0, %c0_i32 : i32, i32
  }
  func.func @transform_7(%arg0: i32) -> (i32, i32) {
    %c0_i32 = arith.constant 0 : i32
    %c0_i32_0 = arith.constant 0 : i32
    return %arg0, %c0_i32 : i32, i32
  }
  func.func @transform_8(%arg0: i32) -> (i32, i32) {
    %c0_i32 = arith.constant 0 : i32
    %c0_i32_0 = arith.constant 0 : i32
    return %arg0, %c0_i32 : i32, i32
  }
}

</mosaic_0001>

<sc_bundles>
// kernel: kernel.10.cloned.1.call-start
scs
__scs_entry_jumppad:
0x0: {  	(pc) =	sbr.rel $0x88, $3  }
0x1: {  	(tag) =	ssettag $0x0;
	lr =	simm.s32 $0x1  }
0x2: {  	[smem:$0x3F9C] =	sst lr;
	_ =	strace $0xD0000000  }
0x3: {  	_ = 	snop  }
0x4: {  	_ = 	snop  }
0x5: {  	_ = 	snop  }
0x6: {  	_ = 	snop  }
0x7: {  	_ = 	snop  }
__scs_overlays_trampoline_lowered:
0x8: {  	[smem:$0x3FAB] =	sst s0  }
0x9: {  	[smem:$0x3FAC] =	sst s1  }
0xa: {  	[smem:$0x3FAD] =	sst s2  }
0xb: {  	[smem:$0x3FAE] =	sst s3  }
0xc: {  	[smem:$0x3FAF] =	sst s4  }
0xd: {  	[smem:$0x3FB0] =	sst s5  }
0xe: {  	[smem:$0x3FB1] =	sst s6  }
0xf: {  	[smem:$0x3FB2] =	sst s7  }
0x10: {  	[smem:$0x3FB3] =	sst s8  }
0x11: {  	[smem:$0x3FB4] =	sst s9;
	s0 =	simm.s32 @!p0 $0x0  }
0x12: {  	s1 =	sld [smem:$0x3F9A];
	s0 =	simm.s32 @p0 $0x1  }
0x13: {  	[smem:$0x3FB5] =	sst s0;
	s0 =	simm.s32 @!p1 $0x0  }
0x14: {  	s2 =	sld [smem:$0x3F99];
	s0 =	simm.s32 @p1 $0x1  }
0x15: {  	[smem:$0x3FB6] =	sst s0;
	s0 =	simm.s32 @!p2 $0x0  }
0x16: {  	s3 =	sld [smem:$0x3FDB];
	s0 =	simm.s32 @p2 $0x1  }
0x17: {  	s4 =	simm.s32 $0x1BF5;
	[smem:$0x3FB8] =	sst s0  }
0x18: {  	s0 =	sld [smem:$0x3F9B];
	_ =	swait.ge [sflag:s4], $0x0  }
0x19: {  	s7 =	sld [smem:$0x3F9C]  }
0x1a: {  	s8 =	sadd.s32 $0xFFFFE003, lr  }
0x1b: {  	s9 =	sadd.s32 $0xFFFFFEF7, lr;
	s5 =	simm.s32 $0xFFFFFFFF;
	p2 =	slt.u32 s8, $0xFFFFF086  }
0x1c: {  	p1 =	slt.u32 s9, $0xF7A;
	s5 =	simm.s32 @!p2 $0x0  }
0x1d: {  	s5 =	simm.s32 @p1 $0x1;
	p0 =	seq.s32 s7, s2  }
0x1e: {  	s7 =	smul.u32 @!p0 $0xF7A, s2;
	p2 =	seq.s32 @!p0 s5, $0x0  }
0x1f: {  	s9 =	smul.u32 $0xF7A, s1;
	s8 =	simm.s32 @!p0 $0x1BF5;
	p2 =	por !p2, p0  }
0x20: {  	[sflag:s8] =	ssyncset.s32 @!p0 $0xFFFFF086;
	s6 =	sadd.s32 @!p0 s3, s7;
	s7 =	simm.s32 @!p0 $0x108  }
0x21: {  	s3 =	sadd.s32 s3, s9;
	s6 =	sadd.s32 @!p0 $0x88, s6;
	s7 =	simm.s32 @p2 $0x1082  }
0x22: {  	[simem:s7], [sflag:s8] =	dma.local @!p0 [hbm:s6], $0xF7A  }
0x23: {  	s9 =	sor.u32 $0xD0000000, s2;
	s6 =	simm.s32 $0x108;
	_ =	swait.ge @!p0 [sflag:s8], $0x0  }
0x24: {  	s3 =	sadd.s32 $0x88, s3;
	s6 =	simm.s32 @!p1 $0x1082;
	[sflag:s4] =	ssyncset.s32 $0xFFFFF086  }
0x25: {  	[simem:s6], [sflag:s4] =	dma.local [hbm:s3], $0xF7A  }
0x26: {  	[smem:$0x3F9C] =	sst s1;
	(tag) =	ssettag s2;
	_ =	strace s9  }
0x27: {  	s1 =	sld [smem:$0x3FAC]  }
0x28: {  	s2 =	sld [smem:$0x3FAD]  }
0x29: {  	s4 =	sld [smem:$0x3FAF]  }
0x2a: {  	p0 =	seq.s32 s5, $0x0;
	s5 =	sld [smem:$0x3FB0]  }
0x2b: {  	s6 =	sld [smem:$0x3FB1]  }
0x2c: {  	s7 =	sld [smem:$0x3FB2]  }
0x2d: {  	s3 =	simm.s32 $0x108;
	s8 =	sld [smem:$0x3FB3]  }
0x2e: {  	s3 =	simm.s32 @!p0 $0x1082;
	s9 =	sld [smem:$0x3FB4]  }
0x2f: {  	lr =	sadd.s32 s0, s3;
	s0 =	sld [smem:$0x3FAB]  }
0x30: {  	s3 =	sld [smem:$0x3FAE]  }
0x31: {  	[smem:$0x3FB7] =	sst s10  }
0x32: {  	s10 =	sld [smem:$0x3FB5];
	_ =	sdelay $0x3  }
0x33: {  	p0 =	seq.s32 s10, $0x1;
	s10 =	sld [smem:$0x3FB7];
	_ =	sdelay $0x3  }
0x34: {  	[smem:$0x3FB7] =	sst s10  }
0x35: {  	s10 =	sld [smem:$0x3FB6];
	_ =	sdelay $0x3  }
0x36: {  	p1 =	seq.s32 s10, $0x1;
	s10 =	sld [smem:$0x3FB7];
	_ =	sdelay $0x3  }
0x37: {  	[smem:$0x3FB7] =	sst s10  }
0x38: {  	s10 =	sld [smem:$0x3FB8]  }
0x39: {  	_ = 	snop;
	(pc) =	sbr.ind lr, $3  }
0x3a: {  	_ = 	snop  }
0x3b: {  	_ = 	snop  }
0x3c: {  	p2 =	seq.s32 s10, $0x1;
	s10 =	sld [smem:$0x3FB7]  }
0x3d: {  	_ =	shalt  }
0x3e: {  	_ =	shalt  }
0x3f: {  	_ =	shalt  }
0x40: {  	_ =	shalt  }
0x41: {  	_ =	shalt  }
0x42: {  	_ =	shalt  }
0x43: {  	_ =	shalt  }
0x44: {  	_ =	shalt  }
0x45: {  	_ =	shalt  }
0x46: {  	_ =	shalt  }
0x47: {  	_ =	shalt  }
0x48: {  	_ =	shalt  }
0x49: {  	_ =	shalt  }
0x4a: {  	_ =	shalt  }
0x4b: {  	_ =	shalt  }
0x4c: {  	_ =	shalt  }
0x4d: {  	_ =	shalt  }
0x4e: {  	_ =	shalt  }
0x4f: {  	_ =	shalt  }
0x50: {  	_ =	shalt  }
0x51: {  	_ =	shalt  }
0x52: {  	_ =	shalt  }
0x53: {  	_ =	shalt  }
0x54: {  	_ =	shalt  }
0x55: {  	_ =	shalt  }
0x56: {  	_ =	shalt  }
0x57: {  	_ =	shalt  }
0x58: {  	_ =	shalt  }
0x59: {  	_ =	shalt  }
0x5a: {  	_ =	shalt  }
0x5b: {  	_ =	shalt  }
0x5c: {  	_ =	shalt  }
0x5d: {  	_ =	shalt  }
0x5e: {  	_ =	shalt  }
0x5f: {  	_ =	shalt  }
0x60: {  	_ =	shalt  }
0x61: {  	_ =	shalt  }
0x62: {  	_ =	shalt  }
0x63: {  	_ =	shalt  }
0x64: {  	_ =	shalt  }
0x65: {  	_ =	shalt  }
0x66: {  	_ =	shalt  }
0x67: {  	_ =	shalt  }
0x68: {  	_ =	shalt  }
0x69: {  	_ =	shalt  }
0x6a: {  	_ =	shalt  }
0x6b: {  	_ =	shalt  }
0x6c: {  	_ =	shalt  }
0x6d: {  	_ =	shalt  }
0x6e: {  	_ =	shalt  }
0x6f: {  	_ =	shalt  }
0x70: {  	_ =	shalt  }
0x71: {  	_ =	shalt  }
0x72: {  	_ =	shalt  }
0x73: {  	_ =	shalt  }
0x74: {  	_ =	shalt  }
0x75: {  	_ =	shalt  }
0x76: {  	_ =	shalt  }
0x77: {  	_ =	shalt  }
0x78: {  	_ =	shalt  }
0x79: {  	_ =	shalt  }
0x7a: {  	_ =	shalt  }
0x7b: {  	_ =	shalt  }
0x7c: {  	_ =	shalt  }
0x7d: {  	_ =	shalt  }
0x7e: {  	_ =	shalt  }
0x7f: {  	_ =	shalt  }
0x80: {  	_ =	shalt  }
0x81: {  	_ =	shalt  }
0x82: {  	_ =	shalt  }
0x83: {  	_ =	shalt  }
0x84: {  	_ =	shalt  }
0x85: {  	_ =	shalt  }
0x86: {  	_ =	shalt  }
0x87: {  	_ =	shalt  }
.Lfunc_end0:
.L_simem_size_0:
called_computation.1_lowered:
.L_overlay_start_0:
0x88: {  	s2 =	sld [smem:$0x3FD9]  }
0x89: {  	s3 =	sld [smem:$0x3FFE];
	_ =	sdelay $0x1  }
0x8a: {  	s1 =	srdreg.scid  }
0x8b: {  	s0 =	sand.u32 $0x1, s1  }
0x8c: {  	s14 =	sshll.u32 s0, $0xA;
	s2 =	sadd.s32 s3, s2  }
0x8d: {  	s2 =	sadd.s32 s2, s14  }
0x8e: {  	[smem:$0x3FC3] =	sst s2  }
0x8f: {  	_ = 	snop  }
0x90: {  	s2 =	sld [smem:$0x3FD0];
	_ =	sdelay $0x2  }
0x91: {  	s15 =	simm.s32 $0xA;
	s4 =	simm.s32 $0x10  }
0x92: {  	[smem:s4], [sflag:s15] =	dma.local [hbm:s2], $0x1  }
0x93: {  	_ =	swait.eq [sflag:s15], $0x1  }
0x94: {  	[sflag:s15] =	ssyncset.done $0x0  }
0x95: {  	s16 =	sld [smem:$0x10];
	[sflag:s15] =	ssyncadd.s32 $0xFFFFFFFF  }
0x96: {  	s17 =	sld [smem:$0x13];
	(tm) =	ssettm $0x1  }
0x97: {  	s18 =	sld [smem:$0x3FFB];
	_ =	sdelay $0x3  }
0x98: {  	_ =	strace s18  }
0x99: {  	s4 =	sld [smem:$0x3FFC];
	_ =	sdelay $0x3  }
0x9a: {  	_ =	strace s4  }
0x9b: {  	s4 =	sld [smem:$0x3FFD];
	_ =	sdelay $0x3  }
0x9c: {  	_ =	strace s4  }
0x9d: {  	_ =	strace $0x8FFFFFFF  }
0x9e: {  	s19 =	sld [smem:$0x3FDB];
	_ =	sdelay $0x1  }
0x9f: {  	s5 =	simm.s32 $_scs_section_size  }
0xa0: {  	s6 =	simm.s32 $_size__tile_overlayer_lowered;
	s7 =	simm.s32 $_tile_overlayer_lowered  }
0xa1: {  	s22 =	simm.s32 $0x1BFF;
	s21 =	sshll.u32 s7, $0x1;
	s4 =	sadd.s32 s5, s19  }
0xa2: {  	s8 =	simm.s32 $0x0;
	s20 =	sshll.u32 s6, $0x1;
	s6 =	sadd.s32 s21, s4  }
0xa3: {  	[timem:s8], [sflag:s22] =	dma.local [hbm:s6], s20  }
0xa4: {  	_ =	swait.ge [sflag:s22], s20  }
0xa5: {  	s5 =	ssub.s32 $0x0, s20;
	[sflag:s22] =	ssyncset.done $0x0  }
0xa6: {  	[sflag:s22] =	ssyncadd.s32 s5;
	_ =	sdelay $0x1  }
0xa7: {  	s23 =	simm.s32 $0x1B8B  }
0xa8: {  	_ =	swait.ge [sflag:s23], $0x1  }
0xa9: {  	[sflag:s23] =	ssyncset.done $0x0  }
0xaa: {  	s25 =	simm.s32 $0x1B8E;
	s24 =	sld [smem:$0x3FFE];
	[sflag:s23] =	ssyncadd.s32 $0xFFFFFFFF  }
0xab: {  	s26 =	simm.s32 $execute0_lowered;
	[smem:$0x3FD2] =	sst s25  }
0xac: {  	s6 =	sshll.u32 s26, $0x1;
	_ =	strace $0x80000049;
	[dreg:$0x1] =	wrdreg $0xFFFFFFFF  }
0xad: {  	s28 =	simm.s32 $_size_execute0_lowered;
	s4 =	sadd.s32 s4, s6;
	[dreg:$0x0] =	wrdreg $0x0  }
0xae: {  	s6 =	sshll.u32 s28, $0x1;
	[dreg:$0x2] =	wrdreg s4  }
0xaf: {  	[dreg:$0x3] =	wrdreg s6  }
0xb0: {  	[dreg:$0x4] =	wrdreg $0xC0  }
0xb1: {  	_ =	task [dreg:s8], $0x5FFFF  }
0xb2: {  	[dreg:$0x1] =	wrdreg $0xFFFFFFFF  }
0xb3: {  	[dreg:$0x0] =	wrdreg $0x60  }
0xb4: {  	[dreg:$0x2] =	wrdreg s24  }
0xb5: {  	[dreg:$0x3] =	wrdreg s16  }
0xb6: {  	[dreg:$0x4] =	wrdreg s17  }
0xb7: {  	[dreg:$0x5] =	wrdreg $0x98000  }
0xb8: {  	[dreg:$0x6] =	wrdreg $0x9  }
0xb9: {  	_ =	task.clear_ibuf [dreg:s8], $0x7FFFF;
	_ =	strace $0x90000049  }
0xba: {  	s29 =	simm.s32 $0x9;
	_ =	strace $0x8000004B  }
0xbb: {  	_ =	swait.ge [sflag:s29], $0x1  }
0xbc: {  	[sflag:s29] =	ssyncadd.s32 $0xFFFFFFFF  }
0xbd: {  	_ =	strace $0x9000004B  }
0xbe: {  	_ =	sfence  }
0xbf: {  	s30 =	sld [smem:$0x0];
	_ =	sdelay $0x2  }
0xc0: {  	s31 =	sshll.u32 s1, $0xD;
	s1 =	sshrl.u32 s1, $0x2  }
0xc1: {  	s3 =	sand.u32 $0x4000, s31;
	s1 =	sadd.s32 s1, s30  }
0xc2: {  	s0 =	sor.u32 s3, s0;
	s1 =	sshll.u32 s1, $0x11  }
0xc3: {  	s0 =	sor.u32 s1, s0  }
0xc4: {  	s0 =	sadd.s32 $0x8F2B, s0  }
0xc5: {  	[sflag:s0] =	ssyncadd.remote.s32 $0x1  }
0xc6: {  	_ =	sfence.sel $0xFFFF  }
0xc7: {  	[dreg:$0x0] =	wrdreg $0xFFFFFFFF;
	(pc) =	sbr.abs _section_cstart, $3  }
0xc8: {  	[dreg:$0x1] =	wrdreg $0xFFFFFFFF  }
0xc9: {  	_ =	task.clear_ibuf [dreg:s8], $0x2FFFF;
	_ =	strace $0x9FFFFFFF  }
0xca: {  	(tm) =	ssettm $0x7FFFFFFF  }
0xcb: {  	_ =	shalt  }
tec
execute0_lowered:
.L_overlay_start_1:
0x0: {  	(tag) =	ssettag $0x1  }
0x1: {  	s0 =	rddreg [dreg:$0x0]  }
0x2: {  	s1 =	rddreg [dreg:$0x1]  }
0x3: {  	s5 =	rddreg [dreg:$0x2]  }
0x4: {  	s2 =	rddreg [dreg:$0x3];
	s3 =	simm.s32 $0x0;
	s12 =	stileid.u32  }
0x5: {  	s7 =	srdreg.scid;
	s15 =	simm.s32 $0x1800;
	s16 =	simm.s32 $0x3  }
0x6: {  	s17 =	simm.s32 $0x80;
	s18 =	simm.s32 $0x5800;
	s19 =	simm.s32 $0x800  }
0x7: {  	s20 =	simm.s32 $0x1000;
	s29 =	simm.s32 $0x1180;
	s6 =	smul.u32 $0xA00, s12  }
0x8: {  	s31 =	simm.s32 $0x1200;
	s30 =	simm.s32 $0x1580;
	s8 =	smul.u32 $0x4F000, s12  }
0x9: {  	s28 =	simm.s32 $0x1780;
	[smem:$0x7FF] =	sst s3;
	s10 =	smul.u32 $0x5000, s12  }
0xa: {  	s4 =	sadd.s32 $0xCA00, s0;
	s7 =	sand.u32 $0x1, s7;
	s12 =	smul.u32 $0x2780, s12  }
0xb: {  	_ =	strace $0x8000004A;
	s9 =	ssub.s32 $0x2, s7;
	p0 =	seq.s32 s7, $0x0  }
0xc: {  	s7 =	simm.s32 $0x1300;
	s0 =	sadd.s32 s6, s0;
	s11 =	sshrl.u32 s9, $0x1  }
0xd: {  	s8 =	sshrl.u32 s8, $0x2;
	s22 =	sshrl.u32 s10, $0x3;
	s5 =	sadd.s32 s5, s12  }
0xe: {  	s13 =	sadd.s32 s6, s1;
	s10 =	simm.s32 $0x1380;
	s12 =	simm.s32 $0x1400  }
0xf: {  	s6 =	simm.s32 $0x1600;
	s9 =	ssub.s32 s9, s11;
	s21 =	sadd.s32 s8, s2  }
0x10: {  	s8 =	sadd.s32 s1, s22;
	[dreg:$0x8] =	wrdreg s5;
	s0 =	sadd.s32 $0x2A00, s0  }
0x11: {  	s1 =	simm.s32 $0x1280;
	s5 =	simm.s32 $0x1480;
	[dreg:$0x7] =	wrdreg s8  }
0x12: {  	s11 =	simm.s32 $0x1680;
	s22 =	simm.s32 $0x1700;
	[dreg:$0x5] =	wrdreg s21  }
0x13: {  	s23 =	sadd.s32 $0x10000, s21;
	s8 =	smax.u32 s9, $0x1;
	[dreg:$0xd] =	wrdreg s0  }
.Ltmp0:
0x14: {  	s24 =	sadd.s32 $0x4000, s21;
	[dreg:$0x6] =	wrdreg s23;
	(pc) =	sbr.rel .LBB2_1-.Ltmp0, $4  }
0x15: {  	s25 =	sadd.s32 $0x8000, s21;
	s26 =	sadd.s32 $0xC000, s21;
	[dreg:$0xa] =	wrdreg s24  }
0x16: {  	s21 =	simm.s32 $0x1;
	s0 =	simm.s32 $0x0;
	[dreg:$0xb] =	wrdreg s25  }
0x17: {  	[dreg:$0xc] =	wrdreg s26;
	s23 =	simm.s32 $0x2;
	s24 =	simm.s32 $0x1080  }
0x18: {  	v0 =	vimm.f32 $0.0e+00;
	s26 =	simm.s32 $0x1100;
	s25 =	simm.s32 $0x1500;
	[dreg:$0x9] =	wrdreg s8  }
.LBB2_7:
0x19: {  	[bflag:$0x0] =	sbarrier.arrive $0xFFFF  }
0x1a: {  	[bflag:$0x0] =	sbarrier.arrive $0xFFFF  }
.LBB2_10:
0x1b: {  	s0 =	sadd.s32 $0x1, s0  }
0x1c: {  	p1 =	sne.s32 s0, s8  }
.Ltmp1:
0x1d: {  	_ = 	snop;
	(pc) =	sbr.rel @!p1 .LBB2_11-.Ltmp1, $1  }
0x1e: {  	_ =	sdelay $0x3  }
.LBB2_1:
.Ltmp2:
0x1f: {  	(pc) =	sbr.rel @!p0 .LBB2_7-.Ltmp2, $1  }
0x20: {  	_ =	sdelay $0x3  }
0x21: {  	s14 =	sand.u32 $0xFE00, s3  }
0x22: {  	[dreg:$0xe] =	wrdreg s0;
	s9 =	sand.u32 $0x70, s3;
	s0 =	sshrl.u32 s14, $0x2  }
0x23: {  	s8 =	simm.s32 $0x40;
	s0 =	sor.u32 s9, s0;
	s9 =	simm.s32 $0x0  }
.LBB2_3:
0x24: {  	p1 =	seq.s32 s8, $0xFFC0  }
0x25: {  	[tilespmem:s0+$0x1800] =	vst v0;
	s9 =	sadd.s32 $0x10, s9;
	s0 =	smov.u32 s8;
	s8 =	sadd.s32 $0x40, s8  }
.Ltmp3:
0x26: {  	(pc) =	sbr.rel @!p1 .LBB2_3-.Ltmp3, $4  }
0x27: {  	_ = 	snop  }
0x28: {  	s0 =	sand.u32 $0xFE00, s0  }
0x29: {  	s14 =	sand.u32 $0x70, s9;
	s0 =	sshrl.u32 s0, $0x2  }
0x2a: {  	s0 =	sor.u32 s14, s0  }
0x2b: {  	[tilespmem:s0+$0x1800] =	vst v0;
	s8 =	rddreg [dreg:$0x5]  }
0x2c: {  	[spmem:s8] =	stream.linear.scatter [tilespmem:s15], [sflag:$0x3], $0x4000, $0x38;
	[tilespmem:$0x1D400] =	vst v63  }
0x2d: {  	_ =	swait.ge [sflag:s16], $0x4000  }
0x2e: {  	[sflag:s16] =	ssyncset.done $0x0  }
0x2f: {  	s9 =	rddreg [dreg:$0xa];
	[sflag:s16] =	ssyncadd.s32 $0xFFFFC000  }
0x30: {  	[spmem:s9] =	stream.linear.scatter [tilespmem:s15], [sflag:$0x3], $0x4000, $0x38;
	[tilespmem:$0x1D400] =	vst v63  }
0x31: {  	_ =	swait.ge [sflag:s16], $0x4000  }
0x32: {  	[sflag:s16] =	ssyncset.done $0x0  }
0x33: {  	s14 =	rddreg [dreg:$0xb];
	[sflag:s16] =	ssyncadd.s32 $0xFFFFC000  }
0x34: {  	[spmem:s14] =	stream.linear.scatter [tilespmem:s15], [sflag:$0x3], $0x4000, $0x38;
	[tilespmem:$0x1D400] =	vst v63  }
0x35: {  	_ =	swait.ge [sflag:s16], $0x4000  }
0x36: {  	[sflag:s16] =	ssyncset.done $0x0  }
0x37: {  	s8 =	rddreg [dreg:$0xc];
	[sflag:s16] =	ssyncadd.s32 $0xFFFFC000  }
0x38: {  	[spmem:s8] =	stream.linear.scatter [tilespmem:s15], [sflag:$0x3], $0x4000, $0x38;
	[tilespmem:$0x1D400] =	vst v63  }
0x39: {  	_ =	swait.ge [sflag:s16], $0x4000  }
0x3a: {  	[sflag:s16] =	ssyncset.done $0x0  }
0x3b: {  	s9 =	rddreg [dreg:$0x6];
	[sflag:s16] =	ssyncadd.s32 $0xFFFFC000  }
0x3c: {  	[spmem:s9] =	stream.linear.scatter [tilespmem:s15], [sflag:$0x3], $0x3C00, $0x38;
	[tilespmem:$0x1D400] =	vst v63  }
0x3d: {  	_ =	swait.ge [sflag:s16], $0x3C00  }
0x3e: {  	[sflag:s16] =	ssyncset.done $0x0  }
0x3f: {  	[sflag:s16] =	ssyncadd.s32 $0xFFFFC400  }
0x40: {  	[bflag:$0x0] =	sbarrier.arrive $0xFFFF  }
0x41: {  	s8 =	simm.s32 $0x0;
	s14 =	rddreg [dreg:$0x7]  }
0x42: {  	[tilespmem:s8], [sflag:$0x3] =	stream.linear.gather [hbm4b:s14+s8], $0x800, $0x38;
	[tilespmem:$0x1D400] =	vst v63  }
0x43: {  	_ =	swait.ge [sflag:s16], $0x800  }
0x44: {  	[sflag:s16] =	ssyncset.done $0x0  }
0x45: {  	[sflag:s16] =	ssyncadd.s32 $0xFFFFF800  }
0x46: {  	[tilespmem:s15], [sflag:$0x1] =	stream.indirect.gather [hbm4b:s4+s17], $0x80, s8, s17, $0xb8;
	[tilespmem:$0x1D400] =	vst v63  }
0x47: {  	_ = 	snop  }
0x48: {  	[tilespmem:s18], [sflag:$0x2] =	stream.indirect.gather [hbm4b:s4+s17], $0x80, s17, s17, $0xb8;
	[tilespmem:$0x1D400] =	vst v63  }
.LBB2_5:
0x49: {  	s0 =	sadd.s32 s8, s13  }
0x4a: {  	s0 =	sadd.s32 $0x100, s0  }
0x4b: {  	[tilespmem:s19], [sflag:$0x3] =	stream.linear.gather [hbm4b:s0+s3], $0x800, $0x38;
	[tilespmem:$0x1D400] =	vst v63  }
0x4c: {  	_ =	swait.ge [sflag:s16], $0x800  }
0x4d: {  	[sflag:s16] =	ssyncset.done $0x0;
	s9 =	rddreg [dreg:$0xd]  }
0x4e: {  	[sflag:s16] =	ssyncadd.s32 $0xFFFFF800;
	s9 =	sadd.s32 s8, s9  }
0x4f: {  	[tilespmem:s20], [sflag:$0x3] =	stream.linear.gather [hbm4b:s9+s3], $0x800, $0x38;
	[tilespmem:$0x1D400] =	vst v63  }
0x50: {  	_ =	swait.ge [sflag:s16], $0x800  }
0x51: {  	[sflag:s16] =	ssyncset.done $0x0  }
0x52: {  	[sflag:s16] =	ssyncadd.s32 $0xFFFFF800  }
0x53: {  	_ =	swait.ge [sflag:s21], $0x4000  }
0x54: {  	[sflag:s21] =	ssyncset.done $0x0  }
0x55: {  	[sflag:s21] =	ssyncadd.s32 $0xFFFFC000  }
0x56: {  	[spmem:s2] =	stream.indirect.scatter.add.f32 [tilespmem:s15], [sflag:$0x3], $0x80, s20, s17, $0xb8;
	[tilespmem:$0x1D400] =	vst v63  }
0x57: {  	_ =	swait.ge [sflag:s16], $0x4000  }
0x58: {  	[sflag:s16] =	ssyncset.done $0x0  }
0x59: {  	s14 =	simm.s32 $0x100;
	[sflag:s16] =	ssyncadd.s32 $0xFFFFC000  }
0x5a: {  	[tilespmem:s15], [sflag:$0x1] =	stream.indirect.gather [hbm4b:s4+s17], $0x80, s14, s17, $0xb8;
	[tilespmem:$0x1D400] =	vst v63  }
0x5b: {  	_ =	swait.ge [sflag:s23], $0x4000  }
0x5c: {  	[sflag:s23] =	ssyncset.done $0x0  }
0x5d: {  	[sflag:s23] =	ssyncadd.s32 $0xFFFFC000  }
0x5e: {  	[spmem:s2] =	stream.indirect.scatter.add.f32 [tilespmem:s18], [sflag:$0x3], $0x80, s24, s17, $0xb8;
	[tilespmem:$0x1D400] =	vst v63  }
0x5f: {  	_ =	swait.ge [sflag:s16], $0x4000  }
0x60: {  	[sflag:s16] =	ssyncset.done $0x0  }
0x61: {  	s14 =	simm.s32 $0x180;
	[sflag:s16] =	ssyncadd.s32 $0xFFFFC000  }
0x62: {  	[tilespmem:s18], [sflag:$0x2] =	stream.indirect.gather [hbm4b:s4+s17], $0x80, s14, s17, $0xb8;
	[tilespmem:$0x1D400] =	vst v63  }
0x63: {  	_ =	swait.ge [sflag:s21], $0x4000  }
0x64: {  	[sflag:s21] =	ssyncset.done $0x0  }
0x65: {  	[sflag:s21] =	ssyncadd.s32 $0xFFFFC000  }
0x66: {  	[spmem:s2] =	stream.indirect.scatter.add.f32 [tilespmem:s15], [sflag:$0x3], $0x80, s26, s17, $0xb8;
	[tilespmem:$0x1D400] =	vst v63  }
0x67: {  	_ =	swait.ge [sflag:s16], $0x4000  }
0x68: {  	[sflag:s16] =	ssyncset.done $0x0  }
0x69: {  	s14 =	simm.s32 $0x200;
	[sflag:s16] =	ssyncadd.s32 $0xFFFFC000  }
0x6a: {  	[tilespmem:s15], [sflag:$0x1] =	stream.indirect.gather [hbm4b:s4+s17], $0x80, s14, s17, $0xb8;
	[tilespmem:$0x1D400] =	vst v63  }
0x6b: {  	_ =	swait.ge [sflag:s23], $0x4000  }
0x6c: {  	[sflag:s23] =	ssyncset.done $0x0  }
0x6d: {  	[sflag:s23] =	ssyncadd.s32 $0xFFFFC000  }
0x6e: {  	[spmem:s2] =	stream.indirect.scatter.add.f32 [tilespmem:s18], [sflag:$0x3], $0x80, s29, s17, $0xb8;
	[tilespmem:$0x1D400] =	vst v63  }
0x6f: {  	_ =	swait.ge [sflag:s16], $0x4000  }
0x70: {  	[sflag:s16] =	ssyncset.done $0x0  }
0x71: {  	s14 =	simm.s32 $0x280;
	[sflag:s16] =	ssyncadd.s32 $0xFFFFC000  }
0x72: {  	[tilespmem:s18], [sflag:$0x2] =	stream.indirect.gather [hbm4b:s4+s17], $0x80, s14, s17, $0xb8;
	[tilespmem:$0x1D400] =	vst v63  }
0x73: {  	_ =	swait.ge [sflag:s21], $0x4000  }
0x74: {  	[sflag:s21] =	ssyncset.done $0x0  }
0x75: {  	[sflag:s21] =	ssyncadd.s32 $0xFFFFC000  }
0x76: {  	[spmem:s2] =	stream.indirect.scatter.add.f32 [tilespmem:s15], [sflag:$0x3], $0x80, s31, s17, $0xb8;
	[tilespmem:$0x1D400] =	vst v63  }
0x77: {  	_ =	swait.ge [sflag:s16], $0x4000  }
0x78: {  	[sflag:s16] =	ssyncset.done $0x0  }
0x79: {  	s14 =	simm.s32 $0x300;
	[sflag:s16] =	ssyncadd.s32 $0xFFFFC000  }
0x7a: {  	[tilespmem:s15], [sflag:$0x1] =	stream.indirect.gather [hbm4b:s4+s17], $0x80, s14, s17, $0xb8;
	[tilespmem:$0x1D400] =	vst v63  }
0x7b: {  	_ =	swait.ge [sflag:s23], $0x4000  }
0x7c: {  	[sflag:s23] =	ssyncset.done $0x0  }
0x7d: {  	[sflag:s23] =	ssyncadd.s32 $0xFFFFC000  }
0x7e: {  	[spmem:s2] =	stream.indirect.scatter.add.f32 [tilespmem:s18], [sflag:$0x3], $0x80, s1, s17, $0xb8;
	[tilespmem:$0x1D400] =	vst v63  }
0x7f: {  	_ =	swait.ge [sflag:s16], $0x4000  }
0x80: {  	[sflag:s16] =	ssyncset.done $0x0  }
0x81: {  	s14 =	simm.s32 $0x380;
	[sflag:s16] =	ssyncadd.s32 $0xFFFFC000  }
0x82: {  	[tilespmem:s18], [sflag:$0x2] =	stream.indirect.gather [hbm4b:s4+s17], $0x80, s14, s17, $0xb8;
	[tilespmem:$0x1D400] =	vst v63  }
0x83: {  	_ =	swait.ge [sflag:s21], $0x4000  }
0x84: {  	[sflag:s21] =	ssyncset.done $0x0  }
0x85: {  	[sflag:s21] =	ssyncadd.s32 $0xFFFFC000  }
0x86: {  	[spmem:s2] =	stream.indirect.scatter.add.f32 [tilespmem:s15], [sflag:$0x3], $0x80, s7, s17, $0xb8;
	[tilespmem:$0x1D400] =	vst v63  }
0x87: {  	_ =	swait.ge [sflag:s16], $0x4000  }
0x88: {  	[sflag:s16] =	ssyncset.done $0x0  }
0x89: {  	s14 =	simm.s32 $0x400;
	[sflag:s16] =	ssyncadd.s32 $0xFFFFC000  }
0x8a: {  	[tilespmem:s15], [sflag:$0x1] =	stream.indirect.gather [hbm4b:s4+s17], $0x80, s14, s17, $0xb8;
	[tilespmem:$0x1D400] =	vst v63  }
0x8b: {  	_ =	swait.ge [sflag:s23], $0x4000  }
0x8c: {  	[sflag:s23] =	ssyncset.done $0x0  }
0x8d: {  	[sflag:s23] =	ssyncadd.s32 $0xFFFFC000  }
0x8e: {  	[spmem:s2] =	stream.indirect.scatter.add.f32 [tilespmem:s18], [sflag:$0x3], $0x80, s10, s17, $0xb8;
	[tilespmem:$0x1D400] =	vst v63  }
0x8f: {  	_ =	swait.ge [sflag:s16], $0x4000  }
0x90: {  	[sflag:s16] =	ssyncset.done $0x0  }
0x91: {  	s14 =	simm.s32 $0x480;
	[sflag:s16] =	ssyncadd.s32 $0xFFFFC000  }
0x92: {  	[tilespmem:s18], [sflag:$0x2] =	stream.indirect.gather [hbm4b:s4+s17], $0x80, s14, s17, $0xb8;
	[tilespmem:$0x1D400] =	vst v63  }
0x93: {  	_ =	swait.ge [sflag:s21], $0x4000  }
0x94: {  	[sflag:s21] =	ssyncset.done $0x0  }
0x95: {  	[sflag:s21] =	ssyncadd.s32 $0xFFFFC000  }
0x96: {  	[spmem:s2] =	stream.indirect.scatter.add.f32 [tilespmem:s15], [sflag:$0x3], $0x80, s12, s17, $0xb8;
	[tilespmem:$0x1D400] =	vst v63  }
0x97: {  	_ =	swait.ge [sflag:s16], $0x4000  }
0x98: {  	[sflag:s16] =	ssyncset.done $0x0  }
0x99: {  	s14 =	simm.s32 $0x500;
	[sflag:s16] =	ssyncadd.s32 $0xFFFFC000  }
0x9a: {  	[tilespmem:s15], [sflag:$0x1] =	stream.indirect.gather [hbm4b:s4+s17], $0x80, s14, s17, $0xb8;
	[tilespmem:$0x1D400] =	vst v63  }
0x9b: {  	_ =	swait.ge [sflag:s23], $0x4000  }
0x9c: {  	[sflag:s23] =	ssyncset.done $0x0  }
0x9d: {  	[sflag:s23] =	ssyncadd.s32 $0xFFFFC000  }
0x9e: {  	[spmem:s2] =	stream.indirect.scatter.add.f32 [tilespmem:s18], [sflag:$0x3], $0x80, s5, s17, $0xb8;
	[tilespmem:$0x1D400] =	vst v63  }
0x9f: {  	_ =	swait.ge [sflag:s16], $0x4000  }
0xa0: {  	[sflag:s16] =	ssyncset.done $0x0  }
0xa1: {  	s14 =	simm.s32 $0x580;
	[sflag:s16] =	ssyncadd.s32 $0xFFFFC000  }
0xa2: {  	[tilespmem:s18], [sflag:$0x2] =	stream.indirect.gather [hbm4b:s4+s17], $0x80, s14, s17, $0xb8;
	[tilespmem:$0x1D400] =	vst v63  }
0xa3: {  	_ =	swait.ge [sflag:s21], $0x4000  }
0xa4: {  	[sflag:s21] =	ssyncset.done $0x0  }
0xa5: {  	[sflag:s21] =	ssyncadd.s32 $0xFFFFC000  }
0xa6: {  	[spmem:s2] =	stream.indirect.scatter.add.f32 [tilespmem:s15], [sflag:$0x3], $0x80, s25, s17, $0xb8;
	[tilespmem:$0x1D400] =	vst v63  }
0xa7: {  	_ =	swait.ge [sflag:s16], $0x4000  }
0xa8: {  	[sflag:s16] =	ssyncset.done $0x0  }
0xa9: {  	s14 =	simm.s32 $0x600;
	[sflag:s16] =	ssyncadd.s32 $0xFFFFC000  }
0xaa: {  	[tilespmem:s15], [sflag:$0x1] =	stream.indirect.gather [hbm4b:s4+s17], $0x80, s14, s17, $0xb8;
	[tilespmem:$0x1D400] =	vst v63  }
0xab: {  	_ =	swait.ge [sflag:s23], $0x4000  }
0xac: {  	[sflag:s23] =	ssyncset.done $0x0  }
0xad: {  	[sflag:s23] =	ssyncadd.s32 $0xFFFFC000  }
0xae: {  	[spmem:s2] =	stream.indirect.scatter.add.f32 [tilespmem:s18], [sflag:$0x3], $0x80, s30, s17, $0xb8;
	[tilespmem:$0x1D400] =	vst v63  }
0xaf: {  	_ =	swait.ge [sflag:s16], $0x4000  }
0xb0: {  	[sflag:s16] =	ssyncset.done $0x0  }
0xb1: {  	s14 =	simm.s32 $0x680;
	[sflag:s16] =	ssyncadd.s32 $0xFFFFC000  }
0xb2: {  	[tilespmem:s18], [sflag:$0x2] =	stream.indirect.gather [hbm4b:s4+s17], $0x80, s14, s17, $0xb8;
	[tilespmem:$0x1D400] =	vst v63  }
0xb3: {  	_ =	swait.ge [sflag:s21], $0x4000  }
0xb4: {  	[sflag:s21] =	ssyncset.done $0x0  }
0xb5: {  	[sflag:s21] =	ssyncadd.s32 $0xFFFFC000  }
0xb6: {  	[spmem:s2] =	stream.indirect.scatter.add.f32 [tilespmem:s15], [sflag:$0x3], $0x80, s6, s17, $0xb8;
	[tilespmem:$0x1D400] =	vst v63  }
0xb7: {  	_ =	swait.ge [sflag:s16], $0x4000  }
0xb8: {  	[sflag:s16] =	ssyncset.done $0x0  }
0xb9: {  	s14 =	simm.s32 $0x700;
	[sflag:s16] =	ssyncadd.s32 $0xFFFFC000  }
0xba: {  	[tilespmem:s15], [sflag:$0x1] =	stream.indirect.gather [hbm4b:s4+s17], $0x80, s14, s17, $0xb8;
	[tilespmem:$0x1D400] =	vst v63  }
0xbb: {  	_ =	swait.ge [sflag:s23], $0x4000  }
0xbc: {  	[sflag:s23] =	ssyncset.done $0x0  }
0xbd: {  	[sflag:s23] =	ssyncadd.s32 $0xFFFFC000  }
0xbe: {  	[spmem:s2] =	stream.indirect.scatter.add.f32 [tilespmem:s18], [sflag:$0x3], $0x80, s11, s17, $0xb8;
	[tilespmem:$0x1D400] =	vst v63  }
0xbf: {  	_ =	swait.ge [sflag:s16], $0x4000  }
0xc0: {  	[sflag:s16] =	ssyncset.done $0x0  }
0xc1: {  	s14 =	simm.s32 $0x780;
	[sflag:s16] =	ssyncadd.s32 $0xFFFFC000  }
0xc2: {  	[tilespmem:s18], [sflag:$0x2] =	stream.indirect.gather [hbm4b:s4+s17], $0x80, s14, s17, $0xb8;
	[tilespmem:$0x1D400] =	vst v63  }
0xc3: {  	_ =	swait.ge [sflag:s21], $0x4000  }
0xc4: {  	[sflag:s21] =	ssyncset.done $0x0  }
0xc5: {  	[sflag:s21] =	ssyncadd.s32 $0xFFFFC000  }
0xc6: {  	[spmem:s2] =	stream.indirect.scatter.add.f32 [tilespmem:s15], [sflag:$0x3], $0x80, s22, s17, $0xb8;
	[tilespmem:$0x1D400] =	vst v63  }
0xc7: {  	_ =	swait.ge [sflag:s16], $0x4000  }
0xc8: {  	[sflag:s16] =	ssyncset.done $0x0  }
0xc9: {  	[sflag:s16] =	ssyncadd.s32 $0xFFFFC000  }
0xca: {  	[tilespmem:s15], [sflag:$0x1] =	stream.indirect.gather [hbm4b:s4+s17], $0x80, s19, s17, $0xb8;
	[tilespmem:$0x1D400] =	vst v63  }
0xcb: {  	_ =	swait.ge [sflag:s23], $0x4000  }
0xcc: {  	[sflag:s23] =	ssyncset.done $0x0  }
0xcd: {  	[sflag:s23] =	ssyncadd.s32 $0xFFFFC000  }
0xce: {  	[spmem:s2] =	stream.indirect.scatter.add.f32 [tilespmem:s18], [sflag:$0x3], $0x80, s28, s17, $0xb8;
	[tilespmem:$0x1D400] =	vst v63  }
0xcf: {  	_ =	swait.ge [sflag:s16], $0x4000  }
0xd0: {  	p1 =	seq.s32 s8, $0x800;
	[sflag:s16] =	ssyncset.done $0x0  }
0xd1: {  	s0 =	sadd.s32 @!p1 s8, s13;
	s14 =	simm.s32 $0x880;
	[sflag:s16] =	ssyncadd.s32 $0xFFFFC000  }
0xd2: {  	[tilespmem:s18], [sflag:$0x2] =	stream.indirect.gather [hbm4b:s4+s17], $0x80, s14, s17, $0xb8;
	[tilespmem:$0x1D400] =	vst v63  }
0xd3: {  	s0 =	sadd.s32 @!p1 $0x200, s0;
	s14 =	simm.s32 @!p1 $0x0  }
0xd4: {  	[tilespmem:s14], [sflag:$0x3] =	stream.linear.gather @!p1 [hbm4b:s0+s14], $0x800, $0x38;
	[tilespmem:$0x1D400] =	vst v63  }
0xd5: {  	s0 =	simm.s32 @!p1 $0x3  }
0xd6: {  	_ =	swait.ge @!p1 [sflag:s0], $0x800  }
0xd7: {  	[sflag:s0] =	ssyncset.done @!p1 $0x0  }
0xd8: {  	s14 =	sadd.s32 $0x100, s9;
	[sflag:s0] =	ssyncadd.s32 @!p1 $0xFFFFF800  }
0xd9: {  	[tilespmem:s20], [sflag:$0x3] =	stream.linear.gather [hbm4b:s14+s3], $0x800, $0x38;
	[tilespmem:$0x1D400] =	vst v63  }
0xda: {  	_ =	swait.ge [sflag:s16], $0x800  }
0xdb: {  	[sflag:s16] =	ssyncset.done $0x0  }
0xdc: {  	[sflag:s16] =	ssyncadd.s32 $0xFFFFF800  }
0xdd: {  	_ =	swait.ge [sflag:s21], $0x4000  }
0xde: {  	[sflag:s21] =	ssyncset.done $0x0  }
0xdf: {  	[sflag:s21] =	ssyncadd.s32 $0xFFFFC000  }
0xe0: {  	[spmem:s2] =	stream.indirect.scatter.add.f32 [tilespmem:s15], [sflag:$0x3], $0x80, s20, s17, $0xb8;
	[tilespmem:$0x1D400] =	vst v63  }
0xe1: {  	_ =	swait.ge [sflag:s16], $0x4000  }
0xe2: {  	[sflag:s16] =	ssyncset.done $0x0  }
0xe3: {  	s9 =	simm.s32 $0x900;
	[sflag:s16] =	ssyncadd.s32 $0xFFFFC000  }
0xe4: {  	[tilespmem:s15], [sflag:$0x1] =	stream.indirect.gather [hbm4b:s4+s17], $0x80, s9, s17, $0xb8;
	[tilespmem:$0x1D400] =	vst v63  }
0xe5: {  	_ =	swait.ge [sflag:s23], $0x4000  }
0xe6: {  	[sflag:s23] =	ssyncset.done $0x0  }
0xe7: {  	[sflag:s23] =	ssyncadd.s32 $0xFFFFC000  }
0xe8: {  	[spmem:s2] =	stream.indirect.scatter.add.f32 [tilespmem:s18], [sflag:$0x3], $0x80, s24, s17, $0xb8;
	[tilespmem:$0x1D400] =	vst v63  }
0xe9: {  	_ =	swait.ge [sflag:s16], $0x4000  }
0xea: {  	[sflag:s16] =	ssyncset.done $0x0  }
0xeb: {  	s14 =	simm.s32 $0x980;
	[sflag:s16] =	ssyncadd.s32 $0xFFFFC000  }
0xec: {  	[tilespmem:s18], [sflag:$0x2] =	stream.indirect.gather [hbm4b:s4+s17], $0x80, s14, s17, $0xb8;
	[tilespmem:$0x1D400] =	vst v63  }
0xed: {  	_ =	swait.ge [sflag:s21], $0x4000  }
0xee: {  	[sflag:s21] =	ssyncset.done $0x0  }
0xef: {  	[sflag:s21] =	ssyncadd.s32 $0xFFFFC000  }
0xf0: {  	[spmem:s2] =	stream.indirect.scatter.add.f32 [tilespmem:s15], [sflag:$0x3], $0x80, s26, s17, $0xb8;
	[tilespmem:$0x1D400] =	vst v63  }
0xf1: {  	_ =	swait.ge [sflag:s16], $0x4000  }
0xf2: {  	[sflag:s16] =	ssyncset.done $0x0  }
0xf3: {  	s9 =	simm.s32 $0xA00;
	[sflag:s16] =	ssyncadd.s32 $0xFFFFC000  }
0xf4: {  	[tilespmem:s15], [sflag:$0x1] =	stream.indirect.gather [hbm4b:s4+s17], $0x80, s9, s17, $0xb8;
	[tilespmem:$0x1D400] =	vst v63  }
0xf5: {  	_ =	swait.ge [sflag:s23], $0x4000  }
0xf6: {  	[sflag:s23] =	ssyncset.done $0x0  }
0xf7: {  	[sflag:s23] =	ssyncadd.s32 $0xFFFFC000  }
0xf8: {  	[spmem:s2] =	stream.indirect.scatter.add.f32 [tilespmem:s18], [sflag:$0x3], $0x80, s29, s17, $0xb8;
	[tilespmem:$0x1D400] =	vst v63  }
0xf9: {  	_ =	swait.ge [sflag:s16], $0x4000  }
0xfa: {  	[sflag:s16] =	ssyncset.done $0x0  }
0xfb: {  	s14 =	simm.s32 $0xA80;
	[sflag:s16] =	ssyncadd.s32 $0xFFFFC000  }
0xfc: {  	[tilespmem:s18], [sflag:$0x2] =	stream.indirect.gather [hbm4b:s4+s17], $0x80, s14, s17, $0xb8;
	[tilespmem:$0x1D400] =	vst v63  }
0xfd: {  	_ =	swait.ge [sflag:s21], $0x4000  }
0xfe: {  	[sflag:s21] =	ssyncset.done $0x0  }
0xff: {  	[sflag:s21] =	ssyncadd.s32 $0xFFFFC000  }
0x100: {  	[spmem:s2] =	stream.indirect.scatter.add.f32 [tilespmem:s15], [sflag:$0x3], $0x80, s31, s17, $0xb8;
	[tilespmem:$0x1D400] =	vst v63  }
0x101: {  	_ =	swait.ge [sflag:s16], $0x4000  }
0x102: {  	[sflag:s16] =	ssyncset.done $0x0  }
0x103: {  	s9 =	simm.s32 $0xB00;
	[sflag:s16] =	ssyncadd.s32 $0xFFFFC000  }
0x104: {  	[tilespmem:s15], [sflag:$0x1] =	stream.indirect.gather [hbm4b:s4+s17], $0x80, s9, s17, $0xb8;
	[tilespmem:$0x1D400] =	vst v63  }
0x105: {  	_ =	swait.ge [sflag:s23], $0x4000  }
0x106: {  	[sflag:s23] =	ssyncset.done $0x0  }
0x107: {  	[sflag:s23] =	ssyncadd.s32 $0xFFFFC000  }
0x108: {  	[spmem:s2] =	stream.indirect.scatter.add.f32 [tilespmem:s18], [sflag:$0x3], $0x80, s1, s17, $0xb8;
	[tilespmem:$0x1D400] =	vst v63  }
0x109: {  	_ =	swait.ge [sflag:s16], $0x4000  }
0x10a: {  	[sflag:s16] =	ssyncset.done $0x0  }
0x10b: {  	s14 =	simm.s32 $0xB80;
	[sflag:s16] =	ssyncadd.s32 $0xFFFFC000  }
0x10c: {  	[tilespmem:s18], [sflag:$0x2] =	stream.indirect.gather [hbm4b:s4+s17], $0x80, s14, s17, $0xb8;
	[tilespmem:$0x1D400] =	vst v63  }
0x10d: {  	_ =	swait.ge [sflag:s21], $0x4000  }
0x10e: {  	[sflag:s21] =	ssyncset.done $0x0  }
0x10f: {  	[sflag:s21] =	ssyncadd.s32 $0xFFFFC000  }
0x110: {  	[spmem:s2] =	stream.indirect.scatter.add.f32 [tilespmem:s15], [sflag:$0x3], $0x80, s7, s17, $0xb8;
	[tilespmem:$0x1D400] =	vst v63  }
0x111: {  	_ =	swait.ge [sflag:s16], $0x4000  }
0x112: {  	[sflag:s16] =	ssyncset.done $0x0  }
0x113: {  	s9 =	simm.s32 $0xC00;
	[sflag:s16] =	ssyncadd.s32 $0xFFFFC000  }
0x114: {  	[tilespmem:s15], [sflag:$0x1] =	stream.indirect.gather [hbm4b:s4+s17], $0x80, s9, s17, $0xb8;
	[tilespmem:$0x1D400] =	vst v63  }
0x115: {  	_ =	swait.ge [sflag:s23], $0x4000  }
0x116: {  	[sflag:s23] =	ssyncset.done $0x0  }
0x117: {  	[sflag:s23] =	ssyncadd.s32 $0xFFFFC000  }
0x118: {  	[spmem:s2] =	stream.indirect.scatter.add.f32 [tilespmem:s18], [sflag:$0x3], $0x80, s10, s17, $0xb8;
	[tilespmem:$0x1D400] =	vst v63  }
0x119: {  	_ =	swait.ge [sflag:s16], $0x4000  }
0x11a: {  	[sflag:s16] =	ssyncset.done $0x0  }
0x11b: {  	s14 =	simm.s32 $0xC80;
	[sflag:s16] =	ssyncadd.s32 $0xFFFFC000  }
0x11c: {  	[tilespmem:s18], [sflag:$0x2] =	stream.indirect.gather [hbm4b:s4+s17], $0x80, s14, s17, $0xb8;
	[tilespmem:$0x1D400] =	vst v63  }
0x11d: {  	_ =	swait.ge [sflag:s21], $0x4000  }
0x11e: {  	[sflag:s21] =	ssyncset.done $0x0  }
0x11f: {  	[sflag:s21] =	ssyncadd.s32 $0xFFFFC000  }
0x120: {  	[spmem:s2] =	stream.indirect.scatter.add.f32 [tilespmem:s15], [sflag:$0x3], $0x80, s12, s17, $0xb8;
	[tilespmem:$0x1D400] =	vst v63  }
0x121: {  	_ =	swait.ge [sflag:s16], $0x4000  }
0x122: {  	[sflag:s16] =	ssyncset.done $0x0  }
0x123: {  	s9 =	simm.s32 $0xD00;
	[sflag:s16] =	ssyncadd.s32 $0xFFFFC000  }
0x124: {  	[tilespmem:s15], [sflag:$0x1] =	stream.indirect.gather [hbm4b:s4+s17], $0x80, s9, s17, $0xb8;
	[tilespmem:$0x1D400] =	vst v63  }
0x125: {  	_ =	swait.ge [sflag:s23], $0x4000  }
0x126: {  	[sflag:s23] =	ssyncset.done $0x0  }
0x127: {  	[sflag:s23] =	ssyncadd.s32 $0xFFFFC000  }
0x128: {  	[spmem:s2] =	stream.indirect.scatter.add.f32 [tilespmem:s18], [sflag:$0x3], $0x80, s5, s17, $0xb8;
	[tilespmem:$0x1D400] =	vst v63  }
0x129: {  	_ =	swait.ge [sflag:s16], $0x4000  }
0x12a: {  	[sflag:s16] =	ssyncset.done $0x0  }
0x12b: {  	s14 =	simm.s32 $0xD80;
	[sflag:s16] =	ssyncadd.s32 $0xFFFFC000  }
0x12c: {  	[tilespmem:s18], [sflag:$0x2] =	stream.indirect.gather [hbm4b:s4+s17], $0x80, s14, s17, $0xb8;
	[tilespmem:$0x1D400] =	vst v63  }
0x12d: {  	_ =	swait.ge [sflag:s21], $0x4000  }
0x12e: {  	[sflag:s21] =	ssyncset.done $0x0  }
0x12f: {  	[sflag:s21] =	ssyncadd.s32 $0xFFFFC000  }
0x130: {  	[spmem:s2] =	stream.indirect.scatter.add.f32 [tilespmem:s15], [sflag:$0x3], $0x80, s25, s17, $0xb8;
	[tilespmem:$0x1D400] =	vst v63  }
0x131: {  	_ =	swait.ge [sflag:s16], $0x4000  }
0x132: {  	[sflag:s16] =	ssyncset.done $0x0  }
0x133: {  	s9 =	simm.s32 $0xE00;
	[sflag:s16] =	ssyncadd.s32 $0xFFFFC000  }
0x134: {  	[tilespmem:s15], [sflag:$0x1] =	stream.indirect.gather [hbm4b:s4+s17], $0x80, s9, s17, $0xb8;
	[tilespmem:$0x1D400] =	vst v63  }
0x135: {  	_ =	swait.ge [sflag:s23], $0x4000  }
0x136: {  	[sflag:s23] =	ssyncset.done $0x0  }
0x137: {  	[sflag:s23] =	ssyncadd.s32 $0xFFFFC000  }
0x138: {  	[spmem:s2] =	stream.indirect.scatter.add.f32 [tilespmem:s18], [sflag:$0x3], $0x80, s30, s17, $0xb8;
	[tilespmem:$0x1D400] =	vst v63  }
0x139: {  	_ =	swait.ge [sflag:s16], $0x4000  }
0x13a: {  	[sflag:s16] =	ssyncset.done $0x0  }
0x13b: {  	s14 =	simm.s32 $0xE80;
	[sflag:s16] =	ssyncadd.s32 $0xFFFFC000  }
0x13c: {  	[tilespmem:s18], [sflag:$0x2] =	stream.indirect.gather [hbm4b:s4+s17], $0x80, s14, s17, $0xb8;
	[tilespmem:$0x1D400] =	vst v63  }
0x13d: {  	_ =	swait.ge [sflag:s21], $0x4000  }
0x13e: {  	[sflag:s21] =	ssyncset.done $0x0  }
0x13f: {  	[sflag:s21] =	ssyncadd.s32 $0xFFFFC000  }
0x140: {  	[spmem:s2] =	stream.indirect.scatter.add.f32 [tilespmem:s15], [sflag:$0x3], $0x80, s6, s17, $0xb8;
	[tilespmem:$0x1D400] =	vst v63  }
0x141: {  	_ =	swait.ge [sflag:s16], $0x4000  }
0x142: {  	[sflag:s16] =	ssyncset.done $0x0  }
0x143: {  	s9 =	simm.s32 $0xF00;
	[sflag:s16] =	ssyncadd.s32 $0xFFFFC000  }
0x144: {  	[tilespmem:s15], [sflag:$0x1] =	stream.indirect.gather [hbm4b:s4+s17], $0x80, s9, s17, $0xb8;
	[tilespmem:$0x1D400] =	vst v63  }
0x145: {  	_ =	swait.ge [sflag:s23], $0x4000  }
0x146: {  	[sflag:s23] =	ssyncset.done $0x0  }
0x147: {  	[sflag:s23] =	ssyncadd.s32 $0xFFFFC000  }
0x148: {  	[spmem:s2] =	stream.indirect.scatter.add.f32 [tilespmem:s18], [sflag:$0x3], $0x80, s11, s17, $0xb8;
	[tilespmem:$0x1D400] =	vst v63  }
0x149: {  	_ =	swait.ge [sflag:s16], $0x4000  }
0x14a: {  	[sflag:s16] =	ssyncset.done $0x0  }
0x14b: {  	s14 =	simm.s32 $0xF80;
	[sflag:s16] =	ssyncadd.s32 $0xFFFFC000  }
0x14c: {  	[tilespmem:s18], [sflag:$0x2] =	stream.indirect.gather [hbm4b:s4+s17], $0x80, s14, s17, $0xb8;
	[tilespmem:$0x1D400] =	vst v63  }
0x14d: {  	_ =	swait.ge [sflag:s21], $0x4000  }
0x14e: {  	p1 =	sne.s32 s8, $0x800;
	[sflag:s21] =	ssyncset.done $0x0  }
.Ltmp4:
0x14f: {  	[sflag:s21] =	ssyncadd.s32 $0xFFFFC000;
	(pc) =	sbr.rel @!p1 .LBB2_6-.Ltmp4, $4  }
0x150: {  	[spmem:s2] =	stream.indirect.scatter.add.f32 [tilespmem:s15], [sflag:$0x3], $0x80, s22, s17, $0xb8;
	[tilespmem:$0x1D400] =	vst v63  }
0x151: {  	_ =	swait.ge [sflag:s16], $0x4000  }
0x152: {  	[sflag:s16] =	ssyncset.done $0x0  }
0x153: {  	[sflag:s16] =	ssyncadd.s32 $0xFFFFC000  }
0x154: {  	[tilespmem:s15], [sflag:$0x1] =	stream.indirect.gather [hbm4b:s4+s17], $0x80, s3, s17, $0xb8;
	[tilespmem:$0x1D400] =	vst v63  }
0x155: {  	_ =	swait.ge [sflag:s23], $0x4000  }
0x156: {  	s8 =	sadd.s32 $0x200, s8;
	[sflag:s23] =	ssyncset.done $0x0  }
0x157: {  	p1 =	seq.s32 s8, $0xA00;
	[sflag:s23] =	ssyncadd.s32 $0xFFFFC000  }
0x158: {  	[spmem:s2] =	stream.indirect.scatter.add.f32 [tilespmem:s18], [sflag:$0x3], $0x80, s28, s17, $0xb8;
	[tilespmem:$0x1D400] =	vst v63  }
.Ltmp5:
0x159: {  	_ = 	snop;
	(pc) =	sbr.rel @!p1 .LBB2_5-.Ltmp5, $4  }
.Ltmp6:
0x15a: {  	_ =	swait.ge [sflag:s16], $0x4000;
	(pc) =	sbr.rel @p1 .LBB2_9-.Ltmp6, $4  }
0x15b: {  	[sflag:s16] =	ssyncset.done $0x0  }
0x15c: {  	[sflag:s16] =	ssyncadd.s32 $0xFFFFC000  }
0x15d: {  	[tilespmem:s18], [sflag:$0x2] =	stream.indirect.gather [hbm4b:s4+s17], $0x80, s17, s17, $0xb8;
	[tilespmem:$0x1D400] =	vst v63  }
0x15e: {  	_ = 	snop  }
.LBB2_6:
0x15f: {  	_ =	swait.ge [sflag:s23], $0x4000  }
0x160: {  	[sflag:s23] =	ssyncset.done $0x0  }
0x161: {  	[sflag:s23] =	ssyncadd.s32 $0xFFFFC000  }
0x162: {  	[spmem:s2] =	stream.indirect.scatter.add.f32 [tilespmem:s18], [sflag:$0x3], $0x80, s28, s17, $0xb8;
	[tilespmem:$0x1D400] =	vst v63  }
0x163: {  	_ =	swait.ge [sflag:s16], $0x4000  }
0x164: {  	[sflag:s16] =	ssyncset.done $0x0  }
0x165: {  	[sflag:s16] =	ssyncadd.s32 $0xFFFFC000  }
.LBB2_9:
0x166: {  	[bflag:$0x0] =	sbarrier.arrive $0xFFFF  }
0x167: {  	s0 =	stileid.u32;
	s8 =	rddreg [dreg:$0x5]  }
0x168: {  	s0 =	sshll.u32 s0, $0x6;
	s9 =	rddreg [dreg:$0x8]  }
.Ltmp7:
0x169: {  	s0 =	sor.u32 $0x1C03, s0;
	s8 =	sshrl.u32 s8, $0x3;
	(pc) =	sbr.rel .LBB2_10-.Ltmp7, $4  }
0x16a: {  	[hbm:s9], [sflag:s0] =	dma.local [spmem:s8], $0x2780  }
0x16b: {  	_ =	swait.ge [sflag:s16], $0x2780  }
0x16c: {  	[sflag:s16] =	ssyncset.done $0x0;
	s8 =	rddreg [dreg:$0x9]  }
0x16d: {  	s0 =	rddreg [dreg:$0xe];
	[sflag:s16] =	ssyncadd.s32 $0xFFFFD880  }
.LBB2_11:
0x16e: {  	_ =	sfence.sel $0x180000  }
0x16f: {  	[bflag:$0x0] =	sbarrier.arrive $0xFFFF  }
0x170: {  	_ =	strace $0x9000004A  }
0x171: {  	s0 =	stileid.u32;
	[bflag:$0x2] =	sbarrier.arrive $0xFFFF  }
0x172: {  	p0 =	sne.s32 s0, $0x0;
	s0 =	rddreg [dreg:$0x4]  }
0x173: {  	s0 =	sadd.s32 @!p0 $0x100000, s0  }
0x174: {  	[sflag:s0] =	ssyncadd.tile.s32 @!p0 $0x1;
	_ =	shalt  }
.Lfunc_end2:
_tile_overlayer_lowered:
.L_overlay_start_2:
0x175: {  	(tag) =	ssettag $0x2  }
0x176: {  	s0 =	rddreg [dreg:$0x0];
	s2 =	stileid.u32  }
0x177: {  	s1 =	rddreg [dreg:$0x1];
	p0 =	sne.s32 s2, $0x0  }
0x178: {  	s3 =	rddreg [dreg:$0x2];
	[bflag:$0x3] =	sbarrier.arrive $0xFFFF;
	s2 =	simm.s32 @!p0 $0x1C03  }
0x179: {  	[timem:s3], [sflag:s2] =	dma.local @!p0 [hbm:s0], s1  }
0x17a: {  	s0 =	simm.s32 @!p0 $0x3  }
0x17b: {  	_ =	swait.ge @!p0 [sflag:s0], s1  }
0x17c: {  	s1 =	ssub.s32 @!p0 $0x0, s1;
	[sflag:s0] =	ssyncset.done @!p0 $0x0  }
0x17d: {  	[sflag:s0] =	ssyncadd.s32 @!p0 s1  }
0x17e: {  	[bflag:$0x3] =	sbarrier.arrive $0xFFFF  }
0x17f: {  	_ =	shalt  }

// kernel: kernel.13.cloned.1.call-start
scs
__scs_entry_jumppad:
0x0: {  	(pc) =	sbr.rel $0x88, $3  }
0x1: {  	(tag) =	ssettag $0x0;
	lr =	simm.s32 $0x1  }
0x2: {  	[smem:$0x3F9C] =	sst lr;
	_ =	strace $0xD0000000  }
0x3: {  	_ = 	snop  }
0x4: {  	_ = 	snop  }
0x5: {  	_ = 	snop  }
0x6: {  	_ = 	snop  }
0x7: {  	_ = 	snop  }
__scs_overlays_trampoline_lowered:
0x8: {  	[smem:$0x3FAB] =	sst s0  }
0x9: {  	[smem:$0x3FAC] =	sst s1  }
0xa: {  	[smem:$0x3FAD] =	sst s2  }
0xb: {  	[smem:$0x3FAE] =	sst s3  }
0xc: {  	[smem:$0x3FAF] =	sst s4  }
0xd: {  	[smem:$0x3FB0] =	sst s5  }
0xe: {  	[smem:$0x3FB1] =	sst s6  }
0xf: {  	[smem:$0x3FB2] =	sst s7  }
0x10: {  	[smem:$0x3FB3] =	sst s8  }
0x11: {  	[smem:$0x3FB4] =	sst s9;
	s0 =	simm.s32 @!p0 $0x0  }
0x12: {  	s1 =	sld [smem:$0x3F9A];
	s0 =	simm.s32 @p0 $0x1  }
0x13: {  	[smem:$0x3FB5] =	sst s0;
	s0 =	simm.s32 @!p1 $0x0  }
0x14: {  	s2 =	sld [smem:$0x3F99];
	s0 =	simm.s32 @p1 $0x1  }
0x15: {  	[smem:$0x3FB6] =	sst s0;
	s0 =	simm.s32 @!p2 $0x0  }
0x16: {  	s3 =	sld [smem:$0x3FDB];
	s0 =	simm.s32 @p2 $0x1  }
0x17: {  	s4 =	simm.s32 $0x1BF5;
	[smem:$0x3FB8] =	sst s0  }
0x18: {  	s0 =	sld [smem:$0x3F9B];
	_ =	swait.ge [sflag:s4], $0x0  }
0x19: {  	s7 =	sld [smem:$0x3F9C]  }
0x1a: {  	s8 =	sadd.s32 $0xFFFFE003, lr  }
0x1b: {  	s9 =	sadd.s32 $0xFFFFFEF7, lr;
	s5 =	simm.s32 $0xFFFFFFFF;
	p2 =	slt.u32 s8, $0xFFFFF086  }
0x1c: {  	p1 =	slt.u32 s9, $0xF7A;
	s5 =	simm.s32 @!p2 $0x0  }
0x1d: {  	s5 =	simm.s32 @p1 $0x1;
	p0 =	seq.s32 s7, s2  }
0x1e: {  	s7 =	smul.u32 @!p0 $0xF7A, s2;
	p2 =	seq.s32 @!p0 s5, $0x0  }
0x1f: {  	s9 =	smul.u32 $0xF7A, s1;
	s8 =	simm.s32 @!p0 $0x1BF5;
	p2 =	por !p2, p0  }
0x20: {  	[sflag:s8] =	ssyncset.s32 @!p0 $0xFFFFF086;
	s6 =	sadd.s32 @!p0 s3, s7;
	s7 =	simm.s32 @!p0 $0x108  }
0x21: {  	s3 =	sadd.s32 s3, s9;
	s6 =	sadd.s32 @!p0 $0x88, s6;
	s7 =	simm.s32 @p2 $0x1082  }
0x22: {  	[simem:s7], [sflag:s8] =	dma.local @!p0 [hbm:s6], $0xF7A  }
0x23: {  	s9 =	sor.u32 $0xD0000000, s2;
	s6 =	simm.s32 $0x108;
	_ =	swait.ge @!p0 [sflag:s8], $0x0  }
0x24: {  	s3 =	sadd.s32 $0x88, s3;
	s6 =	simm.s32 @!p1 $0x1082;
	[sflag:s4] =	ssyncset.s32 $0xFFFFF086  }
0x25: {  	[simem:s6], [sflag:s4] =	dma.local [hbm:s3], $0xF7A  }
0x26: {  	[smem:$0x3F9C] =	sst s1;
	(tag) =	ssettag s2;
	_ =	strace s9  }
0x27: {  	s1 =	sld [smem:$0x3FAC]  }
0x28: {  	s2 =	sld [smem:$0x3FAD]  }
0x29: {  	s4 =	sld [smem:$0x3FAF]  }
0x2a: {  	p0 =	seq.s32 s5, $0x0;
	s5 =	sld [smem:$0x3FB0]  }
0x2b: {  	s6 =	sld [smem:$0x3FB1]  }
0x2c: {  	s7 =	sld [smem:$0x3FB2]  }
0x2d: {  	s3 =	simm.s32 $0x108;
	s8 =	sld [smem:$0x3FB3]  }
0x2e: {  	s3 =	simm.s32 @!p0 $0x1082;
	s9 =	sld [smem:$0x3FB4]  }
0x2f: {  	lr =	sadd.s32 s0, s3;
	s0 =	sld [smem:$0x3FAB]  }
0x30: {  	s3 =	sld [smem:$0x3FAE]  }
0x31: {  	[smem:$0x3FB7] =	sst s10  }
0x32: {  	s10 =	sld [smem:$0x3FB5];
	_ =	sdelay $0x3  }
0x33: {  	p0 =	seq.s32 s10, $0x1;
	s10 =	sld [smem:$0x3FB7];
	_ =	sdelay $0x3  }
0x34: {  	[smem:$0x3FB7] =	sst s10  }
0x35: {  	s10 =	sld [smem:$0x3FB6];
	_ =	sdelay $0x3  }
0x36: {  	p1 =	seq.s32 s10, $0x1;
	s10 =	sld [smem:$0x3FB7];
	_ =	sdelay $0x3  }
0x37: {  	[smem:$0x3FB7] =	sst s10  }
0x38: {  	s10 =	sld [smem:$0x3FB8]  }
0x39: {  	_ = 	snop;
	(pc) =	sbr.ind lr, $3  }
0x3a: {  	_ = 	snop  }
0x3b: {  	_ = 	snop  }
0x3c: {  	p2 =	seq.s32 s10, $0x1;
	s10 =	sld [smem:$0x3FB7]  }
0x3d: {  	_ =	shalt  }
0x3e: {  	_ =	shalt  }
0x3f: {  	_ =	shalt  }
0x40: {  	_ =	shalt  }
0x41: {  	_ =	shalt  }
0x42: {  	_ =	shalt  }
0x43: {  	_ =	shalt  }
0x44: {  	_ =	shalt  }
0x45: {  	_ =	shalt  }
0x46: {  	_ =	shalt  }
0x47: {  	_ =	shalt  }
0x48: {  	_ =	shalt  }
0x49: {  	_ =	shalt  }
0x4a: {  	_ =	shalt  }
0x4b: {  	_ =	shalt  }
0x4c: {  	_ =	shalt  }
0x4d: {  	_ =	shalt  }
0x4e: {  	_ =	shalt  }
0x4f: {  	_ =	shalt  }
0x50: {  	_ =	shalt  }
0x51: {  	_ =	shalt  }
0x52: {  	_ =	shalt  }
0x53: {  	_ =	shalt  }
0x54: {  	_ =	shalt  }
0x55: {  	_ =	shalt  }
0x56: {  	_ =	shalt  }
0x57: {  	_ =	shalt  }
0x58: {  	_ =	shalt  }
0x59: {  	_ =	shalt  }
0x5a: {  	_ =	shalt  }
0x5b: {  	_ =	shalt  }
0x5c: {  	_ =	shalt  }
0x5d: {  	_ =	shalt  }
0x5e: {  	_ =	shalt  }
0x5f: {  	_ =	shalt  }
0x60: {  	_ =	shalt  }
0x61: {  	_ =	shalt  }
0x62: {  	_ =	shalt  }
0x63: {  	_ =	shalt  }
0x64: {  	_ =	shalt  }
0x65: {  	_ =	shalt  }
0x66: {  	_ =	shalt  }
0x67: {  	_ =	shalt  }
0x68: {  	_ =	shalt  }
0x69: {  	_ =	shalt  }
0x6a: {  	_ =	shalt  }
0x6b: {  	_ =	shalt  }
0x6c: {  	_ =	shalt  }
0x6d: {  	_ =	shalt  }
0x6e: {  	_ =	shalt  }
0x6f: {  	_ =	shalt  }
0x70: {  	_ =	shalt  }
0x71: {  	_ =	shalt  }
0x72: {  	_ =	shalt  }
0x73: {  	_ =	shalt  }
0x74: {  	_ =	shalt  }
0x75: {  	_ =	shalt  }
0x76: {  	_ =	shalt  }
0x77: {  	_ =	shalt  }
0x78: {  	_ =	shalt  }
0x79: {  	_ =	shalt  }
0x7a: {  	_ =	shalt  }
0x7b: {  	_ =	shalt  }
0x7c: {  	_ =	shalt  }
0x7d: {  	_ =	shalt  }
0x7e: {  	_ =	shalt  }
0x7f: {  	_ =	shalt  }
0x80: {  	_ =	shalt  }
0x81: {  	_ =	shalt  }
0x82: {  	_ =	shalt  }
0x83: {  	_ =	shalt  }
0x84: {  	_ =	shalt  }
0x85: {  	_ =	shalt  }
0x86: {  	_ =	shalt  }
0x87: {  	_ =	shalt  }
.Lfunc_end0:
.L_simem_size_0:
called_computation.2_lowered:
.L_overlay_start_0:
0x88: {  	s2 =	sld [smem:$0x3FD9]  }
0x89: {  	s3 =	sld [smem:$0x3FFE];
	_ =	sdelay $0x1  }
0x8a: {  	s1 =	srdreg.scid  }
0x8b: {  	s0 =	sand.u32 $0x1, s1  }
0x8c: {  	s14 =	sshll.u32 s0, $0xA;
	s2 =	sadd.s32 s3, s2  }
0x8d: {  	s2 =	sadd.s32 s2, s14  }
0x8e: {  	[smem:$0x3FC3] =	sst s2  }
0x8f: {  	_ = 	snop  }
0x90: {  	s2 =	sld [smem:$0x3FD0];
	_ =	sdelay $0x2  }
0x91: {  	s15 =	simm.s32 $0xA;
	s4 =	simm.s32 $0x10  }
0x92: {  	[smem:s4], [sflag:s15] =	dma.local [hbm:s2], $0x1  }
0x93: {  	_ =	swait.eq [sflag:s15], $0x1  }
0x94: {  	[sflag:s15] =	ssyncset.done $0x0  }
0x95: {  	s16 =	sld [smem:$0x10];
	[sflag:s15] =	ssyncadd.s32 $0xFFFFFFFF  }
0x96: {  	s17 =	sld [smem:$0x13];
	(tm) =	ssettm $0x1  }
0x97: {  	s18 =	sld [smem:$0x3FFB];
	_ =	sdelay $0x3  }
0x98: {  	_ =	strace s18  }
0x99: {  	s4 =	sld [smem:$0x3FFC];
	_ =	sdelay $0x3  }
0x9a: {  	_ =	strace s4  }
0x9b: {  	s4 =	sld [smem:$0x3FFD];
	_ =	sdelay $0x3  }
0x9c: {  	_ =	strace s4  }
0x9d: {  	_ =	strace $0x8FFFFFFF  }
0x9e: {  	s19 =	sld [smem:$0x3FDB];
	_ =	sdelay $0x1  }
0x9f: {  	s5 =	simm.s32 $_scs_section_size  }
0xa0: {  	s6 =	simm.s32 $_size__tile_overlayer_lowered;
	s7 =	simm.s32 $_tile_overlayer_lowered  }
0xa1: {  	s22 =	simm.s32 $0x1BFF;
	s21 =	sshll.u32 s7, $0x1;
	s4 =	sadd.s32 s5, s19  }
0xa2: {  	s8 =	simm.s32 $0x0;
	s20 =	sshll.u32 s6, $0x1;
	s6 =	sadd.s32 s21, s4  }
0xa3: {  	[timem:s8], [sflag:s22] =	dma.local [hbm:s6], s20  }
0xa4: {  	_ =	swait.ge [sflag:s22], s20  }
0xa5: {  	s5 =	ssub.s32 $0x0, s20;
	[sflag:s22] =	ssyncset.done $0x0  }
0xa6: {  	[sflag:s22] =	ssyncadd.s32 s5;
	_ =	sdelay $0x1  }
0xa7: {  	s23 =	simm.s32 $0x1B8B  }
0xa8: {  	_ =	swait.ge [sflag:s23], $0x1  }
0xa9: {  	[sflag:s23] =	ssyncset.done $0x0  }
0xaa: {  	s25 =	simm.s32 $0x1B8E;
	s24 =	sld [smem:$0x3FFE];
	[sflag:s23] =	ssyncadd.s32 $0xFFFFFFFF  }
0xab: {  	s26 =	simm.s32 $execute0_lowered;
	[smem:$0x3FD2] =	sst s25  }
0xac: {  	s6 =	sshll.u32 s26, $0x1;
	_ =	strace $0x8000004C;
	[dreg:$0x1] =	wrdreg $0xFFFFFFFF  }
0xad: {  	s28 =	simm.s32 $_size_execute0_lowered;
	s4 =	sadd.s32 s4, s6;
	[dreg:$0x0] =	wrdreg $0x0  }
0xae: {  	s6 =	sshll.u32 s28, $0x1;
	[dreg:$0x2] =	wrdreg s4  }
0xaf: {  	[dreg:$0x3] =	wrdreg s6  }
0xb0: {  	[dreg:$0x4] =	wrdreg $0xC0  }
0xb1: {  	_ =	task [dreg:s8], $0x5FFFF  }
0xb2: {  	[dreg:$0x1] =	wrdreg $0xFFFFFFFF  }
0xb3: {  	[dreg:$0x0] =	wrdreg $0x60  }
0xb4: {  	[dreg:$0x2] =	wrdreg s24  }
0xb5: {  	[dreg:$0x3] =	wrdreg s16  }
0xb6: {  	[dreg:$0x4] =	wrdreg s17  }
0xb7: {  	[dreg:$0x5] =	wrdreg $0x98000  }
0xb8: {  	[dreg:$0x6] =	wrdreg $0x9  }
0xb9: {  	_ =	task.clear_ibuf [dreg:s8], $0x7FFFF;
	_ =	strace $0x9000004C  }
0xba: {  	s29 =	simm.s32 $0x9;
	_ =	strace $0x8000004E  }
0xbb: {  	_ =	swait.ge [sflag:s29], $0x1  }
0xbc: {  	[sflag:s29] =	ssyncadd.s32 $0xFFFFFFFF  }
0xbd: {  	_ =	strace $0x9000004E  }
0xbe: {  	_ =	sfence  }
0xbf: {  	s30 =	sld [smem:$0x0];
	_ =	sdelay $0x2  }
0xc0: {  	s31 =	sshll.u32 s1, $0xD;
	s1 =	sshrl.u32 s1, $0x2  }
0xc1: {  	s3 =	sand.u32 $0x4000, s31;
	s1 =	sadd.s32 s1, s30  }
0xc2: {  	s0 =	sor.u32 s3, s0;
	s1 =	sshll.u32 s1, $0x11  }
0xc3: {  	s0 =	sor.u32 s1, s0  }
0xc4: {  	s0 =	sadd.s32 $0x8F2B, s0  }
0xc5: {  	[sflag:s0] =	ssyncadd.remote.s32 $0x1  }
0xc6: {  	_ =	sfence.sel $0xFFFF  }
0xc7: {  	[dreg:$0x0] =	wrdreg $0xFFFFFFFF;
	(pc) =	sbr.abs _section_cstart, $3  }
0xc8: {  	[dreg:$0x1] =	wrdreg $0xFFFFFFFF  }
0xc9: {  	_ =	task.clear_ibuf [dreg:s8], $0x2FFFF;
	_ =	strace $0x9FFFFFFF  }
0xca: {  	(tm) =	ssettm $0x7FFFFFFF  }
0xcb: {  	_ =	shalt  }
tec
execute0_lowered:
.L_overlay_start_1:
0x0: {  	(tag) =	ssettag $0x1  }
0x1: {  	s0 =	rddreg [dreg:$0x0]  }
0x2: {  	s1 =	rddreg [dreg:$0x1]  }
0x3: {  	s5 =	rddreg [dreg:$0x2]  }
0x4: {  	s2 =	rddreg [dreg:$0x3];
	s3 =	simm.s32 $0x0;
	s12 =	stileid.u32  }
0x5: {  	s7 =	srdreg.scid;
	s15 =	simm.s32 $0x1800;
	s16 =	simm.s32 $0x3  }
0x6: {  	s17 =	simm.s32 $0x80;
	s18 =	simm.s32 $0x5800;
	s19 =	simm.s32 $0x800  }
0x7: {  	s20 =	simm.s32 $0x1000;
	s29 =	simm.s32 $0x1180;
	s6 =	smul.u32 $0xA00, s12  }
0x8: {  	s31 =	simm.s32 $0x1200;
	s30 =	simm.s32 $0x1580;
	s8 =	smul.u32 $0x4F000, s12  }
0x9: {  	s28 =	simm.s32 $0x1780;
	[smem:$0x7FF] =	sst s3;
	s10 =	smul.u32 $0x5000, s12  }
0xa: {  	s4 =	sadd.s32 $0xCA00, s0;
	s7 =	sand.u32 $0x1, s7;
	s12 =	smul.u32 $0x2780, s12  }
0xb: {  	_ =	strace $0x8000004D;
	s9 =	ssub.s32 $0x2, s7;
	p0 =	seq.s32 s7, $0x0  }
0xc: {  	s7 =	simm.s32 $0x1300;
	s0 =	sadd.s32 s6, s0;
	s11 =	sshrl.u32 s9, $0x1  }
0xd: {  	s8 =	sshrl.u32 s8, $0x2;
	s22 =	sshrl.u32 s10, $0x3;
	s5 =	sadd.s32 s5, s12  }
0xe: {  	s13 =	sadd.s32 s6, s1;
	s10 =	simm.s32 $0x1380;
	s12 =	simm.s32 $0x1400  }
0xf: {  	s6 =	simm.s32 $0x1600;
	s9 =	ssub.s32 s9, s11;
	s21 =	sadd.s32 s8, s2  }
0x10: {  	s8 =	sadd.s32 s1, s22;
	[dreg:$0x8] =	wrdreg s5;
	s0 =	sadd.s32 $0x2A00, s0  }
0x11: {  	s1 =	simm.s32 $0x1280;
	s5 =	simm.s32 $0x1480;
	[dreg:$0x7] =	wrdreg s8  }
0x12: {  	s11 =	simm.s32 $0x1680;
	s22 =	simm.s32 $0x1700;
	[dreg:$0x5] =	wrdreg s21  }
0x13: {  	s23 =	sadd.s32 $0x10000, s21;
	s8 =	smax.u32 s9, $0x1;
	[dreg:$0xd] =	wrdreg s0  }
.Ltmp0:
0x14: {  	s24 =	sadd.s32 $0x4000, s21;
	[dreg:$0x6] =	wrdreg s23;
	(pc) =	sbr.rel .LBB2_1-.Ltmp0, $4  }
0x15: {  	s25 =	sadd.s32 $0x8000, s21;
	s26 =	sadd.s32 $0xC000, s21;
	[dreg:$0xa] =	wrdreg s24  }
0x16: {  	s21 =	simm.s32 $0x1;
	s0 =	simm.s32 $0x0;
	[dreg:$0xb] =	wrdreg s25  }
0x17: {  	[dreg:$0xc] =	wrdreg s26;
	s23 =	simm.s32 $0x2;
	s24 =	simm.s32 $0x1080  }
0x18: {  	v0 =	vimm.f32 $0.0e+00;
	s26 =	simm.s32 $0x1100;
	s25 =	simm.s32 $0x1500;
	[dreg:$0x9] =	wrdreg s8  }
.LBB2_7:
0x19: {  	[bflag:$0x0] =	sbarrier.arrive $0xFFFF  }
0x1a: {  	[bflag:$0x0] =	sbarrier.arrive $0xFFFF  }
.LBB2_10:
0x1b: {  	s0 =	sadd.s32 $0x1, s0  }
0x1c: {  	p1 =	sne.s32 s0, s8  }
.Ltmp1:
0x1d: {  	_ = 	snop;
	(pc) =	sbr.rel @!p1 .LBB2_11-.Ltmp1, $1  }
0x1e: {  	_ =	sdelay $0x3  }
.LBB2_1:
.Ltmp2:
0x1f: {  	(pc) =	sbr.rel @!p0 .LBB2_7-.Ltmp2, $1  }
0x20: {  	_ =	sdelay $0x3  }
0x21: {  	s14 =	sand.u32 $0xFE00, s3  }
0x22: {  	[dreg:$0xe] =	wrdreg s0;
	s9 =	sand.u32 $0x70, s3;
	s0 =	sshrl.u32 s14, $0x2  }
0x23: {  	s8 =	simm.s32 $0x40;
	s0 =	sor.u32 s9, s0;
	s9 =	simm.s32 $0x0  }
.LBB2_3:
0x24: {  	p1 =	seq.s32 s8, $0xFFC0  }
0x25: {  	[tilespmem:s0+$0x1800] =	vst v0;
	s9 =	sadd.s32 $0x10, s9;
	s0 =	smov.u32 s8;
	s8 =	sadd.s32 $0x40, s8  }
.Ltmp3:
0x26: {  	(pc) =	sbr.rel @!p1 .LBB2_3-.Ltmp3, $4  }
0x27: {  	_ = 	snop  }
0x28: {  	s0 =	sand.u32 $0xFE00, s0  }
0x29: {  	s14 =	sand.u32 $0x70, s9;
	s0 =	sshrl.u32 s0, $0x2  }
0x2a: {  	s0 =	sor.u32 s14, s0  }
0x2b: {  	[tilespmem:s0+$0x1800] =	vst v0;
	s8 =	rddreg [dreg:$0x5]  }
0x2c: {  	[spmem:s8] =	stream.linear.scatter [tilespmem:s15], [sflag:$0x3], $0x4000, $0x38;
	[tilespmem:$0x1D400] =	vst v63  }
0x2d: {  	_ =	swait.ge [sflag:s16], $0x4000  }
0x2e: {  	[sflag:s16] =	ssyncset.done $0x0  }
0x2f: {  	s9 =	rddreg [dreg:$0xa];
	[sflag:s16] =	ssyncadd.s32 $0xFFFFC000  }
0x30: {  	[spmem:s9] =	stream.linear.scatter [tilespmem:s15], [sflag:$0x3], $0x4000, $0x38;
	[tilespmem:$0x1D400] =	vst v63  }
0x31: {  	_ =	swait.ge [sflag:s16], $0x4000  }
0x32: {  	[sflag:s16] =	ssyncset.done $0x0  }
0x33: {  	s14 =	rddreg [dreg:$0xb];
	[sflag:s16] =	ssyncadd.s32 $0xFFFFC000  }
0x34: {  	[spmem:s14] =	stream.linear.scatter [tilespmem:s15], [sflag:$0x3], $0x4000, $0x38;
	[tilespmem:$0x1D400] =	vst v63  }
0x35: {  	_ =	swait.ge [sflag:s16], $0x4000  }
0x36: {  	[sflag:s16] =	ssyncset.done $0x0  }
0x37: {  	s8 =	rddreg [dreg:$0xc];
	[sflag:s16] =	ssyncadd.s32 $0xFFFFC000  }
0x38: {  	[spmem:s8] =	stream.linear.scatter [tilespmem:s15], [sflag:$0x3], $0x4000, $0x38;
	[tilespmem:$0x1D400] =	vst v63  }
0x39: {  	_ =	swait.ge [sflag:s16], $0x4000  }
0x3a: {  	[sflag:s16] =	ssyncset.done $0x0  }
0x3b: {  	s9 =	rddreg [dreg:$0x6];
	[sflag:s16] =	ssyncadd.s32 $0xFFFFC000  }
0x3c: {  	[spmem:s9] =	stream.linear.scatter [tilespmem:s15], [sflag:$0x3], $0x3C00, $0x38;
	[tilespmem:$0x1D400] =	vst v63  }
0x3d: {  	_ =	swait.ge [sflag:s16], $0x3C00  }
0x3e: {  	[sflag:s16] =	ssyncset.done $0x0  }
0x3f: {  	[sflag:s16] =	ssyncadd.s32 $0xFFFFC400  }
0x40: {  	[bflag:$0x0] =	sbarrier.arrive $0xFFFF  }
0x41: {  	s8 =	simm.s32 $0x0;
	s14 =	rddreg [dreg:$0x7]  }
0x42: {  	[tilespmem:s8], [sflag:$0x3] =	stream.linear.gather [hbm4b:s14+s8], $0x800, $0x38;
	[tilespmem:$0x1D400] =	vst v63  }
0x43: {  	_ =	swait.ge [sflag:s16], $0x800  }
0x44: {  	[sflag:s16] =	ssyncset.done $0x0  }
0x45: {  	[sflag:s16] =	ssyncadd.s32 $0xFFFFF800  }
0x46: {  	[tilespmem:s15], [sflag:$0x1] =	stream.indirect.gather [hbm4b:s4+s17], $0x80, s8, s17, $0xb8;
	[tilespmem:$0x1D400] =	vst v63  }
0x47: {  	_ = 	snop  }
0x48: {  	[tilespmem:s18], [sflag:$0x2] =	stream.indirect.gather [hbm4b:s4+s17], $0x80, s17, s17, $0xb8;
	[tilespmem:$0x1D400] =	vst v63  }
.LBB2_5:
0x49: {  	s0 =	sadd.s32 s8, s13  }
0x4a: {  	s0 =	sadd.s32 $0x100, s0  }
0x4b: {  	[tilespmem:s19], [sflag:$0x3] =	stream.linear.gather [hbm4b:s0+s3], $0x800, $0x38;
	[tilespmem:$0x1D400] =	vst v63  }
0x4c: {  	_ =	swait.ge [sflag:s16], $0x800  }
0x4d: {  	[sflag:s16] =	ssyncset.done $0x0;
	s9 =	rddreg [dreg:$0xd]  }
0x4e: {  	[sflag:s16] =	ssyncadd.s32 $0xFFFFF800;
	s9 =	sadd.s32 s8, s9  }
0x4f: {  	[tilespmem:s20], [sflag:$0x3] =	stream.linear.gather [hbm4b:s9+s3], $0x800, $0x38;
	[tilespmem:$0x1D400] =	vst v63  }
0x50: {  	_ =	swait.ge [sflag:s16], $0x800  }
0x51: {  	[sflag:s16] =	ssyncset.done $0x0  }
0x52: {  	[sflag:s16] =	ssyncadd.s32 $0xFFFFF800  }
0x53: {  	_ =	swait.ge [sflag:s21], $0x4000  }
0x54: {  	[sflag:s21] =	ssyncset.done $0x0  }
0x55: {  	[sflag:s21] =	ssyncadd.s32 $0xFFFFC000  }
0x56: {  	[spmem:s2] =	stream.indirect.scatter.add.f32 [tilespmem:s15], [sflag:$0x3], $0x80, s20, s17, $0xb8;
	[tilespmem:$0x1D400] =	vst v63  }
0x57: {  	_ =	swait.ge [sflag:s16], $0x4000  }
0x58: {  	[sflag:s16] =	ssyncset.done $0x0  }
0x59: {  	s14 =	simm.s32 $0x100;
	[sflag:s16] =	ssyncadd.s32 $0xFFFFC000  }
0x5a: {  	[tilespmem:s15], [sflag:$0x1] =	stream.indirect.gather [hbm4b:s4+s17], $0x80, s14, s17, $0xb8;
	[tilespmem:$0x1D400] =	vst v63  }
0x5b: {  	_ =	swait.ge [sflag:s23], $0x4000  }
0x5c: {  	[sflag:s23] =	ssyncset.done $0x0  }
0x5d: {  	[sflag:s23] =	ssyncadd.s32 $0xFFFFC000  }
0x5e: {  	[spmem:s2] =	stream.indirect.scatter.add.f32 [tilespmem:s18], [sflag:$0x3], $0x80, s24, s17, $0xb8;
	[tilespmem:$0x1D400] =	vst v63  }
0x5f: {  	_ =	swait.ge [sflag:s16], $0x4000  }
0x60: {  	[sflag:s16] =	ssyncset.done $0x0  }
0x61: {  	s14 =	simm.s32 $0x180;
	[sflag:s16] =	ssyncadd.s32 $0xFFFFC000  }
0x62: {  	[tilespmem:s18], [sflag:$0x2] =	stream.indirect.gather [hbm4b:s4+s17], $0x80, s14, s17, $0xb8;
	[tilespmem:$0x1D400] =	vst v63  }
0x63: {  	_ =	swait.ge [sflag:s21], $0x4000  }
0x64: {  	[sflag:s21] =	ssyncset.done $0x0  }
0x65: {  	[sflag:s21] =	ssyncadd.s32 $0xFFFFC000  }
0x66: {  	[spmem:s2] =	stream.indirect.scatter.add.f32 [tilespmem:s15], [sflag:$0x3], $0x80, s26, s17, $0xb8;
	[tilespmem:$0x1D400] =	vst v63  }
0x67: {  	_ =	swait.ge [sflag:s16], $0x4000  }
0x68: {  	[sflag:s16] =	ssyncset.done $0x0  }
0x69: {  	s14 =	simm.s32 $0x200;
	[sflag:s16] =	ssyncadd.s32 $0xFFFFC000  }
0x6a: {  	[tilespmem:s15], [sflag:$0x1] =	stream.indirect.gather [hbm4b:s4+s17], $0x80, s14, s17, $0xb8;
	[tilespmem:$0x1D400] =	vst v63  }
0x6b: {  	_ =	swait.ge [sflag:s23], $0x4000  }
0x6c: {  	[sflag:s23] =	ssyncset.done $0x0  }
0x6d: {  	[sflag:s23] =	ssyncadd.s32 $0xFFFFC000  }
0x6e: {  	[spmem:s2] =	stream.indirect.scatter.add.f32 [tilespmem:s18], [sflag:$0x3], $0x80, s29, s17, $0xb8;
	[tilespmem:$0x1D400] =	vst v63  }
0x6f: {  	_ =	swait.ge [sflag:s16], $0x4000  }
0x70: {  	[sflag:s16] =	ssyncset.done $0x0  }
0x71: {  	s14 =	simm.s32 $0x280;
	[sflag:s16] =	ssyncadd.s32 $0xFFFFC000  }
0x72: {  	[tilespmem:s18], [sflag:$0x2] =	stream.indirect.gather [hbm4b:s4+s17], $0x80, s14, s17, $0xb8;
	[tilespmem:$0x1D400] =	vst v63  }
0x73: {  	_ =	swait.ge [sflag:s21], $0x4000  }
0x74: {  	[sflag:s21] =	ssyncset.done $0x0  }
0x75: {  	[sflag:s21] =	ssyncadd.s32 $0xFFFFC000  }
0x76: {  	[spmem:s2] =	stream.indirect.scatter.add.f32 [tilespmem:s15], [sflag:$0x3], $0x80, s31, s17, $0xb8;
	[tilespmem:$0x1D400] =	vst v63  }
0x77: {  	_ =	swait.ge [sflag:s16], $0x4000  }
0x78: {  	[sflag:s16] =	ssyncset.done $0x0  }
0x79: {  	s14 =	simm.s32 $0x300;
	[sflag:s16] =	ssyncadd.s32 $0xFFFFC000  }
0x7a: {  	[tilespmem:s15], [sflag:$0x1] =	stream.indirect.gather [hbm4b:s4+s17], $0x80, s14, s17, $0xb8;
	[tilespmem:$0x1D400] =	vst v63  }
0x7b: {  	_ =	swait.ge [sflag:s23], $0x4000  }
0x7c: {  	[sflag:s23] =	ssyncset.done $0x0  }
0x7d: {  	[sflag:s23] =	ssyncadd.s32 $0xFFFFC000  }
0x7e: {  	[spmem:s2] =	stream.indirect.scatter.add.f32 [tilespmem:s18], [sflag:$0x3], $0x80, s1, s17, $0xb8;
	[tilespmem:$0x1D400] =	vst v63  }
0x7f: {  	_ =	swait.ge [sflag:s16], $0x4000  }
0x80: {  	[sflag:s16] =	ssyncset.done $0x0  }
0x81: {  	s14 =	simm.s32 $0x380;
	[sflag:s16] =	ssyncadd.s32 $0xFFFFC000  }
0x82: {  	[tilespmem:s18], [sflag:$0x2] =	stream.indirect.gather [hbm4b:s4+s17], $0x80, s14, s17, $0xb8;
	[tilespmem:$0x1D400] =	vst v63  }
0x83: {  	_ =	swait.ge [sflag:s21], $0x4000  }
0x84: {  	[sflag:s21] =	ssyncset.done $0x0  }
0x85: {  	[sflag:s21] =	ssyncadd.s32 $0xFFFFC000  }
0x86: {  	[spmem:s2] =	stream.indirect.scatter.add.f32 [tilespmem:s15], [sflag:$0x3], $0x80, s7, s17, $0xb8;
	[tilespmem:$0x1D400] =	vst v63  }
0x87: {  	_ =	swait.ge [sflag:s16], $0x4000  }
0x88: {  	[sflag:s16] =	ssyncset.done $0x0  }
0x89: {  	s14 =	simm.s32 $0x400;
	[sflag:s16] =	ssyncadd.s32 $0xFFFFC000  }
0x8a: {  	[tilespmem:s15], [sflag:$0x1] =	stream.indirect.gather [hbm4b:s4+s17], $0x80, s14, s17, $0xb8;
	[tilespmem:$0x1D400] =	vst v63  }
0x8b: {  	_ =	swait.ge [sflag:s23], $0x4000  }
0x8c: {  	[sflag:s23] =	ssyncset.done $0x0  }
0x8d: {  	[sflag:s23] =	ssyncadd.s32 $0xFFFFC000  }
0x8e: {  	[spmem:s2] =	stream.indirect.scatter.add.f32 [tilespmem:s18], [sflag:$0x3], $0x80, s10, s17, $0xb8;
	[tilespmem:$0x1D400] =	vst v63  }
0x8f: {  	_ =	swait.ge [sflag:s16], $0x4000  }
0x90: {  	[sflag:s16] =	ssyncset.done $0x0  }
0x91: {  	s14 =	simm.s32 $0x480;
	[sflag:s16] =	ssyncadd.s32 $0xFFFFC000  }
0x92: {  	[tilespmem:s18], [sflag:$0x2] =	stream.indirect.gather [hbm4b:s4+s17], $0x80, s14, s17, $0xb8;
	[tilespmem:$0x1D400] =	vst v63  }
0x93: {  	_ =	swait.ge [sflag:s21], $0x4000  }
0x94: {  	[sflag:s21] =	ssyncset.done $0x0  }
0x95: {  	[sflag:s21] =	ssyncadd.s32 $0xFFFFC000  }
0x96: {  	[spmem:s2] =	stream.indirect.scatter.add.f32 [tilespmem:s15], [sflag:$0x3], $0x80, s12, s17, $0xb8;
	[tilespmem:$0x1D400] =	vst v63  }
0x97: {  	_ =	swait.ge [sflag:s16], $0x4000  }
0x98: {  	[sflag:s16] =	ssyncset.done $0x0  }
0x99: {  	s14 =	simm.s32 $0x500;
	[sflag:s16] =	ssyncadd.s32 $0xFFFFC000  }
0x9a: {  	[tilespmem:s15], [sflag:$0x1] =	stream.indirect.gather [hbm4b:s4+s17], $0x80, s14, s17, $0xb8;
	[tilespmem:$0x1D400] =	vst v63  }
0x9b: {  	_ =	swait.ge [sflag:s23], $0x4000  }
0x9c: {  	[sflag:s23] =	ssyncset.done $0x0  }
0x9d: {  	[sflag:s23] =	ssyncadd.s32 $0xFFFFC000  }
0x9e: {  	[spmem:s2] =	stream.indirect.scatter.add.f32 [tilespmem:s18], [sflag:$0x3], $0x80, s5, s17, $0xb8;
	[tilespmem:$0x1D400] =	vst v63  }
0x9f: {  	_ =	swait.ge [sflag:s16], $0x4000  }
0xa0: {  	[sflag:s16] =	ssyncset.done $0x0  }
0xa1: {  	s14 =	simm.s32 $0x580;
	[sflag:s16] =	ssyncadd.s32 $0xFFFFC000  }
0xa2: {  	[tilespmem:s18], [sflag:$0x2] =	stream.indirect.gather [hbm4b:s4+s17], $0x80, s14, s17, $0xb8;
	[tilespmem:$0x1D400] =	vst v63  }
0xa3: {  	_ =	swait.ge [sflag:s21], $0x4000  }
0xa4: {  	[sflag:s21] =	ssyncset.done $0x0  }
0xa5: {  	[sflag:s21] =	ssyncadd.s32 $0xFFFFC000  }
0xa6: {  	[spmem:s2] =	stream.indirect.scatter.add.f32 [tilespmem:s15], [sflag:$0x3], $0x80, s25, s17, $0xb8;
	[tilespmem:$0x1D400] =	vst v63  }
0xa7: {  	_ =	swait.ge [sflag:s16], $0x4000  }
0xa8: {  	[sflag:s16] =	ssyncset.done $0x0  }
0xa9: {  	s14 =	simm.s32 $0x600;
	[sflag:s16] =	ssyncadd.s32 $0xFFFFC000  }
0xaa: {  	[tilespmem:s15], [sflag:$0x1] =	stream.indirect.gather [hbm4b:s4+s17], $0x80, s14, s17, $0xb8;
	[tilespmem:$0x1D400] =	vst v63  }
0xab: {  	_ =	swait.ge [sflag:s23], $0x4000  }
0xac: {  	[sflag:s23] =	ssyncset.done $0x0  }
0xad: {  	[sflag:s23] =	ssyncadd.s32 $0xFFFFC000  }
0xae: {  	[spmem:s2] =	stream.indirect.scatter.add.f32 [tilespmem:s18], [sflag:$0x3], $0x80, s30, s17, $0xb8;
	[tilespmem:$0x1D400] =	vst v63  }
0xaf: {  	_ =	swait.ge [sflag:s16], $0x4000  }
0xb0: {  	[sflag:s16] =	ssyncset.done $0x0  }
0xb1: {  	s14 =	simm.s32 $0x680;
	[sflag:s16] =	ssyncadd.s32 $0xFFFFC000  }
0xb2: {  	[tilespmem:s18], [sflag:$0x2] =	stream.indirect.gather [hbm4b:s4+s17], $0x80, s14, s17, $0xb8;
	[tilespmem:$0x1D400] =	vst v63  }
0xb3: {  	_ =	swait.ge [sflag:s21], $0x4000  }
0xb4: {  	[sflag:s21] =	ssyncset.done $0x0  }
0xb5: {  	[sflag:s21] =	ssyncadd.s32 $0xFFFFC000  }
0xb6: {  	[spmem:s2] =	stream.indirect.scatter.add.f32 [tilespmem:s15], [sflag:$0x3], $0x80, s6, s17, $0xb8;
	[tilespmem:$0x1D400] =	vst v63  }
0xb7: {  	_ =	swait.ge [sflag:s16], $0x4000  }
0xb8: {  	[sflag:s16] =	ssyncset.done $0x0  }
0xb9: {  	s14 =	simm.s32 $0x700;
	[sflag:s16] =	ssyncadd.s32 $0xFFFFC000  }
0xba: {  	[tilespmem:s15], [sflag:$0x1] =	stream.indirect.gather [hbm4b:s4+s17], $0x80, s14, s17, $0xb8;
	[tilespmem:$0x1D400] =	vst v63  }
0xbb: {  	_ =	swait.ge [sflag:s23], $0x4000  }
0xbc: {  	[sflag:s23] =	ssyncset.done $0x0  }
0xbd: {  	[sflag:s23] =	ssyncadd.s32 $0xFFFFC000  }
0xbe: {  	[spmem:s2] =	stream.indirect.scatter.add.f32 [tilespmem:s18], [sflag:$0x3], $0x80, s11, s17, $0xb8;
	[tilespmem:$0x1D400] =	vst v63  }
0xbf: {  	_ =	swait.ge [sflag:s16], $0x4000  }
0xc0: {  	[sflag:s16] =	ssyncset.done $0x0  }
0xc1: {  	s14 =	simm.s32 $0x780;
	[sflag:s16] =	ssyncadd.s32 $0xFFFFC000  }
0xc2: {  	[tilespmem:s18], [sflag:$0x2] =	stream.indirect.gather [hbm4b:s4+s17], $0x80, s14, s17, $0xb8;
	[tilespmem:$0x1D400] =	vst v63  }
0xc3: {  	_ =	swait.ge [sflag:s21], $0x4000  }
0xc4: {  	[sflag:s21] =	ssyncset.done $0x0  }
0xc5: {  	[sflag:s21] =	ssyncadd.s32 $0xFFFFC000  }
0xc6: {  	[spmem:s2] =	stream.indirect.scatter.add.f32 [tilespmem:s15], [sflag:$0x3], $0x80, s22, s17, $0xb8;
	[tilespmem:$0x1D400] =	vst v63  }
0xc7: {  	_ =	swait.ge [sflag:s16], $0x4000  }
0xc8: {  	[sflag:s16] =	ssyncset.done $0x0  }
0xc9: {  	[sflag:s16] =	ssyncadd.s32 $0xFFFFC000  }
0xca: {  	[tilespmem:s15], [sflag:$0x1] =	stream.indirect.gather [hbm4b:s4+s17], $0x80, s19, s17, $0xb8;
	[tilespmem:$0x1D400] =	vst v63  }
0xcb: {  	_ =	swait.ge [sflag:s23], $0x4000  }
0xcc: {  	[sflag:s23] =	ssyncset.done $0x0  }
0xcd: {  	[sflag:s23] =	ssyncadd.s32 $0xFFFFC000  }
0xce: {  	[spmem:s2] =	stream.indirect.scatter.add.f32 [tilespmem:s18], [sflag:$0x3], $0x80, s28, s17, $0xb8;
	[tilespmem:$0x1D400] =	vst v63  }
0xcf: {  	_ =	swait.ge [sflag:s16], $0x4000  }
0xd0: {  	p1 =	seq.s32 s8, $0x800;
	[sflag:s16] =	ssyncset.done $0x0  }
0xd1: {  	s0 =	sadd.s32 @!p1 s8, s13;
	s14 =	simm.s32 $0x880;
	[sflag:s16] =	ssyncadd.s32 $0xFFFFC000  }
0xd2: {  	[tilespmem:s18], [sflag:$0x2] =	stream.indirect.gather [hbm4b:s4+s17], $0x80, s14, s17, $0xb8;
	[tilespmem:$0x1D400] =	vst v63  }
0xd3: {  	s0 =	sadd.s32 @!p1 $0x200, s0;
	s14 =	simm.s32 @!p1 $0x0  }
0xd4: {  	[tilespmem:s14], [sflag:$0x3] =	stream.linear.gather @!p1 [hbm4b:s0+s14], $0x800, $0x38;
	[tilespmem:$0x1D400] =	vst v63  }
0xd5: {  	s0 =	simm.s32 @!p1 $0x3  }
0xd6: {  	_ =	swait.ge @!p1 [sflag:s0], $0x800  }
0xd7: {  	[sflag:s0] =	ssyncset.done @!p1 $0x0  }
0xd8: {  	s14 =	sadd.s32 $0x100, s9;
	[sflag:s0] =	ssyncadd.s32 @!p1 $0xFFFFF800  }
0xd9: {  	[tilespmem:s20], [sflag:$0x3] =	stream.linear.gather [hbm4b:s14+s3], $0x800, $0x38;
	[tilespmem:$0x1D400] =	vst v63  }
0xda: {  	_ =	swait.ge [sflag:s16], $0x800  }
0xdb: {  	[sflag:s16] =	ssyncset.done $0x0  }
0xdc: {  	[sflag:s16] =	ssyncadd.s32 $0xFFFFF800  }
0xdd: {  	_ =	swait.ge [sflag:s21], $0x4000  }
0xde: {  	[sflag:s21] =	ssyncset.done $0x0  }
0xdf: {  	[sflag:s21] =	ssyncadd.s32 $0xFFFFC000  }
0xe0: {  	[spmem:s2] =	stream.indirect.scatter.add.f32 [tilespmem:s15], [sflag:$0x3], $0x80, s20, s17, $0xb8;
	[tilespmem:$0x1D400] =	vst v63  }
0xe1: {  	_ =	swait.ge [sflag:s16], $0x4000  }
0xe2: {  	[sflag:s16] =	ssyncset.done $0x0  }
0xe3: {  	s9 =	simm.s32 $0x900;
	[sflag:s16] =	ssyncadd.s32 $0xFFFFC000  }
0xe4: {  	[tilespmem:s15], [sflag:$0x1] =	stream.indirect.gather [hbm4b:s4+s17], $0x80, s9, s17, $0xb8;
	[tilespmem:$0x1D400] =	vst v63  }
0xe5: {  	_ =	swait.ge [sflag:s23], $0x4000  }
0xe6: {  	[sflag:s23] =	ssyncset.done $0x0  }
0xe7: {  	[sflag:s23] =	ssyncadd.s32 $0xFFFFC000  }
0xe8: {  	[spmem:s2] =	stream.indirect.scatter.add.f32 [tilespmem:s18], [sflag:$0x3], $0x80, s24, s17, $0xb8;
	[tilespmem:$0x1D400] =	vst v63  }
0xe9: {  	_ =	swait.ge [sflag:s16], $0x4000  }
0xea: {  	[sflag:s16] =	ssyncset.done $0x0  }
0xeb: {  	s14 =	simm.s32 $0x980;
	[sflag:s16] =	ssyncadd.s32 $0xFFFFC000  }
0xec: {  	[tilespmem:s18], [sflag:$0x2] =	stream.indirect.gather [hbm4b:s4+s17], $0x80, s14, s17, $0xb8;
	[tilespmem:$0x1D400] =	vst v63  }
0xed: {  	_ =	swait.ge [sflag:s21], $0x4000  }
0xee: {  	[sflag:s21] =	ssyncset.done $0x0  }
0xef: {  	[sflag:s21] =	ssyncadd.s32 $0xFFFFC000  }
0xf0: {  	[spmem:s2] =	stream.indirect.scatter.add.f32 [tilespmem:s15], [sflag:$0x3], $0x80, s26, s17, $0xb8;
	[tilespmem:$0x1D400] =	vst v63  }
0xf1: {  	_ =	swait.ge [sflag:s16], $0x4000  }
0xf2: {  	[sflag:s16] =	ssyncset.done $0x0  }
0xf3: {  	s9 =	simm.s32 $0xA00;
	[sflag:s16] =	ssyncadd.s32 $0xFFFFC000  }
0xf4: {  	[tilespmem:s15], [sflag:$0x1] =	stream.indirect.gather [hbm4b:s4+s17], $0x80, s9, s17, $0xb8;
	[tilespmem:$0x1D400] =	vst v63  }
0xf5: {  	_ =	swait.ge [sflag:s23], $0x4000  }
0xf6: {  	[sflag:s23] =	ssyncset.done $0x0  }
0xf7: {  	[sflag:s23] =	ssyncadd.s32 $0xFFFFC000  }
0xf8: {  	[spmem:s2] =	stream.indirect.scatter.add.f32 [tilespmem:s18], [sflag:$0x3], $0x80, s29, s17, $0xb8;
	[tilespmem:$0x1D400] =	vst v63  }
0xf9: {  	_ =	swait.ge [sflag:s16], $0x4000  }
0xfa: {  	[sflag:s16] =	ssyncset.done $0x0  }
0xfb: {  	s14 =	simm.s32 $0xA80;
	[sflag:s16] =	ssyncadd.s32 $0xFFFFC000  }
0xfc: {  	[tilespmem:s18], [sflag:$0x2] =	stream.indirect.gather [hbm4b:s4+s17], $0x80, s14, s17, $0xb8;
	[tilespmem:$0x1D400] =	vst v63  }
0xfd: {  	_ =	swait.ge [sflag:s21], $0x4000  }
0xfe: {  	[sflag:s21] =	ssyncset.done $0x0  }
0xff: {  	[sflag:s21] =	ssyncadd.s32 $0xFFFFC000  }
0x100: {  	[spmem:s2] =	stream.indirect.scatter.add.f32 [tilespmem:s15], [sflag:$0x3], $0x80, s31, s17, $0xb8;
	[tilespmem:$0x1D400] =	vst v63  }
0x101: {  	_ =	swait.ge [sflag:s16], $0x4000  }
0x102: {  	[sflag:s16] =	ssyncset.done $0x0  }
0x103: {  	s9 =	simm.s32 $0xB00;
	[sflag:s16] =	ssyncadd.s32 $0xFFFFC000  }
0x104: {  	[tilespmem:s15], [sflag:$0x1] =	stream.indirect.gather [hbm4b:s4+s17], $0x80, s9, s17, $0xb8;
	[tilespmem:$0x1D400] =	vst v63  }
0x105: {  	_ =	swait.ge [sflag:s23], $0x4000  }
0x106: {  	[sflag:s23] =	ssyncset.done $0x0  }
0x107: {  	[sflag:s23] =	ssyncadd.s32 $0xFFFFC000  }
0x108: {  	[spmem:s2] =	stream.indirect.scatter.add.f32 [tilespmem:s18], [sflag:$0x3], $0x80, s1, s17, $0xb8;
	[tilespmem:$0x1D400] =	vst v63  }
0x109: {  	_ =	swait.ge [sflag:s16], $0x4000  }
0x10a: {  	[sflag:s16] =	ssyncset.done $0x0  }
0x10b: {  	s14 =	simm.s32 $0xB80;
	[sflag:s16] =	ssyncadd.s32 $0xFFFFC000  }
0x10c: {  	[tilespmem:s18], [sflag:$0x2] =	stream.indirect.gather [hbm4b:s4+s17], $0x80, s14, s17, $0xb8;
	[tilespmem:$0x1D400] =	vst v63  }
0x10d: {  	_ =	swait.ge [sflag:s21], $0x4000  }
0x10e: {  	[sflag:s21] =	ssyncset.done $0x0  }
0x10f: {  	[sflag:s21] =	ssyncadd.s32 $0xFFFFC000  }
0x110: {  	[spmem:s2] =	stream.indirect.scatter.add.f32 [tilespmem:s15], [sflag:$0x3], $0x80, s7, s17, $0xb8;
	[tilespmem:$0x1D400] =	vst v63  }
0x111: {  	_ =	swait.ge [sflag:s16], $0x4000  }
0x112: {  	[sflag:s16] =	ssyncset.done $0x0  }
0x113: {  	s9 =	simm.s32 $0xC00;
	[sflag:s16] =	ssyncadd.s32 $0xFFFFC000  }
0x114: {  	[tilespmem:s15], [sflag:$0x1] =	stream.indirect.gather [hbm4b:s4+s17], $0x80, s9, s17, $0xb8;
	[tilespmem:$0x1D400] =	vst v63  }
0x115: {  	_ =	swait.ge [sflag:s23], $0x4000  }
0x116: {  	[sflag:s23] =	ssyncset.done $0x0  }
0x117: {  	[sflag:s23] =	ssyncadd.s32 $0xFFFFC000  }
0x118: {  	[spmem:s2] =	stream.indirect.scatter.add.f32 [tilespmem:s18], [sflag:$0x3], $0x80, s10, s17, $0xb8;
	[tilespmem:$0x1D400] =	vst v63  }
0x119: {  	_ =	swait.ge [sflag:s16], $0x4000  }
0x11a: {  	[sflag:s16] =	ssyncset.done $0x0  }
0x11b: {  	s14 =	simm.s32 $0xC80;
	[sflag:s16] =	ssyncadd.s32 $0xFFFFC000  }
0x11c: {  	[tilespmem:s18], [sflag:$0x2] =	stream.indirect.gather [hbm4b:s4+s17], $0x80, s14, s17, $0xb8;
	[tilespmem:$0x1D400] =	vst v63  }
0x11d: {  	_ =	swait.ge [sflag:s21], $0x4000  }
0x11e: {  	[sflag:s21] =	ssyncset.done $0x0  }
0x11f: {  	[sflag:s21] =	ssyncadd.s32 $0xFFFFC000  }
0x120: {  	[spmem:s2] =	stream.indirect.scatter.add.f32 [tilespmem:s15], [sflag:$0x3], $0x80, s12, s17, $0xb8;
	[tilespmem:$0x1D400] =	vst v63  }
0x121: {  	_ =	swait.ge [sflag:s16], $0x4000  }
0x122: {  	[sflag:s16] =	ssyncset.done $0x0  }
0x123: {  	s9 =	simm.s32 $0xD00;
	[sflag:s16] =	ssyncadd.s32 $0xFFFFC000  }
0x124: {  	[tilespmem:s15], [sflag:$0x1] =	stream.indirect.gather [hbm4b:s4+s17], $0x80, s9, s17, $0xb8;
	[tilespmem:$0x1D400] =	vst v63  }
0x125: {  	_ =	swait.ge [sflag:s23], $0x4000  }
0x126: {  	[sflag:s23] =	ssyncset.done $0x0  }
0x127: {  	[sflag:s23] =	ssyncadd.s32 $0xFFFFC000  }
0x128: {  	[spmem:s2] =	stream.indirect.scatter.add.f32 [tilespmem:s18], [sflag:$0x3], $0x80, s5, s17, $0xb8;
	[tilespmem:$0x1D400] =	vst v63  }
0x129: {  	_ =	swait.ge [sflag:s16], $0x4000  }
0x12a: {  	[sflag:s16] =	ssyncset.done $0x0  }
0x12b: {  	s14 =	simm.s32 $0xD80;
	[sflag:s16] =	ssyncadd.s32 $0xFFFFC000  }
0x12c: {  	[tilespmem:s18], [sflag:$0x2] =	stream.indirect.gather [hbm4b:s4+s17], $0x80, s14, s17, $0xb8;
	[tilespmem:$0x1D400] =	vst v63  }
0x12d: {  	_ =	swait.ge [sflag:s21], $0x4000  }
0x12e: {  	[sflag:s21] =	ssyncset.done $0x0  }
0x12f: {  	[sflag:s21] =	ssyncadd.s32 $0xFFFFC000  }
0x130: {  	[spmem:s2] =	stream.indirect.scatter.add.f32 [tilespmem:s15], [sflag:$0x3], $0x80, s25, s17, $0xb8;
	[tilespmem:$0x1D400] =	vst v63  }
0x131: {  	_ =	swait.ge [sflag:s16], $0x4000  }
0x132: {  	[sflag:s16] =	ssyncset.done $0x0  }
0x133: {  	s9 =	simm.s32 $0xE00;
	[sflag:s16] =	ssyncadd.s32 $0xFFFFC000  }
0x134: {  	[tilespmem:s15], [sflag:$0x1] =	stream.indirect.gather [hbm4b:s4+s17], $0x80, s9, s17, $0xb8;
	[tilespmem:$0x1D400] =	vst v63  }
0x135: {  	_ =	swait.ge [sflag:s23], $0x4000  }
0x136: {  	[sflag:s23] =	ssyncset.done $0x0  }
0x137: {  	[sflag:s23] =	ssyncadd.s32 $0xFFFFC000  }
0x138: {  	[spmem:s2] =	stream.indirect.scatter.add.f32 [tilespmem:s18], [sflag:$0x3], $0x80, s30, s17, $0xb8;
	[tilespmem:$0x1D400] =	vst v63  }
0x139: {  	_ =	swait.ge [sflag:s16], $0x4000  }
0x13a: {  	[sflag:s16] =	ssyncset.done $0x0  }
0x13b: {  	s14 =	simm.s32 $0xE80;
	[sflag:s16] =	ssyncadd.s32 $0xFFFFC000  }
0x13c: {  	[tilespmem:s18], [sflag:$0x2] =	stream.indirect.gather [hbm4b:s4+s17], $0x80, s14, s17, $0xb8;
	[tilespmem:$0x1D400] =	vst v63  }
0x13d: {  	_ =	swait.ge [sflag:s21], $0x4000  }
0x13e: {  	[sflag:s21] =	ssyncset.done $0x0  }
0x13f: {  	[sflag:s21] =	ssyncadd.s32 $0xFFFFC000  }
0x140: {  	[spmem:s2] =	stream.indirect.scatter.add.f32 [tilespmem:s15], [sflag:$0x3], $0x80, s6, s17, $0xb8;
	[tilespmem:$0x1D400] =	vst v63  }
0x141: {  	_ =	swait.ge [sflag:s16], $0x4000  }
0x142: {  	[sflag:s16] =	ssyncset.done $0x0  }
0x143: {  	s9 =	simm.s32 $0xF00;
	[sflag:s16] =	ssyncadd.s32 $0xFFFFC000  }
0x144: {  	[tilespmem:s15], [sflag:$0x1] =	stream.indirect.gather [hbm4b:s4+s17], $0x80, s9, s17, $0xb8;
	[tilespmem:$0x1D400] =	vst v63  }
0x145: {  	_ =	swait.ge [sflag:s23], $0x4000  }
0x146: {  	[sflag:s23] =	ssyncset.done $0x0  }
0x147: {  	[sflag:s23] =	ssyncadd.s32 $0xFFFFC000  }
0x148: {  	[spmem:s2] =	stream.indirect.scatter.add.f32 [tilespmem:s18], [sflag:$0x3], $0x80, s11, s17, $0xb8;
	[tilespmem:$0x1D400] =	vst v63  }
0x149: {  	_ =	swait.ge [sflag:s16], $0x4000  }
0x14a: {  	[sflag:s16] =	ssyncset.done $0x0  }
0x14b: {  	s14 =	simm.s32 $0xF80;
	[sflag:s16] =	ssyncadd.s32 $0xFFFFC000  }
0x14c: {  	[tilespmem:s18], [sflag:$0x2] =	stream.indirect.gather [hbm4b:s4+s17], $0x80, s14, s17, $0xb8;
	[tilespmem:$0x1D400] =	vst v63  }
0x14d: {  	_ =	swait.ge [sflag:s21], $0x4000  }
0x14e: {  	p1 =	sne.s32 s8, $0x800;
	[sflag:s21] =	ssyncset.done $0x0  }
.Ltmp4:
0x14f: {  	[sflag:s21] =	ssyncadd.s32 $0xFFFFC000;
	(pc) =	sbr.rel @!p1 .LBB2_6-.Ltmp4, $4  }
0x150: {  	[spmem:s2] =	stream.indirect.scatter.add.f32 [tilespmem:s15], [sflag:$0x3], $0x80, s22, s17, $0xb8;
	[tilespmem:$0x1D400] =	vst v63  }
0x151: {  	_ =	swait.ge [sflag:s16], $0x4000  }
0x152: {  	[sflag:s16] =	ssyncset.done $0x0  }
0x153: {  	[sflag:s16] =	ssyncadd.s32 $0xFFFFC000  }
0x154: {  	[tilespmem:s15], [sflag:$0x1] =	stream.indirect.gather [hbm4b:s4+s17], $0x80, s3, s17, $0xb8;
	[tilespmem:$0x1D400] =	vst v63  }
0x155: {  	_ =	swait.ge [sflag:s23], $0x4000  }
0x156: {  	s8 =	sadd.s32 $0x200, s8;
	[sflag:s23] =	ssyncset.done $0x0  }
0x157: {  	p1 =	seq.s32 s8, $0xA00;
	[sflag:s23] =	ssyncadd.s32 $0xFFFFC000  }
0x158: {  	[spmem:s2] =	stream.indirect.scatter.add.f32 [tilespmem:s18], [sflag:$0x3], $0x80, s28, s17, $0xb8;
	[tilespmem:$0x1D400] =	vst v63  }
.Ltmp5:
0x159: {  	_ = 	snop;
	(pc) =	sbr.rel @!p1 .LBB2_5-.Ltmp5, $4  }
.Ltmp6:
0x15a: {  	_ =	swait.ge [sflag:s16], $0x4000;
	(pc) =	sbr.rel @p1 .LBB2_9-.Ltmp6, $4  }
0x15b: {  	[sflag:s16] =	ssyncset.done $0x0  }
0x15c: {  	[sflag:s16] =	ssyncadd.s32 $0xFFFFC000  }
0x15d: {  	[tilespmem:s18], [sflag:$0x2] =	stream.indirect.gather [hbm4b:s4+s17], $0x80, s17, s17, $0xb8;
	[tilespmem:$0x1D400] =	vst v63  }
0x15e: {  	_ = 	snop  }
.LBB2_6:
0x15f: {  	_ =	swait.ge [sflag:s23], $0x4000  }
0x160: {  	[sflag:s23] =	ssyncset.done $0x0  }
0x161: {  	[sflag:s23] =	ssyncadd.s32 $0xFFFFC000  }
0x162: {  	[spmem:s2] =	stream.indirect.scatter.add.f32 [tilespmem:s18], [sflag:$0x3], $0x80, s28, s17, $0xb8;
	[tilespmem:$0x1D400] =	vst v63  }
0x163: {  	_ =	swait.ge [sflag:s16], $0x4000  }
0x164: {  	[sflag:s16] =	ssyncset.done $0x0  }
0x165: {  	[sflag:s16] =	ssyncadd.s32 $0xFFFFC000  }
.LBB2_9:
0x166: {  	[bflag:$0x0] =	sbarrier.arrive $0xFFFF  }
0x167: {  	s0 =	stileid.u32;
	s8 =	rddreg [dreg:$0x5]  }
0x168: {  	s0 =	sshll.u32 s0, $0x6;
	s9 =	rddreg [dreg:$0x8]  }
.Ltmp7:
0x169: {  	s0 =	sor.u32 $0x1C03, s0;
	s8 =	sshrl.u32 s8, $0x3;
	(pc) =	sbr.rel .LBB2_10-.Ltmp7, $4  }
0x16a: {  	[hbm:s9], [sflag:s0] =	dma.local [spmem:s8], $0x2780  }
0x16b: {  	_ =	swait.ge [sflag:s16], $0x2780  }
0x16c: {  	[sflag:s16] =	ssyncset.done $0x0;
	s8 =	rddreg [dreg:$0x9]  }
0x16d: {  	s0 =	rddreg [dreg:$0xe];
	[sflag:s16] =	ssyncadd.s32 $0xFFFFD880  }
.LBB2_11:
0x16e: {  	_ =	sfence.sel $0x180000  }
0x16f: {  	[bflag:$0x0] =	sbarrier.arrive $0xFFFF  }
0x170: {  	_ =	strace $0x9000004D  }
0x171: {  	s0 =	stileid.u32;
	[bflag:$0x2] =	sbarrier.arrive $0xFFFF  }
0x172: {  	p0 =	sne.s32 s0, $0x0;
	s0 =	rddreg [dreg:$0x4]  }
0x173: {  	s0 =	sadd.s32 @!p0 $0x100000, s0  }
0x174: {  	[sflag:s0] =	ssyncadd.tile.s32 @!p0 $0x1;
	_ =	shalt  }
.Lfunc_end2:
_tile_overlayer_lowered:
.L_overlay_start_2:
0x175: {  	(tag) =	ssettag $0x2  }
0x176: {  	s0 =	rddreg [dreg:$0x0];
	s2 =	stileid.u32  }
0x177: {  	s1 =	rddreg [dreg:$0x1];
	p0 =	sne.s32 s2, $0x0  }
0x178: {  	s3 =	rddreg [dreg:$0x2];
	[bflag:$0x3] =	sbarrier.arrive $0xFFFF;
	s2 =	simm.s32 @!p0 $0x1C03  }
0x179: {  	[timem:s3], [sflag:s2] =	dma.local @!p0 [hbm:s0], s1  }
0x17a: {  	s0 =	simm.s32 @!p0 $0x3  }
0x17b: {  	_ =	swait.ge @!p0 [sflag:s0], s1  }
0x17c: {  	s1 =	ssub.s32 @!p0 $0x0, s1;
	[sflag:s0] =	ssyncset.done @!p0 $0x0  }
0x17d: {  	[sflag:s0] =	ssyncadd.s32 @!p0 s1  }
0x17e: {  	[bflag:$0x3] =	sbarrier.arrive $0xFFFF  }
0x17f: {  	_ =	shalt  }

// kernel: kernel.7.cloned.1.call-start
scs
__scs_entry_jumppad:
0x0: {  	(pc) =	sbr.rel $0x88, $3  }
0x1: {  	(tag) =	ssettag $0x0;
	lr =	simm.s32 $0x1  }
0x2: {  	[smem:$0x3F9C] =	sst lr;
	_ =	strace $0xD0000000  }
0x3: {  	_ = 	snop  }
0x4: {  	_ = 	snop  }
0x5: {  	_ = 	snop  }
0x6: {  	_ = 	snop  }
0x7: {  	_ = 	snop  }
__scs_overlays_trampoline_lowered:
0x8: {  	[smem:$0x3FAB] =	sst s0  }
0x9: {  	[smem:$0x3FAC] =	sst s1  }
0xa: {  	[smem:$0x3FAD] =	sst s2  }
0xb: {  	[smem:$0x3FAE] =	sst s3  }
0xc: {  	[smem:$0x3FAF] =	sst s4  }
0xd: {  	[smem:$0x3FB0] =	sst s5  }
0xe: {  	[smem:$0x3FB1] =	sst s6  }
0xf: {  	[smem:$0x3FB2] =	sst s7  }
0x10: {  	[smem:$0x3FB3] =	sst s8  }
0x11: {  	[smem:$0x3FB4] =	sst s9;
	s0 =	simm.s32 @!p0 $0x0  }
0x12: {  	s1 =	sld [smem:$0x3F9A];
	s0 =	simm.s32 @p0 $0x1  }
0x13: {  	[smem:$0x3FB5] =	sst s0;
	s0 =	simm.s32 @!p1 $0x0  }
0x14: {  	s2 =	sld [smem:$0x3F99];
	s0 =	simm.s32 @p1 $0x1  }
0x15: {  	[smem:$0x3FB6] =	sst s0;
	s0 =	simm.s32 @!p2 $0x0  }
0x16: {  	s3 =	sld [smem:$0x3FDB];
	s0 =	simm.s32 @p2 $0x1  }
0x17: {  	s4 =	simm.s32 $0x1BF5;
	[smem:$0x3FB8] =	sst s0  }
0x18: {  	s0 =	sld [smem:$0x3F9B];
	_ =	swait.ge [sflag:s4], $0x0  }
0x19: {  	s7 =	sld [smem:$0x3F9C]  }
0x1a: {  	s8 =	sadd.s32 $0xFFFFE003, lr  }
0x1b: {  	s9 =	sadd.s32 $0xFFFFFEF7, lr;
	s5 =	simm.s32 $0xFFFFFFFF;
	p2 =	slt.u32 s8, $0xFFFFF086  }
0x1c: {  	p1 =	slt.u32 s9, $0xF7A;
	s5 =	simm.s32 @!p2 $0x0  }
0x1d: {  	s5 =	simm.s32 @p1 $0x1;
	p0 =	seq.s32 s7, s2  }
0x1e: {  	s7 =	smul.u32 @!p0 $0xF7A, s2;
	p2 =	seq.s32 @!p0 s5, $0x0  }
0x1f: {  	s9 =	smul.u32 $0xF7A, s1;
	s8 =	simm.s32 @!p0 $0x1BF5;
	p2 =	por !p2, p0  }
0x20: {  	[sflag:s8] =	ssyncset.s32 @!p0 $0xFFFFF086;
	s6 =	sadd.s32 @!p0 s3, s7;
	s7 =	simm.s32 @!p0 $0x108  }
0x21: {  	s3 =	sadd.s32 s3, s9;
	s6 =	sadd.s32 @!p0 $0x88, s6;
	s7 =	simm.s32 @p2 $0x1082  }
0x22: {  	[simem:s7], [sflag:s8] =	dma.local @!p0 [hbm:s6], $0xF7A  }
0x23: {  	s9 =	sor.u32 $0xD0000000, s2;
	s6 =	simm.s32 $0x108;
	_ =	swait.ge @!p0 [sflag:s8], $0x0  }
0x24: {  	s3 =	sadd.s32 $0x88, s3;
	s6 =	simm.s32 @!p1 $0x1082;
	[sflag:s4] =	ssyncset.s32 $0xFFFFF086  }
0x25: {  	[simem:s6], [sflag:s4] =	dma.local [hbm:s3], $0xF7A  }
0x26: {  	[smem:$0x3F9C] =	sst s1;
	(tag) =	ssettag s2;
	_ =	strace s9  }
0x27: {  	s1 =	sld [smem:$0x3FAC]  }
0x28: {  	s2 =	sld [smem:$0x3FAD]  }
0x29: {  	s4 =	sld [smem:$0x3FAF]  }
0x2a: {  	p0 =	seq.s32 s5, $0x0;
	s5 =	sld [smem:$0x3FB0]  }
0x2b: {  	s6 =	sld [smem:$0x3FB1]  }
0x2c: {  	s7 =	sld [smem:$0x3FB2]  }
0x2d: {  	s3 =	simm.s32 $0x108;
	s8 =	sld [smem:$0x3FB3]  }
0x2e: {  	s3 =	simm.s32 @!p0 $0x1082;
	s9 =	sld [smem:$0x3FB4]  }
0x2f: {  	lr =	sadd.s32 s0, s3;
	s0 =	sld [smem:$0x3FAB]  }
0x30: {  	s3 =	sld [smem:$0x3FAE]  }
0x31: {  	[smem:$0x3FB7] =	sst s10  }
0x32: {  	s10 =	sld [smem:$0x3FB5];
	_ =	sdelay $0x3  }
0x33: {  	p0 =	seq.s32 s10, $0x1;
	s10 =	sld [smem:$0x3FB7];
	_ =	sdelay $0x3  }
0x34: {  	[smem:$0x3FB7] =	sst s10  }
0x35: {  	s10 =	sld [smem:$0x3FB6];
	_ =	sdelay $0x3  }
0x36: {  	p1 =	seq.s32 s10, $0x1;
	s10 =	sld [smem:$0x3FB7];
	_ =	sdelay $0x3  }
0x37: {  	[smem:$0x3FB7] =	sst s10  }
0x38: {  	s10 =	sld [smem:$0x3FB8]  }
0x39: {  	_ = 	snop;
	(pc) =	sbr.ind lr, $3  }
0x3a: {  	_ = 	snop  }
0x3b: {  	_ = 	snop  }
0x3c: {  	p2 =	seq.s32 s10, $0x1;
	s10 =	sld [smem:$0x3FB7]  }
0x3d: {  	_ =	shalt  }
0x3e: {  	_ =	shalt  }
0x3f: {  	_ =	shalt  }
0x40: {  	_ =	shalt  }
0x41: {  	_ =	shalt  }
0x42: {  	_ =	shalt  }
0x43: {  	_ =	shalt  }
0x44: {  	_ =	shalt  }
0x45: {  	_ =	shalt  }
0x46: {  	_ =	shalt  }
0x47: {  	_ =	shalt  }
0x48: {  	_ =	shalt  }
0x49: {  	_ =	shalt  }
0x4a: {  	_ =	shalt  }
0x4b: {  	_ =	shalt  }
0x4c: {  	_ =	shalt  }
0x4d: {  	_ =	shalt  }
0x4e: {  	_ =	shalt  }
0x4f: {  	_ =	shalt  }
0x50: {  	_ =	shalt  }
0x51: {  	_ =	shalt  }
0x52: {  	_ =	shalt  }
0x53: {  	_ =	shalt  }
0x54: {  	_ =	shalt  }
0x55: {  	_ =	shalt  }
0x56: {  	_ =	shalt  }
0x57: {  	_ =	shalt  }
0x58: {  	_ =	shalt  }
0x59: {  	_ =	shalt  }
0x5a: {  	_ =	shalt  }
0x5b: {  	_ =	shalt  }
0x5c: {  	_ =	shalt  }
0x5d: {  	_ =	shalt  }
0x5e: {  	_ =	shalt  }
0x5f: {  	_ =	shalt  }
0x60: {  	_ =	shalt  }
0x61: {  	_ =	shalt  }
0x62: {  	_ =	shalt  }
0x63: {  	_ =	shalt  }
0x64: {  	_ =	shalt  }
0x65: {  	_ =	shalt  }
0x66: {  	_ =	shalt  }
0x67: {  	_ =	shalt  }
0x68: {  	_ =	shalt  }
0x69: {  	_ =	shalt  }
0x6a: {  	_ =	shalt  }
0x6b: {  	_ =	shalt  }
0x6c: {  	_ =	shalt  }
0x6d: {  	_ =	shalt  }
0x6e: {  	_ =	shalt  }
0x6f: {  	_ =	shalt  }
0x70: {  	_ =	shalt  }
0x71: {  	_ =	shalt  }
0x72: {  	_ =	shalt  }
0x73: {  	_ =	shalt  }
0x74: {  	_ =	shalt  }
0x75: {  	_ =	shalt  }
0x76: {  	_ =	shalt  }
0x77: {  	_ =	shalt  }
0x78: {  	_ =	shalt  }
0x79: {  	_ =	shalt  }
0x7a: {  	_ =	shalt  }
0x7b: {  	_ =	shalt  }
0x7c: {  	_ =	shalt  }
0x7d: {  	_ =	shalt  }
0x7e: {  	_ =	shalt  }
0x7f: {  	_ =	shalt  }
0x80: {  	_ =	shalt  }
0x81: {  	_ =	shalt  }
0x82: {  	_ =	shalt  }
0x83: {  	_ =	shalt  }
0x84: {  	_ =	shalt  }
0x85: {  	_ =	shalt  }
0x86: {  	_ =	shalt  }
0x87: {  	_ =	shalt  }
.Lfunc_end0:
.L_simem_size_0:
called_computation_lowered:
.L_overlay_start_0:
0x88: {  	s2 =	sld [smem:$0x3FD9]  }
0x89: {  	s3 =	sld [smem:$0x3FFE];
	_ =	sdelay $0x1  }
0x8a: {  	s1 =	srdreg.scid  }
0x8b: {  	s0 =	sand.u32 $0x1, s1  }
0x8c: {  	s15 =	sshll.u32 s0, $0xA;
	s2 =	sadd.s32 s3, s2  }
0x8d: {  	s2 =	sadd.s32 s2, s15  }
0x8e: {  	[smem:$0x3FC3] =	sst s2  }
0x8f: {  	_ = 	snop  }
0x90: {  	s2 =	sld [smem:$0x3FD0];
	_ =	sdelay $0x2  }
0x91: {  	s16 =	simm.s32 $0xA;
	s4 =	simm.s32 $0x10  }
0x92: {  	[smem:s4], [sflag:s16] =	dma.local [hbm:s2], $0x1  }
0x93: {  	_ =	swait.eq [sflag:s16], $0x1  }
0x94: {  	[sflag:s16] =	ssyncset.done $0x0  }
0x95: {  	s17 =	sld [smem:$0x11];
	[sflag:s16] =	ssyncadd.s32 $0xFFFFFFFF  }
0x96: {  	s18 =	sld [smem:$0x13];
	(tm) =	ssettm $0x1  }
0x97: {  	s19 =	sld [smem:$0x3FFB];
	_ =	sdelay $0x3  }
0x98: {  	_ =	strace s19  }
0x99: {  	s4 =	sld [smem:$0x3FFC];
	_ =	sdelay $0x3  }
0x9a: {  	_ =	strace s4  }
0x9b: {  	s4 =	sld [smem:$0x3FFD];
	_ =	sdelay $0x3  }
0x9c: {  	_ =	strace s4  }
0x9d: {  	_ =	strace $0x8FFFFFFF  }
0x9e: {  	s20 =	sld [smem:$0x3FDB];
	_ =	sdelay $0x1  }
0x9f: {  	s5 =	simm.s32 $_scs_section_size  }
0xa0: {  	s6 =	simm.s32 $_size__tile_overlayer_lowered;
	s7 =	simm.s32 $_tile_overlayer_lowered  }
0xa1: {  	s23 =	simm.s32 $0x1BFF;
	s22 =	sshll.u32 s7, $0x1;
	s4 =	sadd.s32 s5, s20  }
0xa2: {  	s8 =	simm.s32 $0x0;
	s21 =	sshll.u32 s6, $0x1;
	s6 =	sadd.s32 s22, s4  }
0xa3: {  	[timem:s8], [sflag:s23] =	dma.local [hbm:s6], s21  }
0xa4: {  	_ =	swait.ge [sflag:s23], s21  }
0xa5: {  	s5 =	ssub.s32 $0x0, s21;
	[sflag:s23] =	ssyncset.done $0x0  }
0xa6: {  	[sflag:s23] =	ssyncadd.s32 s5;
	_ =	sdelay $0x1  }
0xa7: {  	s24 =	simm.s32 $0x1B8B  }
0xa8: {  	_ =	swait.ge [sflag:s24], $0x1  }
0xa9: {  	[sflag:s24] =	ssyncset.done $0x0  }
0xaa: {  	s25 =	simm.s32 $0x1B8E;
	[sflag:s24] =	ssyncadd.s32 $0xFFFFFFFF  }
0xab: {  	s26 =	simm.s32 $execute0_lowered;
	[smem:$0x3FD2] =	sst s25  }
0xac: {  	s5 =	sshll.u32 s26, $0x1;
	_ =	strace $0x80000046;
	[dreg:$0x1] =	wrdreg $0xFFFFFFFF  }
0xad: {  	s28 =	simm.s32 $_size_execute0_lowered;
	s4 =	sadd.s32 s4, s5;
	[dreg:$0x0] =	wrdreg $0x0  }
0xae: {  	s5 =	sshll.u32 s28, $0x1;
	[dreg:$0x2] =	wrdreg s4  }
0xaf: {  	[dreg:$0x3] =	wrdreg s5  }
0xb0: {  	[dreg:$0x4] =	wrdreg $0xC0  }
0xb1: {  	_ =	task [dreg:s8], $0x5FFFF  }
0xb2: {  	[dreg:$0x1] =	wrdreg $0xFFFFFFFF  }
0xb3: {  	[dreg:$0x0] =	wrdreg $0x60  }
0xb4: {  	[dreg:$0x2] =	wrdreg s17  }
0xb5: {  	[dreg:$0x3] =	wrdreg s18  }
0xb6: {  	[dreg:$0x4] =	wrdreg $0x9  }
0xb7: {  	_ =	task.clear_ibuf [dreg:s8], $0x5FFFF;
	_ =	strace $0x90000046  }
0xb8: {  	s29 =	simm.s32 $0x9;
	_ =	strace $0x80000048  }
0xb9: {  	_ =	swait.ge [sflag:s29], $0x1  }
0xba: {  	[sflag:s29] =	ssyncadd.s32 $0xFFFFFFFF  }
0xbb: {  	_ =	strace $0x90000048  }
0xbc: {  	_ =	sfence  }
0xbd: {  	s30 =	sld [smem:$0x0];
	_ =	sdelay $0x2  }
0xbe: {  	s31 =	sshll.u32 s1, $0xD;
	s1 =	sshrl.u32 s1, $0x2  }
0xbf: {  	s3 =	sand.u32 $0x4000, s31;
	s1 =	sadd.s32 s1, s30  }
0xc0: {  	s0 =	sor.u32 s3, s0;
	s1 =	sshll.u32 s1, $0x11  }
0xc1: {  	s0 =	sor.u32 s1, s0  }
0xc2: {  	s0 =	sadd.s32 $0x8F2B, s0  }
0xc3: {  	[sflag:s0] =	ssyncadd.remote.s32 $0x1  }
0xc4: {  	_ =	sfence.sel $0xFFFF  }
0xc5: {  	[dreg:$0x0] =	wrdreg $0xFFFFFFFF;
	(pc) =	sbr.abs _section_cstart, $3  }
0xc6: {  	[dreg:$0x1] =	wrdreg $0xFFFFFFFF  }
0xc7: {  	_ =	task.clear_ibuf [dreg:s8], $0x2FFFF;
	_ =	strace $0x9FFFFFFF  }
0xc8: {  	(tm) =	ssettm $0x7FFFFFFF  }
0xc9: {  	_ =	shalt  }
tec
execute0_lowered:
.L_overlay_start_1:
0x0: {  	(tag) =	ssettag $0x1  }
0x1: {  	s1 =	srdreg.scid  }
0x2: {  	s0 =	stileid.u32;
	s3 =	sand.u32 $0x1, s1  }
0x3: {  	s4 =	rddreg [dreg:$0x0];
	s5 =	sshrl.u32 s0, $0x3;
	s6 =	smul.u32 $0x28000, s3  }
0x4: {  	s7 =	rddreg [dreg:$0x1];
	s8 =	smul.u32 $0x14000, s5  }
0x5: {  	s2 =	simm.s32 $0x0;
	s1 =	rddreg [dreg:$0x2];
	s9 =	smul.u32 $0x27800, s3  }
0x6: {  	[smem:$0x7FF] =	sst s2;
	s10 =	sshll.u32 s0, $0x7;
	s5 =	smul.u32 $0x13C00, s5  }
0x7: {  	_ =	strace $0x80000047;
	s10 =	sand.u32 $0x380, s10;
	s3 =	ssub.s32 $0x2, s3  }
0x8: {  	s30 =	sshrl.u32 s3, $0x1;
	s6 =	sadd.s32 s6, s8;
	s5 =	sadd.s32 s9, s5  }
0x9: {  	s8 =	ssub.s32 s3, s30;
	s6 =	sor.u32 s10, s6;
	s5 =	sor.u32 s10, s5  }
0xa: {  	s9 =	simm.s32 $0x2800;
	s6 =	sshrl.u32 s6, $0x3;
	s31 =	sshrl.u32 s5, $0x3  }
0xb: {  	s5 =	smax.u32 s8, $0x1;
	s8 =	simm.s32 $0x1;
	s3 =	sadd.s32 s4, s6  }
0xc: {  	v0 =	vimm.f32 $0.0e+00;
	v1 =	vimm.f32 $1.000000000e+00;
	s4 =	sadd.s32 s7, s31;
	s6 =	simm.s32 $0x80;
	s7 =	simm.s32 $0x400  }
.LBB2_1:
0xd: {  	s10 =	simm.s32 $0x40;
	s11 =	simm.s32 $0x0  }
.LBB2_2:
0xe: {  	p0 =	sne.s32 s10, $0x9DC0;
	[tilespmem:s11+$0x2800] =	vst v0;
	s11 =	smov.u32 s10;
	s10 =	sadd.s32 $0x40, s10  }
.Ltmp0:
0xf: {  	(pc) =	sbr.rel @p0 .LBB2_2-.Ltmp0, $2  }
0x10: {  	_ =	sdelay $0x2  }
0x11: {  	s11 =	sshra.s32 s11, $0x2  }
0x12: {  	[tilespmem:s11+$0x2800] =	vst v0;
	s10 =	simm.s32 $0x0  }
0x13: {  	[tilespmem:s10], [sflag:$0x1] =	stream.strided.gather [hbm4b:s3+s6], $0x2800, s7, s6, $0x38;
	[tilespmem:$0x4F80] =	vst v63  }
0x14: {  	_ =	swait.ge [sflag:s8], $0x2800  }
0x15: {  	[sflag:s8] =	ssyncset.done $0x0  }
0x16: {  	s11 =	simm.s32 $0x0;
	s10 =	simm.s32 $0x40;
	[sflag:s8] =	ssyncadd.s32 $0xFFFFD800  }
.LBB2_4:
0x17: {  	p0 =	sne.s32 s10, $0x9FC0;
	v2 =	vld [tilespmem:s11+$0x0];
	_ =	sdelay $0x3  }
.Ltmp1:
0x18: {  	(pc) =	sbr.rel @p0 .LBB2_4-.Ltmp1, $2  }
0x19: {  	_ =	sdelay $0x2  }
0x1a: {  	s11 =	sshra.s32 s10, $0x2;
	s10 =	sadd.s32 $0x40, s10;
	[tilespmem:v2+s9+$0x0] =	vst.idx.add.f32.msk $0xffff, v1  }
0x1b: {  	v2 =	vld [tilespmem:s11+$0x0];
	_ =	sdelay $0x5  }
0x1c: {  	s2 =	sadd.s32 $0x1, s2  }
0x1d: {  	p0 =	sne.s32 s2, s5  }
.Ltmp2:
0x1e: {  	[tilespmem:v2+s9+$0x0] =	vst.idx.add.f32.msk $0xffff, v1;
	(pc) =	sbr.rel @p0 .LBB2_1-.Ltmp2, $4  }
0x1f: {  	[hbm4b:s4+s6] =	stream.strided.scatter [tilespmem:s9], [sflag:$0x1], $0x2780, s7, s6, $0x38;
	[tilespmem:$0x4F80] =	vst v63  }
0x20: {  	_ =	swait.ge [sflag:s8], $0x2780  }
0x21: {  	[sflag:s8] =	ssyncset.done $0x0  }
0x22: {  	[sflag:s8] =	ssyncadd.s32 $0xFFFFD880  }
0x23: {  	_ =	sfence.sel $0x180000  }
0x24: {  	[bflag:$0x0] =	sbarrier.arrive $0xFFFF  }
0x25: {  	p0 =	sne.s32 s0, $0x0;
	_ =	strace $0x90000047  }
0x26: {  	s0 =	sadd.s32 @!p0 $0x100000, s1;
	[bflag:$0x2] =	sbarrier.arrive $0xFFFF  }
0x27: {  	[sflag:s0] =	ssyncadd.tile.s32 @!p0 $0x1;
	_ =	shalt  }
.Lfunc_end2:
_tile_overlayer_lowered:
.L_overlay_start_2:
0x28: {  	(tag) =	ssettag $0x2  }
0x29: {  	s0 =	rddreg [dreg:$0x0];
	s2 =	stileid.u32  }
0x2a: {  	s1 =	rddreg [dreg:$0x1];
	p0 =	sne.s32 s2, $0x0  }
0x2b: {  	s3 =	rddreg [dreg:$0x2];
	[bflag:$0x3] =	sbarrier.arrive $0xFFFF;
	s2 =	simm.s32 @!p0 $0x1C01  }
0x2c: {  	[timem:s3], [sflag:s2] =	dma.local @!p0 [hbm:s0], s1  }
0x2d: {  	s0 =	simm.s32 @!p0 $0x1  }
0x2e: {  	_ =	swait.ge @!p0 [sflag:s0], s1  }
0x2f: {  	s1 =	ssub.s32 @!p0 $0x0, s1;
	[sflag:s0] =	ssyncset.done @!p0 $0x0  }
0x30: {  	[sflag:s0] =	ssyncadd.s32 @!p0 s1  }
0x31: {  	[bflag:$0x3] =	sbarrier.arrive $0xFFFF  }
0x32: {  	_ =	shalt  }

</sc_bundles>
